<compile_context>
chip_gen: v7x
topology: tpu7x:2x2x1
jax: 0.10.2.dev20260603
libtpu: 0.0.44.dev20260713+nightly
codegen_flags: <defaults>
</compile_context>

<pallas_src>
import functools

import jax
import jax.numpy as jnp
from jax import lax
from jax.experimental import pallas as pl
from jax.experimental.pallas import tpu as pltpu
from jax.experimental.pallas import tpu_sc as plsc

N = 10000
E = 320000
D = 128
G = 256

NC = 2
NS = 16
NW = NC * NS

CHUNK = 128
NCHUNKS = 2560
E_PAD = NCHUNKS * CHUNK
CPW0 = 144
CPW1 = 16
N_PAD = 10240
ACC_ROWS = 10112
ROWS_PER_TILE = ACC_ROWS // NS

BN = 1024
NB = N_PAD // BN


NBUF = 2


def _sc_agg_body(h_hbm, idx_hbm, zeros_hbm, out_hbm,
                 idx_v, src_u, dst_u, rows, acc, gs, ss):
    cc = lax.axis_index("c")
    s = lax.axis_index("s")

    r0 = s * ROWS_PER_TILE
    pltpu.sync_copy(zeros_hbm.at[pl.ds(r0, ROWS_PER_TILE)],
                    acc.at[pl.ds(r0, ROWS_PER_TILE)])

    @pl.when(cc == 0)
    def _():
        base = s * CPW0
        pltpu.sync_copy(idx_hbm.at[pl.ds(base, CPW0)], idx_v)

    @pl.when(cc == 1)
    def _():
        base = NS * CPW0 + s * CPW1
        pltpu.sync_copy(idx_hbm.at[pl.ds(base, CPW1)],
                        idx_v.at[pl.ds(0, CPW1)])

    plsc.subcore_barrier()

    def step(c):
        for q in range(CHUNK // 16):
            v = idx_v[c, pl.ds(q * 16, 16)]
            src_u[0, pl.ds(q * 16, 16)] = v & 0xFFFF
            dst_u[0, pl.ds(q * 16, 16)] = lax.shift_right_logical(v, 16)
        pltpu.async_copy(h_hbm.at[src_u.at[0]], rows.at[0], gs.at[0])
        pltpu.make_async_copy(h_hbm.at[src_u.at[0]], rows.at[0],
                              gs.at[0]).wait()
        pltpu.async_copy(rows.at[0], acc.at[dst_u.at[0]], ss.at[0], add=True)
        pltpu.make_async_copy(rows.at[0], acc.at[dst_u.at[0]],
                              ss.at[0]).wait()

    @pl.when(cc == 0)
    def _():
        @pl.loop(0, CPW0, step=1)
        def _(c):
            step(c)

    @pl.when(cc == 1)
    def _():
        @pl.loop(0, CPW1, step=1)
        def _(c):
            step(c)

    plsc.subcore_barrier()

    pltpu.sync_copy(acc.at[pl.ds(r0, ROWS_PER_TILE)],
                    out_hbm.at[cc, pl.ds(r0, ROWS_PER_TILE)])


_sc_agg = functools.partial(
    pl.kernel,
    out_type=jax.ShapeDtypeStruct((NC, N_PAD, D), jnp.float32),
    mesh=plsc.VectorSubcoreMesh(core_axis_name="c", subcore_axis_name="s"),
    scratch_types=[
        pltpu.VMEM((CPW0, CHUNK), jnp.int32),
        pltpu.VMEM((1, CHUNK), jnp.int32),
        pltpu.VMEM((1, CHUNK), jnp.int32),
        pltpu.VMEM((1, CHUNK, D), jnp.float32),
        pltpu.VMEM_SHARED((ACC_ROWS, D), jnp.float32),
        pltpu.SemaphoreType.DMA((1,)),
        pltpu.SemaphoreType.DMA((1,)),
    ],
)(_sc_agg_body)


def _dense_body(p_ref, h_ref, w_ref, r_ref, b_ref, rb_ref, o_ref):
    agg = p_ref[0] + p_ref[1]
    conv = jnp.maximum(
        jnp.dot(agg, w_ref[...], preferred_element_type=jnp.float32,
                precision=lax.Precision.HIGHEST)
        + b_ref[...], 0.0)
    res = jnp.maximum(
        jnp.dot(h_ref[...], r_ref[...], preferred_element_type=jnp.float32,
                precision=lax.Precision.HIGHEST)
        + rb_ref[...], 0.0)
    o_ref[...] = conv + res


_dense = pl.pallas_call(
    _dense_body,
    grid=(NB,),
    in_specs=[
        pl.BlockSpec((2, BN, D), lambda i: (0, i, 0)),
        pl.BlockSpec((BN, D), lambda i: (i, 0)),
        pl.BlockSpec((D, D), lambda i: (0, 0)),
        pl.BlockSpec((D, D), lambda i: (0, 0)),
        pl.BlockSpec((1, D), lambda i: (0, 0)),
        pl.BlockSpec((1, D), lambda i: (0, 0)),
    ],
    out_specs=pl.BlockSpec((BN, D), lambda i: (i, 0)),
    out_shape=jax.ShapeDtypeStruct((N_PAD, D), jnp.float32),
)


def _dense_pool_body(p_ref, h_ref, w_ref, r_ref, b_ref, rb_ref, n2g_ref,
                     o_ref, g_ref):
    agg = p_ref[0] + p_ref[1]
    conv = jnp.maximum(
        jnp.dot(agg, w_ref[...], preferred_element_type=jnp.float32,
                precision=lax.Precision.HIGHEST)
        + b_ref[...], 0.0)
    res = jnp.maximum(
        jnp.dot(h_ref[...], r_ref[...], preferred_element_type=jnp.float32,
                precision=lax.Precision.HIGHEST)
        + rb_ref[...], 0.0)
    hn = conv + res
    o_ref[...] = hn

    n2g = n2g_ref[0, 0]
    hn = jnp.where(n2g[:, None] < G, hn, 0.0)
    onehot = (n2g[:, None]
              == lax.broadcasted_iota(jnp.int32, (BN, G), 1)).astype(jnp.float32)
    gpart = lax.dot_general(onehot, hn, (((0,), (0,)), ((), ())),
                            preferred_element_type=jnp.float32,
                precision=lax.Precision.HIGHEST)

    @pl.when(pl.program_id(0) == 0)
    def _():
        g_ref[...] = jnp.zeros_like(g_ref)

    g_ref[...] += gpart


_dense_pool = pl.pallas_call(
    _dense_pool_body,
    grid=(NB,),
    in_specs=[
        pl.BlockSpec((2, BN, D), lambda i: (0, i, 0)),
        pl.BlockSpec((BN, D), lambda i: (i, 0)),
        pl.BlockSpec((D, D), lambda i: (0, 0)),
        pl.BlockSpec((D, D), lambda i: (0, 0)),
        pl.BlockSpec((1, D), lambda i: (0, 0)),
        pl.BlockSpec((1, D), lambda i: (0, 0)),
        pl.BlockSpec((1, 1, BN), lambda i: (i, 0, 0)),
    ],
    out_specs=[
        pl.BlockSpec((BN, D), lambda i: (i, 0)),
        pl.BlockSpec((G, D), lambda i: (0, 0)),
    ],
    out_shape=[
        jax.ShapeDtypeStruct((N_PAD, D), jnp.float32),
        jax.ShapeDtypeStruct((G, D), jnp.float32),
    ],
)


def _mlp_body(g_ref, w1_ref, b1_ref, w2_ref, b2_ref, o_ref):
    hm = jnp.maximum(
        jnp.dot(g_ref[...], w1_ref[...], preferred_element_type=jnp.float32,
                precision=lax.Precision.HIGHEST)
        + b1_ref[...], 0.0)
    o_ref[...] = (jnp.dot(hm, w2_ref[...], preferred_element_type=jnp.float32,
                precision=lax.Precision.HIGHEST)
                  + b2_ref[...])


_mlp = pl.pallas_call(
    _mlp_body,
    out_shape=jax.ShapeDtypeStruct((G, 1), jnp.float32),
)


@jax.jit
def kernel(graph_feats, edge_index, node2graph,
           W1, b1, R1, rb1, W2, b2, R2, rb2, W3, b3, R3, rb3,
           Wm1, bm1, Wm2, bm2):
    src = edge_index[0]
    dst = edge_index[1]
    pad = E_PAD - E
    src_p = jnp.concatenate([src, jnp.zeros((pad,), jnp.int32)])
    dst_p = jnp.concatenate([dst, jnp.full((pad,), N, jnp.int32)])
    idx_r = (src_p | (dst_p << 16)).reshape(NCHUNKS, CHUNK)

    h = jnp.pad(graph_feats, ((0, N_PAD - N), (0, 0)))
    zeros = jnp.zeros((N_PAD, D), jnp.float32)
    n2g3 = jnp.pad(node2graph, (0, N_PAD - N),
                   constant_values=G).reshape(NB, 1, BN)

    for (W, b, Rw, rb) in ((W1, b1, R1, rb1), (W2, b2, R2, rb2)):
        parts = _sc_agg(h, idx_r, zeros)
        h = _dense(parts, h, W, Rw, b.reshape(1, D), rb.reshape(1, D))

    parts = _sc_agg(h, idx_r, zeros)
    h, g = _dense_pool(parts, h, W3, R3, b3.reshape(1, D), rb3.reshape(1, D),
                       n2g3)

    return _mlp(g, Wm1, bm1.reshape(1, D), Wm2, bm2.reshape(1, 1))

# --- scband reference (transcript-rebuilt; emitter-appended) ---
"""Pipeline reference for scband-graph-model-11785390260437 (READ-ONLY COPY).

The authoritative reference and input builder live on the scoring server;
editing this copy changes nothing except your own understanding.
"""

import jax, jax.numpy as jnp
import numpy as np

N = 10000
E = 320000
D = 128
G = 256
MLP_H = 128


def setup_inputs(seed: int = 0) -> dict:
    key = jax.random.key(seed)
    ks = jax.random.split(key, 24)
    inp = {}
    inp['graph_feats'] = jax.random.normal(ks[0], (N, D), dtype=jnp.float32)
    inp['edge_index'] = jax.random.randint(ks[1], (2, E), 0, N, dtype=jnp.int32)
    inp['node2graph'] = jnp.sort(jax.random.randint(ks[2], (N,), 0, G, dtype=jnp.int32))
    # GCN layer params: 3 layers, each GraphConv (W, b) + residual Linear (R, rb)
    k = 3
    for i in range(3):
        inp[f'W{i+1}'] = jax.random.normal(ks[k], (D, D), dtype=jnp.float32) * 0.05; k += 1
        inp[f'b{i+1}'] = jnp.zeros((D,), dtype=jnp.float32)
        inp[f'R{i+1}'] = jax.random.normal(ks[k], (D, D), dtype=jnp.float32) * 0.05; k += 1
        inp[f'rb{i+1}'] = jnp.zeros((D,), dtype=jnp.float32)
    # MLP head: Linear(D, 128) -> ReLU -> Linear(128, 1)
    inp['Wm1'] = jax.random.normal(ks[k], (D, MLP_H), dtype=jnp.float32) * 0.05; k += 1
    inp['bm1'] = jnp.zeros((MLP_H,), dtype=jnp.float32)
    inp['Wm2'] = jax.random.normal(ks[k], (MLP_H, 1), dtype=jnp.float32) * 0.05; k += 1
    inp['bm2'] = jnp.zeros((1,), dtype=jnp.float32)
    return inp


def reference(graph_feats, edge_index, node2graph, W1, b1, R1, rb1, W2, b2, R2, rb2, W3, b3, R3, rb3, Wm1, bm1, Wm2, bm2):
    # dgllife GCN with gnn_norm='none' (default): GraphConv aggregates src feats
    # by sum into dst (norm='none'), then linear + activation; residual branch
    # res = relu(Linear(feats)); new = conv_out + res. Dropout off (inference).
    src = edge_index[0]
    dst = edge_index[1]
    h = graph_feats
    for (W, b, Rw, rb) in ((W1, b1, R1, rb1), (W2, b2, R2, rb2), (W3, b3, R3, rb3)):
        msg = jnp.take(h, src, axis=0)                      # gather src node feats per edge
        agg = jax.ops.segment_sum(msg, dst, num_segments=N)  # scatter-add to dst nodes
        conv = jax.nn.relu(agg @ W + b)
        res = jax.nn.relu(h @ Rw + rb)
        h = conv + res
    # SumPooling over each graph in the batch
    g = jax.ops.segment_sum(h, node2graph, num_segments=G)
    out = jax.nn.relu(g @ Wm1 + bm1) @ Wm2 + bm2
    return out

if __name__ == "__main__":
    import jax
    _d = setup_inputs()
    print(jax.jit(kernel)(*tuple(_d.values())))

</pallas_src>

<mosaic_0001>
#map = affine_map<(d0, d1) -> (0, 0)>
#map1 = affine_map<(d0, d1) -> (0, 0, 0)>
module attributes {stable_mosaic.version = 14 : i64} {
  func.func @_sc_agg_body(%arg0: i32, %arg1: i32, %arg2: memref<10240x128xf32, #tpu.memory_space<hbm>>, %arg3: memref<2560x128xi32, #tpu.memory_space<hbm>>, %arg4: memref<10240x128xf32, #tpu.memory_space<hbm>>, %arg5: memref<2x10240x128xf32, #tpu.memory_space<hbm>>, %arg6: memref<144x128xi32, #tpu.memory_space<vmem>>, %arg7: memref<1x128xi32, #tpu.memory_space<vmem>>, %arg8: memref<1x128xi32, #tpu.memory_space<vmem>>, %arg9: memref<1x128x128xf32, #tpu.memory_space<vmem>>, %arg10: memref<10112x128xf32, #tpu.memory_space<vmem_shared>>, %arg11: memref<1x!tpu.dma_semaphore, #tpu.memory_space<semaphore_mem>>, %arg12: memref<1x!tpu.dma_semaphore, #tpu.memory_space<semaphore_mem>>) attributes {dimension_semantics = [#tpu.dimension_semantics<core_parallel>, #tpu.dimension_semantics<subcore_parallel>], iteration_bounds = array<i64: 2, 16>, scalar_prefetch = 0 : i64, scratch_operands = 7 : i64, tpu.core_type = #tpu.core_type<sc_vector_subcore>, window_params = [{transform_indices = #map}, {transform_indices = #map}, {transform_indices = #map}, {transform_indices = #map1}]} {
    %mul3A = arith.constant 632 : i32
    %mul3A_0 = arith.muli %arg1, %mul3A : i32
    "tpu.region"() ({
      %run_scoped3A = tpu.sem_alloc : memref<!tpu.dma_semaphore, #tpu.memory_space<semaphore_mem>>
      %dma_start3A = arith.constant 0 : i32
      %dma_start3A_19 = tpu.memref_slice %arg10[%mul3A_0, %dma_start3A] : memref<10112x128xf32, #tpu.memory_space<vmem_shared>> -> memref<632x128xf32, #tpu.memory_space<vmem_shared>>
      %dma_start3A_20 = arith.constant 0 : i32
      %dma_start3A_21 = tpu.memref_slice %arg4[%mul3A_0, %dma_start3A_20] : memref<10240x128xf32, #tpu.memory_space<hbm>> -> memref<632x128xf32, #tpu.memory_space<hbm>>
      tpu.enqueue_dma source(%dma_start3A_21 : memref<632x128xf32, #tpu.memory_space<hbm>>) target(%dma_start3A_19 : memref<632x128xf32, #tpu.memory_space<vmem_shared>>) target_semaphore(%run_scoped3A : memref<!tpu.dma_semaphore, #tpu.memory_space<semaphore_mem>>)
      %dma_wait3A = arith.constant 0 : i32
      %dma_wait3A_22 = tpu.memref_slice %arg10[%mul3A_0, %dma_wait3A] : memref<10112x128xf32, #tpu.memory_space<vmem_shared>> -> memref<632x128xf32, #tpu.memory_space<vmem_shared>>
      %dma_wait3A_23 = arith.constant 0 : i32
      %dma_wait3A_24 = tpu.memref_slice %arg4[%mul3A_0, %dma_wait3A_23] : memref<10240x128xf32, #tpu.memory_space<hbm>> -> memref<632x128xf32, #tpu.memory_space<hbm>>
      tpu.wait_dma2 semaphore(%run_scoped3A : memref<!tpu.dma_semaphore, #tpu.memory_space<semaphore_mem>>) src(%dma_wait3A_24 : memref<632x128xf32, #tpu.memory_space<hbm>>) dst(%dma_wait3A_22 : memref<632x128xf32, #tpu.memory_space<vmem_shared>>)
      tpu.yield
    }) : () -> ()
    %eq3A = arith.constant 0 : i32
    %eq3A_1 = arith.cmpi eq, %arg0, %eq3A : i32
    %convert_element_type3A = arith.extui %eq3A_1 : i1 to i32
    %cond3A = arith.constant 0 : i32
    %cond3A_2 = arith.cmpi ne, %convert_element_type3A, %cond3A : i32
    scf.if %cond3A_2 {
      %mul3A_19 = arith.constant 144 : i32
      %mul3A_20 = arith.muli %arg1, %mul3A_19 : i32
      "tpu.region"() ({
        %run_scoped3A = tpu.sem_alloc : memref<!tpu.dma_semaphore, #tpu.memory_space<semaphore_mem>>
        %dma_start3A = arith.constant 0 : i32
        %dma_start3A_21 = tpu.memref_slice %arg3[%mul3A_20, %dma_start3A] : memref<2560x128xi32, #tpu.memory_space<hbm>> -> memref<144x128xi32, #tpu.memory_space<hbm>>
        %dma_start3A_22 = arith.constant 0 : i32
        %dma_start3A_23 = tpu.memref_slice %arg3[%mul3A_20, %dma_start3A_22] : memref<2560x128xi32, #tpu.memory_space<hbm>> -> memref<144x128xi32, #tpu.memory_space<hbm>>
        tpu.enqueue_dma source(%dma_start3A_23 : memref<144x128xi32, #tpu.memory_space<hbm>>) target(%arg6 : memref<144x128xi32, #tpu.memory_space<vmem>>) target_semaphore(%run_scoped3A : memref<!tpu.dma_semaphore, #tpu.memory_space<semaphore_mem>>)
        %dma_wait3A = arith.constant 0 : i32
        %dma_wait3A_24 = tpu.memref_slice %arg3[%mul3A_20, %dma_wait3A] : memref<2560x128xi32, #tpu.memory_space<hbm>> -> memref<144x128xi32, #tpu.memory_space<hbm>>
        %dma_wait3A_25 = arith.constant 0 : i32
        %dma_wait3A_26 = tpu.memref_slice %arg3[%mul3A_20, %dma_wait3A_25] : memref<2560x128xi32, #tpu.memory_space<hbm>> -> memref<144x128xi32, #tpu.memory_space<hbm>>
        tpu.wait_dma2 semaphore(%run_scoped3A : memref<!tpu.dma_semaphore, #tpu.memory_space<semaphore_mem>>) src(%dma_wait3A_26 : memref<144x128xi32, #tpu.memory_space<hbm>>) dst(%arg6 : memref<144x128xi32, #tpu.memory_space<vmem>>)
        tpu.yield
      }) : () -> ()
    } else {
    }
    %eq3A_3 = arith.constant 1 : i32
    %eq3A_4 = arith.cmpi eq, %arg0, %eq3A_3 : i32
    %convert_element_type3A_5 = arith.extui %eq3A_4 : i1 to i32
    %cond3A_6 = arith.constant 0 : i32
    %cond3A_7 = arith.cmpi ne, %convert_element_type3A_5, %cond3A_6 : i32
    scf.if %cond3A_7 {
      %mul3A_19 = arith.constant 16 : i32
      %mul3A_20 = arith.muli %arg1, %mul3A_19 : i32
      %add3A = arith.constant 2304 : i32
      %add3A_21 = arith.addi %add3A, %mul3A_20 : i32
      "tpu.region"() ({
        %run_scoped3A = tpu.sem_alloc : memref<!tpu.dma_semaphore, #tpu.memory_space<semaphore_mem>>
        %dma_start3A = arith.constant 0 : i32
        %dma_start3A_22 = arith.constant 0 : i32
        %dma_start3A_23 = tpu.memref_slice %arg6[%dma_start3A, %dma_start3A_22] : memref<144x128xi32, #tpu.memory_space<vmem>> -> memref<16x128xi32, #tpu.memory_space<vmem>>
        %dma_start3A_24 = arith.constant 0 : i32
        %dma_start3A_25 = tpu.memref_slice %arg3[%add3A_21, %dma_start3A_24] : memref<2560x128xi32, #tpu.memory_space<hbm>> -> memref<16x128xi32, #tpu.memory_space<hbm>>
        %dma_start3A_26 = arith.constant 0 : i32
        %dma_start3A_27 = arith.constant 0 : i32
        %dma_start3A_28 = tpu.memref_slice %arg6[%dma_start3A_26, %dma_start3A_27] : memref<144x128xi32, #tpu.memory_space<vmem>> -> memref<16x128xi32, #tpu.memory_space<vmem>>
        %dma_start3A_29 = arith.constant 0 : i32
        %dma_start3A_30 = tpu.memref_slice %arg3[%add3A_21, %dma_start3A_29] : memref<2560x128xi32, #tpu.memory_space<hbm>> -> memref<16x128xi32, #tpu.memory_space<hbm>>
        tpu.enqueue_dma source(%dma_start3A_30 : memref<16x128xi32, #tpu.memory_space<hbm>>) target(%dma_start3A_28 : memref<16x128xi32, #tpu.memory_space<vmem>>) target_semaphore(%run_scoped3A : memref<!tpu.dma_semaphore, #tpu.memory_space<semaphore_mem>>)
        %dma_wait3A = arith.constant 0 : i32
        %dma_wait3A_31 = arith.constant 0 : i32
        %dma_wait3A_32 = tpu.memref_slice %arg6[%dma_wait3A, %dma_wait3A_31] : memref<144x128xi32, #tpu.memory_space<vmem>> -> memref<16x128xi32, #tpu.memory_space<vmem>>
        %dma_wait3A_33 = arith.constant 0 : i32
        %dma_wait3A_34 = tpu.memref_slice %arg3[%add3A_21, %dma_wait3A_33] : memref<2560x128xi32, #tpu.memory_space<hbm>> -> memref<16x128xi32, #tpu.memory_space<hbm>>
        %dma_wait3A_35 = arith.constant 0 : i32
        %dma_wait3A_36 = arith.constant 0 : i32
        %dma_wait3A_37 = tpu.memref_slice %arg6[%dma_wait3A_35, %dma_wait3A_36] : memref<144x128xi32, #tpu.memory_space<vmem>> -> memref<16x128xi32, #tpu.memory_space<vmem>>
        %dma_wait3A_38 = arith.constant 0 : i32
        %dma_wait3A_39 = tpu.memref_slice %arg3[%add3A_21, %dma_wait3A_38] : memref<2560x128xi32, #tpu.memory_space<hbm>> -> memref<16x128xi32, #tpu.memory_space<hbm>>
        tpu.wait_dma2 semaphore(%run_scoped3A : memref<!tpu.dma_semaphore, #tpu.memory_space<semaphore_mem>>) src(%dma_wait3A_39 : memref<16x128xi32, #tpu.memory_space<hbm>>) dst(%dma_wait3A_37 : memref<16x128xi32, #tpu.memory_space<vmem>>)
        tpu.yield
      }) : () -> ()
    } else {
    }
    %barrier3A = arith.constant 0 : index
    tpu.barrier barrier_id(%barrier3A)
    %eq3A_8 = arith.constant 0 : i32
    %eq3A_9 = arith.cmpi eq, %arg0, %eq3A_8 : i32
    %convert_element_type3A_10 = arith.extui %eq3A_9 : i1 to i32
    %cond3A_11 = arith.constant 0 : i32
    %cond3A_12 = arith.cmpi ne, %convert_element_type3A_10, %cond3A_11 : i32
    scf.if %cond3A_12 {
      %scan3A = arith.constant 0 : i32
      %scan3A_19 = arith.constant 144 : i32
      %scan3A_20 = arith.addi %scan3A, %scan3A_19 : i32
      %scan3A_21 = arith.constant 1 : i32
      scf.for %scan3A_23 = %scan3A to %scan3A_20 step %scan3A_21  : i32 {
        %mul3A_24 = arith.constant 1 : i32
        %mul3A_25 = arith.muli %scan3A_23, %mul3A_24 : i32
        %add3A = arith.constant 0 : i32
        %add3A_26 = arith.addi %add3A, %mul3A_25 : i32
        %get3A = arith.index_cast %add3A_26 : i32 to index
        %get3A_27 = arith.constant 0 : index
        %get3A_28 = tpu.vector_load %arg6[%get3A, %get3A_27] {strides = array<i32>} : memref<144x128xi32, #tpu.memory_space<vmem>>, vector<1x16xi32>,
        %get3A_29 = vector.shape_cast %get3A_28 : vector<1x16xi32> to vector<16xi32>
        %and3A = arith.constant 65535 : i32
        %and3A_30 = vector.broadcast %and3A : i32 to vector<16xi32>
        %and3A_31 = arith.andi %get3A_29, %and3A_30 : vector<16xi32>
        %swap3A = arith.constant 0 : i32
        %swap3A_32 = arith.index_cast %swap3A : i32 to index
        %swap3A_33 = arith.constant 0 : index
        %swap3A_34 = tpu.vector_load %arg7[%swap3A_32, %swap3A_33] {strides = array<i32>} : memref<1x128xi32, #tpu.memory_space<vmem>>, vector<1x16xi32>,
        %swap3A_35 = vector.shape_cast %swap3A_34 : vector<1x16xi32> to vector<16xi32>
        %swap3A_36 = vector.shape_cast %and3A_31 : vector<16xi32> to vector<1x16xi32>
        tpu.vector_store %arg7[%swap3A_32, %swap3A_33], %swap3A_36 {strides = array<i32>} : memref<1x128xi32, #tpu.memory_space<vmem>>, vector<1x16xi32>,
        %shift_right_logical3A = arith.constant 16 : i32
        %shift_right_logical3A_37 = vector.broadcast %shift_right_logical3A : i32 to vector<16xi32>
        %shift_right_logical3A_38 = arith.shrui %get3A_29, %shift_right_logical3A_37 : vector<16xi32>
        %swap3A_39 = arith.constant 0 : i32
        %swap3A_40 = arith.index_cast %swap3A_39 : i32 to index
        %swap3A_41 = arith.constant 0 : index
        %swap3A_42 = tpu.vector_load %arg8[%swap3A_40, %swap3A_41] {strides = array<i32>} : memref<1x128xi32, #tpu.memory_space<vmem>>, vector<1x16xi32>,
        %swap3A_43 = vector.shape_cast %swap3A_42 : vector<1x16xi32> to vector<16xi32>
        %swap3A_44 = vector.shape_cast %shift_right_logical3A_38 : vector<16xi32> to vector<1x16xi32>
        tpu.vector_store %arg8[%swap3A_40, %swap3A_41], %swap3A_44 {strides = array<i32>} : memref<1x128xi32, #tpu.memory_space<vmem>>, vector<1x16xi32>,
        %get3A_45 = arith.index_cast %add3A_26 : i32 to index
        %get3A_46 = arith.constant 16 : index
        %get3A_47 = tpu.vector_load %arg6[%get3A_45, %get3A_46] {strides = array<i32>} : memref<144x128xi32, #tpu.memory_space<vmem>>, vector<1x16xi32>,
        %get3A_48 = vector.shape_cast %get3A_47 : vector<1x16xi32> to vector<16xi32>
        %and3A_49 = arith.constant 65535 : i32
        %and3A_50 = vector.broadcast %and3A_49 : i32 to vector<16xi32>
        %and3A_51 = arith.andi %get3A_48, %and3A_50 : vector<16xi32>
        %swap3A_52 = arith.constant 0 : i32
        %swap3A_53 = arith.index_cast %swap3A_52 : i32 to index
        %swap3A_54 = arith.constant 16 : index
        %swap3A_55 = tpu.vector_load %arg7[%swap3A_53, %swap3A_54] {strides = array<i32>} : memref<1x128xi32, #tpu.memory_space<vmem>>, vector<1x16xi32>,
        %swap3A_56 = vector.shape_cast %swap3A_55 : vector<1x16xi32> to vector<16xi32>
        %swap3A_57 = vector.shape_cast %and3A_51 : vector<16xi32> to vector<1x16xi32>
        tpu.vector_store %arg7[%swap3A_53, %swap3A_54], %swap3A_57 {strides = array<i32>} : memref<1x128xi32, #tpu.memory_space<vmem>>, vector<1x16xi32>,
        %shift_right_logical3A_58 = arith.constant 16 : i32
        %shift_right_logical3A_59 = vector.broadcast %shift_right_logical3A_58 : i32 to vector<16xi32>
        %shift_right_logical3A_60 = arith.shrui %get3A_48, %shift_right_logical3A_59 : vector<16xi32>
        %swap3A_61 = arith.constant 0 : i32
        %swap3A_62 = arith.index_cast %swap3A_61 : i32 to index
        %swap3A_63 = arith.constant 16 : index
        %swap3A_64 = tpu.vector_load %arg8[%swap3A_62, %swap3A_63] {strides = array<i32>} : memref<1x128xi32, #tpu.memory_space<vmem>>, vector<1x16xi32>,
        %swap3A_65 = vector.shape_cast %swap3A_64 : vector<1x16xi32> to vector<16xi32>
        %swap3A_66 = vector.shape_cast %shift_right_logical3A_60 : vector<16xi32> to vector<1x16xi32>
        tpu.vector_store %arg8[%swap3A_62, %swap3A_63], %swap3A_66 {strides = array<i32>} : memref<1x128xi32, #tpu.memory_space<vmem>>, vector<1x16xi32>,
        %get3A_67 = arith.index_cast %add3A_26 : i32 to index
        %get3A_68 = arith.constant 32 : index
        %get3A_69 = tpu.vector_load %arg6[%get3A_67, %get3A_68] {strides = array<i32>} : memref<144x128xi32, #tpu.memory_space<vmem>>, vector<1x16xi32>,
        %get3A_70 = vector.shape_cast %get3A_69 : vector<1x16xi32> to vector<16xi32>
        %and3A_71 = arith.constant 65535 : i32
        %and3A_72 = vector.broadcast %and3A_71 : i32 to vector<16xi32>
        %and3A_73 = arith.andi %get3A_70, %and3A_72 : vector<16xi32>
        %swap3A_74 = arith.constant 0 : i32
        %swap3A_75 = arith.index_cast %swap3A_74 : i32 to index
        %swap3A_76 = arith.constant 32 : index
        %swap3A_77 = tpu.vector_load %arg7[%swap3A_75, %swap3A_76] {strides = array<i32>} : memref<1x128xi32, #tpu.memory_space<vmem>>, vector<1x16xi32>,
        %swap3A_78 = vector.shape_cast %swap3A_77 : vector<1x16xi32> to vector<16xi32>
        %swap3A_79 = vector.shape_cast %and3A_73 : vector<16xi32> to vector<1x16xi32>
        tpu.vector_store %arg7[%swap3A_75, %swap3A_76], %swap3A_79 {strides = array<i32>} : memref<1x128xi32, #tpu.memory_space<vmem>>, vector<1x16xi32>,
        %shift_right_logical3A_80 = arith.constant 16 : i32
        %shift_right_logical3A_81 = vector.broadcast %shift_right_logical3A_80 : i32 to vector<16xi32>
        %shift_right_logical3A_82 = arith.shrui %get3A_70, %shift_right_logical3A_81 : vector<16xi32>
        %swap3A_83 = arith.constant 0 : i32
        %swap3A_84 = arith.index_cast %swap3A_83 : i32 to index
        %swap3A_85 = arith.constant 32 : index
        %swap3A_86 = tpu.vector_load %arg8[%swap3A_84, %swap3A_85] {strides = array<i32>} : memref<1x128xi32, #tpu.memory_space<vmem>>, vector<1x16xi32>,
        %swap3A_87 = vector.shape_cast %swap3A_86 : vector<1x16xi32> to vector<16xi32>
        %swap3A_88 = vector.shape_cast %shift_right_logical3A_82 : vector<16xi32> to vector<1x16xi32>
        tpu.vector_store %arg8[%swap3A_84, %swap3A_85], %swap3A_88 {strides = array<i32>} : memref<1x128xi32, #tpu.memory_space<vmem>>, vector<1x16xi32>,
        %get3A_89 = arith.index_cast %add3A_26 : i32 to index
        %get3A_90 = arith.constant 48 : index
        %get3A_91 = tpu.vector_load %arg6[%get3A_89, %get3A_90] {strides = array<i32>} : memref<144x128xi32, #tpu.memory_space<vmem>>, vector<1x16xi32>,
        %get3A_92 = vector.shape_cast %get3A_91 : vector<1x16xi32> to vector<16xi32>
        %and3A_93 = arith.constant 65535 : i32
        %and3A_94 = vector.broadcast %and3A_93 : i32 to vector<16xi32>
        %and3A_95 = arith.andi %get3A_92, %and3A_94 : vector<16xi32>
        %swap3A_96 = arith.constant 0 : i32
        %swap3A_97 = arith.index_cast %swap3A_96 : i32 to index
        %swap3A_98 = arith.constant 48 : index
        %swap3A_99 = tpu.vector_load %arg7[%swap3A_97, %swap3A_98] {strides = array<i32>} : memref<1x128xi32, #tpu.memory_space<vmem>>, vector<1x16xi32>,
        %swap3A_100 = vector.shape_cast %swap3A_99 : vector<1x16xi32> to vector<16xi32>
        %swap3A_101 = vector.shape_cast %and3A_95 : vector<16xi32> to vector<1x16xi32>
        tpu.vector_store %arg7[%swap3A_97, %swap3A_98], %swap3A_101 {strides = array<i32>} : memref<1x128xi32, #tpu.memory_space<vmem>>, vector<1x16xi32>,
        %shift_right_logical3A_102 = arith.constant 16 : i32
        %shift_right_logical3A_103 = vector.broadcast %shift_right_logical3A_102 : i32 to vector<16xi32>
        %shift_right_logical3A_104 = arith.shrui %get3A_92, %shift_right_logical3A_103 : vector<16xi32>
        %swap3A_105 = arith.constant 0 : i32
        %swap3A_106 = arith.index_cast %swap3A_105 : i32 to index
        %swap3A_107 = arith.constant 48 : index
        %swap3A_108 = tpu.vector_load %arg8[%swap3A_106, %swap3A_107] {strides = array<i32>} : memref<1x128xi32, #tpu.memory_space<vmem>>, vector<1x16xi32>,
        %swap3A_109 = vector.shape_cast %swap3A_108 : vector<1x16xi32> to vector<16xi32>
        %swap3A_110 = vector.shape_cast %shift_right_logical3A_104 : vector<16xi32> to vector<1x16xi32>
        tpu.vector_store %arg8[%swap3A_106, %swap3A_107], %swap3A_110 {strides = array<i32>} : memref<1x128xi32, #tpu.memory_space<vmem>>, vector<1x16xi32>,
        %get3A_111 = arith.index_cast %add3A_26 : i32 to index
        %get3A_112 = arith.constant 64 : index
        %get3A_113 = tpu.vector_load %arg6[%get3A_111, %get3A_112] {strides = array<i32>} : memref<144x128xi32, #tpu.memory_space<vmem>>, vector<1x16xi32>,
        %get3A_114 = vector.shape_cast %get3A_113 : vector<1x16xi32> to vector<16xi32>
        %and3A_115 = arith.constant 65535 : i32
        %and3A_116 = vector.broadcast %and3A_115 : i32 to vector<16xi32>
        %and3A_117 = arith.andi %get3A_114, %and3A_116 : vector<16xi32>
        %swap3A_118 = arith.constant 0 : i32
        %swap3A_119 = arith.index_cast %swap3A_118 : i32 to index
        %swap3A_120 = arith.constant 64 : index
        %swap3A_121 = tpu.vector_load %arg7[%swap3A_119, %swap3A_120] {strides = array<i32>} : memref<1x128xi32, #tpu.memory_space<vmem>>, vector<1x16xi32>,
        %swap3A_122 = vector.shape_cast %swap3A_121 : vector<1x16xi32> to vector<16xi32>
        %swap3A_123 = vector.shape_cast %and3A_117 : vector<16xi32> to vector<1x16xi32>
        tpu.vector_store %arg7[%swap3A_119, %swap3A_120], %swap3A_123 {strides = array<i32>} : memref<1x128xi32, #tpu.memory_space<vmem>>, vector<1x16xi32>,
        %shift_right_logical3A_124 = arith.constant 16 : i32
        %shift_right_logical3A_125 = vector.broadcast %shift_right_logical3A_124 : i32 to vector<16xi32>
        %shift_right_logical3A_126 = arith.shrui %get3A_114, %shift_right_logical3A_125 : vector<16xi32>
        %swap3A_127 = arith.constant 0 : i32
        %swap3A_128 = arith.index_cast %swap3A_127 : i32 to index
        %swap3A_129 = arith.constant 64 : index
        %swap3A_130 = tpu.vector_load %arg8[%swap3A_128, %swap3A_129] {strides = array<i32>} : memref<1x128xi32, #tpu.memory_space<vmem>>, vector<1x16xi32>,
        %swap3A_131 = vector.shape_cast %swap3A_130 : vector<1x16xi32> to vector<16xi32>
        %swap3A_132 = vector.shape_cast %shift_right_logical3A_126 : vector<16xi32> to vector<1x16xi32>
        tpu.vector_store %arg8[%swap3A_128, %swap3A_129], %swap3A_132 {strides = array<i32>} : memref<1x128xi32, #tpu.memory_space<vmem>>, vector<1x16xi32>,
        %get3A_133 = arith.index_cast %add3A_26 : i32 to index
        %get3A_134 = arith.constant 80 : index
        %get3A_135 = tpu.vector_load %arg6[%get3A_133, %get3A_134] {strides = array<i32>} : memref<144x128xi32, #tpu.memory_space<vmem>>, vector<1x16xi32>,
        %get3A_136 = vector.shape_cast %get3A_135 : vector<1x16xi32> to vector<16xi32>
        %and3A_137 = arith.constant 65535 : i32
        %and3A_138 = vector.broadcast %and3A_137 : i32 to vector<16xi32>
        %and3A_139 = arith.andi %get3A_136, %and3A_138 : vector<16xi32>
        %swap3A_140 = arith.constant 0 : i32
        %swap3A_141 = arith.index_cast %swap3A_140 : i32 to index
        %swap3A_142 = arith.constant 80 : index
        %swap3A_143 = tpu.vector_load %arg7[%swap3A_141, %swap3A_142] {strides = array<i32>} : memref<1x128xi32, #tpu.memory_space<vmem>>, vector<1x16xi32>,
        %swap3A_144 = vector.shape_cast %swap3A_143 : vector<1x16xi32> to vector<16xi32>
        %swap3A_145 = vector.shape_cast %and3A_139 : vector<16xi32> to vector<1x16xi32>
        tpu.vector_store %arg7[%swap3A_141, %swap3A_142], %swap3A_145 {strides = array<i32>} : memref<1x128xi32, #tpu.memory_space<vmem>>, vector<1x16xi32>,
        %shift_right_logical3A_146 = arith.constant 16 : i32
        %shift_right_logical3A_147 = vector.broadcast %shift_right_logical3A_146 : i32 to vector<16xi32>
        %shift_right_logical3A_148 = arith.shrui %get3A_136, %shift_right_logical3A_147 : vector<16xi32>
        %swap3A_149 = arith.constant 0 : i32
        %swap3A_150 = arith.index_cast %swap3A_149 : i32 to index
        %swap3A_151 = arith.constant 80 : index
        %swap3A_152 = tpu.vector_load %arg8[%swap3A_150, %swap3A_151] {strides = array<i32>} : memref<1x128xi32, #tpu.memory_space<vmem>>, vector<1x16xi32>,
        %swap3A_153 = vector.shape_cast %swap3A_152 : vector<1x16xi32> to vector<16xi32>
        %swap3A_154 = vector.shape_cast %shift_right_logical3A_148 : vector<16xi32> to vector<1x16xi32>
        tpu.vector_store %arg8[%swap3A_150, %swap3A_151], %swap3A_154 {strides = array<i32>} : memref<1x128xi32, #tpu.memory_space<vmem>>, vector<1x16xi32>,
        %get3A_155 = arith.index_cast %add3A_26 : i32 to index
        %get3A_156 = arith.constant 96 : index
        %get3A_157 = tpu.vector_load %arg6[%get3A_155, %get3A_156] {strides = array<i32>} : memref<144x128xi32, #tpu.memory_space<vmem>>, vector<1x16xi32>,
        %get3A_158 = vector.shape_cast %get3A_157 : vector<1x16xi32> to vector<16xi32>
        %and3A_159 = arith.constant 65535 : i32
        %and3A_160 = vector.broadcast %and3A_159 : i32 to vector<16xi32>
        %and3A_161 = arith.andi %get3A_158, %and3A_160 : vector<16xi32>
        %swap3A_162 = arith.constant 0 : i32
        %swap3A_163 = arith.index_cast %swap3A_162 : i32 to index
        %swap3A_164 = arith.constant 96 : index
        %swap3A_165 = tpu.vector_load %arg7[%swap3A_163, %swap3A_164] {strides = array<i32>} : memref<1x128xi32, #tpu.memory_space<vmem>>, vector<1x16xi32>,
        %swap3A_166 = vector.shape_cast %swap3A_165 : vector<1x16xi32> to vector<16xi32>
        %swap3A_167 = vector.shape_cast %and3A_161 : vector<16xi32> to vector<1x16xi32>
        tpu.vector_store %arg7[%swap3A_163, %swap3A_164], %swap3A_167 {strides = array<i32>} : memref<1x128xi32, #tpu.memory_space<vmem>>, vector<1x16xi32>,
        %shift_right_logical3A_168 = arith.constant 16 : i32
        %shift_right_logical3A_169 = vector.broadcast %shift_right_logical3A_168 : i32 to vector<16xi32>
        %shift_right_logical3A_170 = arith.shrui %get3A_158, %shift_right_logical3A_169 : vector<16xi32>
        %swap3A_171 = arith.constant 0 : i32
        %swap3A_172 = arith.index_cast %swap3A_171 : i32 to index
        %swap3A_173 = arith.constant 96 : index
        %swap3A_174 = tpu.vector_load %arg8[%swap3A_172, %swap3A_173] {strides = array<i32>} : memref<1x128xi32, #tpu.memory_space<vmem>>, vector<1x16xi32>,
        %swap3A_175 = vector.shape_cast %swap3A_174 : vector<1x16xi32> to vector<16xi32>
        %swap3A_176 = vector.shape_cast %shift_right_logical3A_170 : vector<16xi32> to vector<1x16xi32>
        tpu.vector_store %arg8[%swap3A_172, %swap3A_173], %swap3A_176 {strides = array<i32>} : memref<1x128xi32, #tpu.memory_space<vmem>>, vector<1x16xi32>,
        %get3A_177 = arith.index_cast %add3A_26 : i32 to index
        %get3A_178 = arith.constant 112 : index
        %get3A_179 = tpu.vector_load %arg6[%get3A_177, %get3A_178] {strides = array<i32>} : memref<144x128xi32, #tpu.memory_space<vmem>>, vector<1x16xi32>,
        %get3A_180 = vector.shape_cast %get3A_179 : vector<1x16xi32> to vector<16xi32>
        %and3A_181 = arith.constant 65535 : i32
        %and3A_182 = vector.broadcast %and3A_181 : i32 to vector<16xi32>
        %and3A_183 = arith.andi %get3A_180, %and3A_182 : vector<16xi32>
        %swap3A_184 = arith.constant 0 : i32
        %swap3A_185 = arith.index_cast %swap3A_184 : i32 to index
        %swap3A_186 = arith.constant 112 : index
        %swap3A_187 = tpu.vector_load %arg7[%swap3A_185, %swap3A_186] {strides = array<i32>} : memref<1x128xi32, #tpu.memory_space<vmem>>, vector<1x16xi32>,
        %swap3A_188 = vector.shape_cast %swap3A_187 : vector<1x16xi32> to vector<16xi32>
        %swap3A_189 = vector.shape_cast %and3A_183 : vector<16xi32> to vector<1x16xi32>
        tpu.vector_store %arg7[%swap3A_185, %swap3A_186], %swap3A_189 {strides = array<i32>} : memref<1x128xi32, #tpu.memory_space<vmem>>, vector<1x16xi32>,
        %shift_right_logical3A_190 = arith.constant 16 : i32
        %shift_right_logical3A_191 = vector.broadcast %shift_right_logical3A_190 : i32 to vector<16xi32>
        %shift_right_logical3A_192 = arith.shrui %get3A_180, %shift_right_logical3A_191 : vector<16xi32>
        %swap3A_193 = arith.constant 0 : i32
        %swap3A_194 = arith.index_cast %swap3A_193 : i32 to index
        %swap3A_195 = arith.constant 112 : index
        %swap3A_196 = tpu.vector_load %arg8[%swap3A_194, %swap3A_195] {strides = array<i32>} : memref<1x128xi32, #tpu.memory_space<vmem>>, vector<1x16xi32>,
        %swap3A_197 = vector.shape_cast %swap3A_196 : vector<1x16xi32> to vector<16xi32>
        %swap3A_198 = vector.shape_cast %shift_right_logical3A_192 : vector<16xi32> to vector<1x16xi32>
        tpu.vector_store %arg8[%swap3A_194, %swap3A_195], %swap3A_198 {strides = array<i32>} : memref<1x128xi32, #tpu.memory_space<vmem>>, vector<1x16xi32>,
        %dma_start3A = arith.constant 0 : i32
        %dma_start3A_199 = arith.constant 0 : i32
        %dma_start3A_200 = arith.constant 0 : i32
        %dma_start3A_201 = arith.constant 0 : i32
        %dma_start3A_202 = arith.constant 0 : i32
        %dma_start3A_203 = tpu.memref_slice %arg9[%dma_start3A_199, %dma_start3A_201, %dma_start3A_202] : memref<1x128x128xf32, #tpu.memory_space<vmem>> -> memref<1x128x128xf32, #tpu.memory_space<vmem>>
        %dma_start3A_204 = tpu.memref_squeeze %dma_start3A_203 : memref<1x128x128xf32, #tpu.memory_space<vmem>> -> memref<128x128xf32, #tpu.memory_space<vmem>>
        %dma_start3A_205 = arith.constant 0 : i32
        %dma_start3A_206 = tpu.memref_slice %arg7[%dma_start3A, %dma_start3A_205] : memref<1x128xi32, #tpu.memory_space<vmem>> -> memref<1x128xi32, #tpu.memory_space<vmem>>
        %dma_start3A_207 = tpu.memref_squeeze %dma_start3A_206 : memref<1x128xi32, #tpu.memory_space<vmem>> -> memref<128xi32, #tpu.memory_space<vmem>>
        %dma_start3A_208 = arith.constant 0 : i32
        %dma_start3A_209 = arith.constant 0 : i32
        %dma_start3A_210 = tpu.memref_slice %arg2[%dma_start3A_208, %dma_start3A_209] : memref<10240x128xf32, #tpu.memory_space<hbm>> -> memref<10240x128xf32, #tpu.memory_space<hbm>>
        %dma_start3A_211 = tpu.memref_slice %arg11[%dma_start3A_200] : memref<1x!tpu.dma_semaphore, #tpu.memory_space<semaphore_mem>> -> memref<1x!tpu.dma_semaphore, #tpu.memory_space<semaphore_mem>>
        %dma_start3A_212 = tpu.memref_squeeze %dma_start3A_211 : memref<1x!tpu.dma_semaphore, #tpu.memory_space<semaphore_mem>> -> memref<!tpu.dma_semaphore, #tpu.memory_space<semaphore_mem>>
        tpu.enqueue_indirect_dma source(%dma_start3A_210 : memref<10240x128xf32, #tpu.memory_space<hbm>>) target(%dma_start3A_204 : memref<128x128xf32, #tpu.memory_space<vmem>>) offsets(%dma_start3A_207 : memref<128xi32, #tpu.memory_space<vmem>>) semaphore(%dma_start3A_212 : memref<!tpu.dma_semaphore, #tpu.memory_space<semaphore_mem>>)
        %dma_wait3A = arith.constant 0 : i32
        %dma_wait3A_213 = arith.constant 0 : i32
        %dma_wait3A_214 = arith.constant 0 : i32
        %dma_wait3A_215 = arith.constant 0 : i32
        %dma_wait3A_216 = arith.constant 0 : i32
        %dma_wait3A_217 = tpu.memref_slice %arg9[%dma_wait3A_213, %dma_wait3A_215, %dma_wait3A_216] : memref<1x128x128xf32, #tpu.memory_space<vmem>> -> memref<1x128x128xf32, #tpu.memory_space<vmem>>
        %dma_wait3A_218 = tpu.memref_squeeze %dma_wait3A_217 : memref<1x128x128xf32, #tpu.memory_space<vmem>> -> memref<128x128xf32, #tpu.memory_space<vmem>>
        %dma_wait3A_219 = arith.constant 0 : i32
        %dma_wait3A_220 = tpu.memref_slice %arg7[%dma_wait3A, %dma_wait3A_219] : memref<1x128xi32, #tpu.memory_space<vmem>> -> memref<1x128xi32, #tpu.memory_space<vmem>>
        %dma_wait3A_221 = tpu.memref_squeeze %dma_wait3A_220 : memref<1x128xi32, #tpu.memory_space<vmem>> -> memref<128xi32, #tpu.memory_space<vmem>>
        %dma_wait3A_222 = arith.constant 0 : i32
        %dma_wait3A_223 = arith.constant 0 : i32
        %dma_wait3A_224 = tpu.memref_slice %arg2[%dma_wait3A_222, %dma_wait3A_223] : memref<10240x128xf32, #tpu.memory_space<hbm>> -> memref<10240x128xf32, #tpu.memory_space<hbm>>
        %dma_wait3A_225 = tpu.memref_slice %arg11[%dma_wait3A_214] : memref<1x!tpu.dma_semaphore, #tpu.memory_space<semaphore_mem>> -> memref<1x!tpu.dma_semaphore, #tpu.memory_space<semaphore_mem>>
        %dma_wait3A_226 = tpu.memref_squeeze %dma_wait3A_225 : memref<1x!tpu.dma_semaphore, #tpu.memory_space<semaphore_mem>> -> memref<!tpu.dma_semaphore, #tpu.memory_space<semaphore_mem>>
        tpu.wait_indirect_dma semaphore(%dma_wait3A_226 : memref<!tpu.dma_semaphore, #tpu.memory_space<semaphore_mem>>) src(%dma_wait3A_224 : memref<10240x128xf32, #tpu.memory_space<hbm>>) dst(%dma_wait3A_218 : memref<128x128xf32, #tpu.memory_space<vmem>>)
        %dma_start3A_227 = arith.constant 0 : i32
        %dma_start3A_228 = arith.constant 0 : i32
        %dma_start3A_229 = arith.constant 0 : i32
        %dma_start3A_230 = arith.constant 0 : i32
        %dma_start3A_231 = arith.constant 0 : i32
        %dma_start3A_232 = tpu.memref_slice %arg9[%dma_start3A_227, %dma_start3A_230, %dma_start3A_231] : memref<1x128x128xf32, #tpu.memory_space<vmem>> -> memref<1x128x128xf32, #tpu.memory_space<vmem>>
        %dma_start3A_233 = tpu.memref_squeeze %dma_start3A_232 : memref<1x128x128xf32, #tpu.memory_space<vmem>> -> memref<128x128xf32, #tpu.memory_space<vmem>>
        %dma_start3A_234 = arith.constant 0 : i32
        %dma_start3A_235 = tpu.memref_slice %arg8[%dma_start3A_228, %dma_start3A_234] : memref<1x128xi32, #tpu.memory_space<vmem>> -> memref<1x128xi32, #tpu.memory_space<vmem>>
        %dma_start3A_236 = tpu.memref_squeeze %dma_start3A_235 : memref<1x128xi32, #tpu.memory_space<vmem>> -> memref<128xi32, #tpu.memory_space<vmem>>
        %dma_start3A_237 = arith.constant 0 : i32
        %dma_start3A_238 = arith.constant 0 : i32
        %dma_start3A_239 = tpu.memref_slice %arg10[%dma_start3A_237, %dma_start3A_238] : memref<10112x128xf32, #tpu.memory_space<vmem_shared>> -> memref<10112x128xf32, #tpu.memory_space<vmem_shared>>
        %dma_start3A_240 = tpu.memref_slice %arg12[%dma_start3A_229] : memref<1x!tpu.dma_semaphore, #tpu.memory_space<semaphore_mem>> -> memref<1x!tpu.dma_semaphore, #tpu.memory_space<semaphore_mem>>
        %dma_start3A_241 = tpu.memref_squeeze %dma_start3A_240 : memref<1x!tpu.dma_semaphore, #tpu.memory_space<semaphore_mem>> -> memref<!tpu.dma_semaphore, #tpu.memory_space<semaphore_mem>>
        tpu.enqueue_indirect_dma source(%dma_start3A_233 : memref<128x128xf32, #tpu.memory_space<vmem>>) target(%dma_start3A_239 : memref<10112x128xf32, #tpu.memory_space<vmem_shared>>) offsets(%dma_start3A_236 : memref<128xi32, #tpu.memory_space<vmem>>) semaphore(%dma_start3A_241 : memref<!tpu.dma_semaphore, #tpu.memory_space<semaphore_mem>>) {add = true}
        %dma_wait3A_242 = arith.constant 0 : i32
        %dma_wait3A_243 = arith.constant 0 : i32
        %dma_wait3A_244 = arith.constant 0 : i32
        %dma_wait3A_245 = arith.constant 0 : i32
        %dma_wait3A_246 = arith.constant 0 : i32
        %dma_wait3A_247 = tpu.memref_slice %arg9[%dma_wait3A_242, %dma_wait3A_245, %dma_wait3A_246] : memref<1x128x128xf32, #tpu.memory_space<vmem>> -> memref<1x128x128xf32, #tpu.memory_space<vmem>>
        %dma_wait3A_248 = tpu.memref_squeeze %dma_wait3A_247 : memref<1x128x128xf32, #tpu.memory_space<vmem>> -> memref<128x128xf32, #tpu.memory_space<vmem>>
        %dma_wait3A_249 = arith.constant 0 : i32
        %dma_wait3A_250 = tpu.memref_slice %arg8[%dma_wait3A_243, %dma_wait3A_249] : memref<1x128xi32, #tpu.memory_space<vmem>> -> memref<1x128xi32, #tpu.memory_space<vmem>>
        %dma_wait3A_251 = tpu.memref_squeeze %dma_wait3A_250 : memref<1x128xi32, #tpu.memory_space<vmem>> -> memref<128xi32, #tpu.memory_space<vmem>>
        %dma_wait3A_252 = arith.constant 0 : i32
        %dma_wait3A_253 = arith.constant 0 : i32
        %dma_wait3A_254 = tpu.memref_slice %arg10[%dma_wait3A_252, %dma_wait3A_253] : memref<10112x128xf32, #tpu.memory_space<vmem_shared>> -> memref<10112x128xf32, #tpu.memory_space<vmem_shared>>
        %dma_wait3A_255 = tpu.memref_slice %arg12[%dma_wait3A_244] : memref<1x!tpu.dma_semaphore, #tpu.memory_space<semaphore_mem>> -> memref<1x!tpu.dma_semaphore, #tpu.memory_space<semaphore_mem>>
        %dma_wait3A_256 = tpu.memref_squeeze %dma_wait3A_255 : memref<1x!tpu.dma_semaphore, #tpu.memory_space<semaphore_mem>> -> memref<!tpu.dma_semaphore, #tpu.memory_space<semaphore_mem>>
        tpu.wait_indirect_dma semaphore(%dma_wait3A_256 : memref<!tpu.dma_semaphore, #tpu.memory_space<semaphore_mem>>) src(%dma_wait3A_248 : memref<128x128xf32, #tpu.memory_space<vmem>>) dst(%dma_wait3A_254 : memref<10112x128xf32, #tpu.memory_space<vmem_shared>>)
      }
      %scan3A_22 = arith.constant 144 : i32
    } else {
    }
    %eq3A_13 = arith.constant 1 : i32
    %eq3A_14 = arith.cmpi eq, %arg0, %eq3A_13 : i32
    %convert_element_type3A_15 = arith.extui %eq3A_14 : i1 to i32
    %cond3A_16 = arith.constant 0 : i32
    %cond3A_17 = arith.cmpi ne, %convert_element_type3A_15, %cond3A_16 : i32
    scf.if %cond3A_17 {
      %scan3A = arith.constant 0 : i32
      %scan3A_19 = arith.constant 16 : i32
      %scan3A_20 = arith.addi %scan3A, %scan3A_19 : i32
      %scan3A_21 = arith.constant 1 : i32
      scf.for %scan3A_23 = %scan3A to %scan3A_20 step %scan3A_21  : i32 {
        %mul3A_24 = arith.constant 1 : i32
        %mul3A_25 = arith.muli %scan3A_23, %mul3A_24 : i32
        %add3A = arith.constant 0 : i32
        %add3A_26 = arith.addi %add3A, %mul3A_25 : i32
        %get3A = arith.index_cast %add3A_26 : i32 to index
        %get3A_27 = arith.constant 0 : index
        %get3A_28 = tpu.vector_load %arg6[%get3A, %get3A_27] {strides = array<i32>} : memref<144x128xi32, #tpu.memory_space<vmem>>, vector<1x16xi32>,
        %get3A_29 = vector.shape_cast %get3A_28 : vector<1x16xi32> to vector<16xi32>
        %and3A = arith.constant 65535 : i32
        %and3A_30 = vector.broadcast %and3A : i32 to vector<16xi32>
        %and3A_31 = arith.andi %get3A_29, %and3A_30 : vector<16xi32>
        %swap3A = arith.constant 0 : i32
        %swap3A_32 = arith.index_cast %swap3A : i32 to index
        %swap3A_33 = arith.constant 0 : index
        %swap3A_34 = tpu.vector_load %arg7[%swap3A_32, %swap3A_33] {strides = array<i32>} : memref<1x128xi32, #tpu.memory_space<vmem>>, vector<1x16xi32>,
        %swap3A_35 = vector.shape_cast %swap3A_34 : vector<1x16xi32> to vector<16xi32>
        %swap3A_36 = vector.shape_cast %and3A_31 : vector<16xi32> to vector<1x16xi32>
        tpu.vector_store %arg7[%swap3A_32, %swap3A_33], %swap3A_36 {strides = array<i32>} : memref<1x128xi32, #tpu.memory_space<vmem>>, vector<1x16xi32>,
        %shift_right_logical3A = arith.constant 16 : i32
        %shift_right_logical3A_37 = vector.broadcast %shift_right_logical3A : i32 to vector<16xi32>
        %shift_right_logical3A_38 = arith.shrui %get3A_29, %shift_right_logical3A_37 : vector<16xi32>
        %swap3A_39 = arith.constant 0 : i32
        %swap3A_40 = arith.index_cast %swap3A_39 : i32 to index
        %swap3A_41 = arith.constant 0 : index
        %swap3A_42 = tpu.vector_load %arg8[%swap3A_40, %swap3A_41] {strides = array<i32>} : memref<1x128xi32, #tpu.memory_space<vmem>>, vector<1x16xi32>,
        %swap3A_43 = vector.shape_cast %swap3A_42 : vector<1x16xi32> to vector<16xi32>
        %swap3A_44 = vector.shape_cast %shift_right_logical3A_38 : vector<16xi32> to vector<1x16xi32>
        tpu.vector_store %arg8[%swap3A_40, %swap3A_41], %swap3A_44 {strides = array<i32>} : memref<1x128xi32, #tpu.memory_space<vmem>>, vector<1x16xi32>,
        %get3A_45 = arith.index_cast %add3A_26 : i32 to index
        %get3A_46 = arith.constant 16 : index
        %get3A_47 = tpu.vector_load %arg6[%get3A_45, %get3A_46] {strides = array<i32>} : memref<144x128xi32, #tpu.memory_space<vmem>>, vector<1x16xi32>,
        %get3A_48 = vector.shape_cast %get3A_47 : vector<1x16xi32> to vector<16xi32>
        %and3A_49 = arith.constant 65535 : i32
        %and3A_50 = vector.broadcast %and3A_49 : i32 to vector<16xi32>
        %and3A_51 = arith.andi %get3A_48, %and3A_50 : vector<16xi32>
        %swap3A_52 = arith.constant 0 : i32
        %swap3A_53 = arith.index_cast %swap3A_52 : i32 to index
        %swap3A_54 = arith.constant 16 : index
        %swap3A_55 = tpu.vector_load %arg7[%swap3A_53, %swap3A_54] {strides = array<i32>} : memref<1x128xi32, #tpu.memory_space<vmem>>, vector<1x16xi32>,
        %swap3A_56 = vector.shape_cast %swap3A_55 : vector<1x16xi32> to vector<16xi32>
        %swap3A_57 = vector.shape_cast %and3A_51 : vector<16xi32> to vector<1x16xi32>
        tpu.vector_store %arg7[%swap3A_53, %swap3A_54], %swap3A_57 {strides = array<i32>} : memref<1x128xi32, #tpu.memory_space<vmem>>, vector<1x16xi32>,
        %shift_right_logical3A_58 = arith.constant 16 : i32
        %shift_right_logical3A_59 = vector.broadcast %shift_right_logical3A_58 : i32 to vector<16xi32>
        %shift_right_logical3A_60 = arith.shrui %get3A_48, %shift_right_logical3A_59 : vector<16xi32>
        %swap3A_61 = arith.constant 0 : i32
        %swap3A_62 = arith.index_cast %swap3A_61 : i32 to index
        %swap3A_63 = arith.constant 16 : index
        %swap3A_64 = tpu.vector_load %arg8[%swap3A_62, %swap3A_63] {strides = array<i32>} : memref<1x128xi32, #tpu.memory_space<vmem>>, vector<1x16xi32>,
        %swap3A_65 = vector.shape_cast %swap3A_64 : vector<1x16xi32> to vector<16xi32>
        %swap3A_66 = vector.shape_cast %shift_right_logical3A_60 : vector<16xi32> to vector<1x16xi32>
        tpu.vector_store %arg8[%swap3A_62, %swap3A_63], %swap3A_66 {strides = array<i32>} : memref<1x128xi32, #tpu.memory_space<vmem>>, vector<1x16xi32>,
        %get3A_67 = arith.index_cast %add3A_26 : i32 to index
        %get3A_68 = arith.constant 32 : index
        %get3A_69 = tpu.vector_load %arg6[%get3A_67, %get3A_68] {strides = array<i32>} : memref<144x128xi32, #tpu.memory_space<vmem>>, vector<1x16xi32>,
        %get3A_70 = vector.shape_cast %get3A_69 : vector<1x16xi32> to vector<16xi32>
        %and3A_71 = arith.constant 65535 : i32
        %and3A_72 = vector.broadcast %and3A_71 : i32 to vector<16xi32>
        %and3A_73 = arith.andi %get3A_70, %and3A_72 : vector<16xi32>
        %swap3A_74 = arith.constant 0 : i32
        %swap3A_75 = arith.index_cast %swap3A_74 : i32 to index
        %swap3A_76 = arith.constant 32 : index
        %swap3A_77 = tpu.vector_load %arg7[%swap3A_75, %swap3A_76] {strides = array<i32>} : memref<1x128xi32, #tpu.memory_space<vmem>>, vector<1x16xi32>,
        %swap3A_78 = vector.shape_cast %swap3A_77 : vector<1x16xi32> to vector<16xi32>
        %swap3A_79 = vector.shape_cast %and3A_73 : vector<16xi32> to vector<1x16xi32>
        tpu.vector_store %arg7[%swap3A_75, %swap3A_76], %swap3A_79 {strides = array<i32>} : memref<1x128xi32, #tpu.memory_space<vmem>>, vector<1x16xi32>,
        %shift_right_logical3A_80 = arith.constant 16 : i32
        %shift_right_logical3A_81 = vector.broadcast %shift_right_logical3A_80 : i32 to vector<16xi32>
        %shift_right_logical3A_82 = arith.shrui %get3A_70, %shift_right_logical3A_81 : vector<16xi32>
        %swap3A_83 = arith.constant 0 : i32
        %swap3A_84 = arith.index_cast %swap3A_83 : i32 to index
        %swap3A_85 = arith.constant 32 : index
        %swap3A_86 = tpu.vector_load %arg8[%swap3A_84, %swap3A_85] {strides = array<i32>} : memref<1x128xi32, #tpu.memory_space<vmem>>, vector<1x16xi32>,
        %swap3A_87 = vector.shape_cast %swap3A_86 : vector<1x16xi32> to vector<16xi32>
        %swap3A_88 = vector.shape_cast %shift_right_logical3A_82 : vector<16xi32> to vector<1x16xi32>
        tpu.vector_store %arg8[%swap3A_84, %swap3A_85], %swap3A_88 {strides = array<i32>} : memref<1x128xi32, #tpu.memory_space<vmem>>, vector<1x16xi32>,
        %get3A_89 = arith.index_cast %add3A_26 : i32 to index
        %get3A_90 = arith.constant 48 : index
        %get3A_91 = tpu.vector_load %arg6[%get3A_89, %get3A_90] {strides = array<i32>} : memref<144x128xi32, #tpu.memory_space<vmem>>, vector<1x16xi32>,
        %get3A_92 = vector.shape_cast %get3A_91 : vector<1x16xi32> to vector<16xi32>
        %and3A_93 = arith.constant 65535 : i32
        %and3A_94 = vector.broadcast %and3A_93 : i32 to vector<16xi32>
        %and3A_95 = arith.andi %get3A_92, %and3A_94 : vector<16xi32>
        %swap3A_96 = arith.constant 0 : i32
        %swap3A_97 = arith.index_cast %swap3A_96 : i32 to index
        %swap3A_98 = arith.constant 48 : index
        %swap3A_99 = tpu.vector_load %arg7[%swap3A_97, %swap3A_98] {strides = array<i32>} : memref<1x128xi32, #tpu.memory_space<vmem>>, vector<1x16xi32>,
        %swap3A_100 = vector.shape_cast %swap3A_99 : vector<1x16xi32> to vector<16xi32>
        %swap3A_101 = vector.shape_cast %and3A_95 : vector<16xi32> to vector<1x16xi32>
        tpu.vector_store %arg7[%swap3A_97, %swap3A_98], %swap3A_101 {strides = array<i32>} : memref<1x128xi32, #tpu.memory_space<vmem>>, vector<1x16xi32>,
        %shift_right_logical3A_102 = arith.constant 16 : i32
        %shift_right_logical3A_103 = vector.broadcast %shift_right_logical3A_102 : i32 to vector<16xi32>
        %shift_right_logical3A_104 = arith.shrui %get3A_92, %shift_right_logical3A_103 : vector<16xi32>
        %swap3A_105 = arith.constant 0 : i32
        %swap3A_106 = arith.index_cast %swap3A_105 : i32 to index
        %swap3A_107 = arith.constant 48 : index
        %swap3A_108 = tpu.vector_load %arg8[%swap3A_106, %swap3A_107] {strides = array<i32>} : memref<1x128xi32, #tpu.memory_space<vmem>>, vector<1x16xi32>,
        %swap3A_109 = vector.shape_cast %swap3A_108 : vector<1x16xi32> to vector<16xi32>
        %swap3A_110 = vector.shape_cast %shift_right_logical3A_104 : vector<16xi32> to vector<1x16xi32>
        tpu.vector_store %arg8[%swap3A_106, %swap3A_107], %swap3A_110 {strides = array<i32>} : memref<1x128xi32, #tpu.memory_space<vmem>>, vector<1x16xi32>,
        %get3A_111 = arith.index_cast %add3A_26 : i32 to index
        %get3A_112 = arith.constant 64 : index
        %get3A_113 = tpu.vector_load %arg6[%get3A_111, %get3A_112] {strides = array<i32>} : memref<144x128xi32, #tpu.memory_space<vmem>>, vector<1x16xi32>,
        %get3A_114 = vector.shape_cast %get3A_113 : vector<1x16xi32> to vector<16xi32>
        %and3A_115 = arith.constant 65535 : i32
        %and3A_116 = vector.broadcast %and3A_115 : i32 to vector<16xi32>
        %and3A_117 = arith.andi %get3A_114, %and3A_116 : vector<16xi32>
        %swap3A_118 = arith.constant 0 : i32
        %swap3A_119 = arith.index_cast %swap3A_118 : i32 to index
        %swap3A_120 = arith.constant 64 : index
        %swap3A_121 = tpu.vector_load %arg7[%swap3A_119, %swap3A_120] {strides = array<i32>} : memref<1x128xi32, #tpu.memory_space<vmem>>, vector<1x16xi32>,
        %swap3A_122 = vector.shape_cast %swap3A_121 : vector<1x16xi32> to vector<16xi32>
        %swap3A_123 = vector.shape_cast %and3A_117 : vector<16xi32> to vector<1x16xi32>
        tpu.vector_store %arg7[%swap3A_119, %swap3A_120], %swap3A_123 {strides = array<i32>} : memref<1x128xi32, #tpu.memory_space<vmem>>, vector<1x16xi32>,
        %shift_right_logical3A_124 = arith.constant 16 : i32
        %shift_right_logical3A_125 = vector.broadcast %shift_right_logical3A_124 : i32 to vector<16xi32>
        %shift_right_logical3A_126 = arith.shrui %get3A_114, %shift_right_logical3A_125 : vector<16xi32>
        %swap3A_127 = arith.constant 0 : i32
        %swap3A_128 = arith.index_cast %swap3A_127 : i32 to index
        %swap3A_129 = arith.constant 64 : index
        %swap3A_130 = tpu.vector_load %arg8[%swap3A_128, %swap3A_129] {strides = array<i32>} : memref<1x128xi32, #tpu.memory_space<vmem>>, vector<1x16xi32>,
        %swap3A_131 = vector.shape_cast %swap3A_130 : vector<1x16xi32> to vector<16xi32>
        %swap3A_132 = vector.shape_cast %shift_right_logical3A_126 : vector<16xi32> to vector<1x16xi32>
        tpu.vector_store %arg8[%swap3A_128, %swap3A_129], %swap3A_132 {strides = array<i32>} : memref<1x128xi32, #tpu.memory_space<vmem>>, vector<1x16xi32>,
        %get3A_133 = arith.index_cast %add3A_26 : i32 to index
        %get3A_134 = arith.constant 80 : index
        %get3A_135 = tpu.vector_load %arg6[%get3A_133, %get3A_134] {strides = array<i32>} : memref<144x128xi32, #tpu.memory_space<vmem>>, vector<1x16xi32>,
        %get3A_136 = vector.shape_cast %get3A_135 : vector<1x16xi32> to vector<16xi32>
        %and3A_137 = arith.constant 65535 : i32
        %and3A_138 = vector.broadcast %and3A_137 : i32 to vector<16xi32>
        %and3A_139 = arith.andi %get3A_136, %and3A_138 : vector<16xi32>
        %swap3A_140 = arith.constant 0 : i32
        %swap3A_141 = arith.index_cast %swap3A_140 : i32 to index
        %swap3A_142 = arith.constant 80 : index
        %swap3A_143 = tpu.vector_load %arg7[%swap3A_141, %swap3A_142] {strides = array<i32>} : memref<1x128xi32, #tpu.memory_space<vmem>>, vector<1x16xi32>,
        %swap3A_144 = vector.shape_cast %swap3A_143 : vector<1x16xi32> to vector<16xi32>
        %swap3A_145 = vector.shape_cast %and3A_139 : vector<16xi32> to vector<1x16xi32>
        tpu.vector_store %arg7[%swap3A_141, %swap3A_142], %swap3A_145 {strides = array<i32>} : memref<1x128xi32, #tpu.memory_space<vmem>>, vector<1x16xi32>,
        %shift_right_logical3A_146 = arith.constant 16 : i32
        %shift_right_logical3A_147 = vector.broadcast %shift_right_logical3A_146 : i32 to vector<16xi32>
        %shift_right_logical3A_148 = arith.shrui %get3A_136, %shift_right_logical3A_147 : vector<16xi32>
        %swap3A_149 = arith.constant 0 : i32
        %swap3A_150 = arith.index_cast %swap3A_149 : i32 to index
        %swap3A_151 = arith.constant 80 : index
        %swap3A_152 = tpu.vector_load %arg8[%swap3A_150, %swap3A_151] {strides = array<i32>} : memref<1x128xi32, #tpu.memory_space<vmem>>, vector<1x16xi32>,
        %swap3A_153 = vector.shape_cast %swap3A_152 : vector<1x16xi32> to vector<16xi32>
        %swap3A_154 = vector.shape_cast %shift_right_logical3A_148 : vector<16xi32> to vector<1x16xi32>
        tpu.vector_store %arg8[%swap3A_150, %swap3A_151], %swap3A_154 {strides = array<i32>} : memref<1x128xi32, #tpu.memory_space<vmem>>, vector<1x16xi32>,
        %get3A_155 = arith.index_cast %add3A_26 : i32 to index
        %get3A_156 = arith.constant 96 : index
        %get3A_157 = tpu.vector_load %arg6[%get3A_155, %get3A_156] {strides = array<i32>} : memref<144x128xi32, #tpu.memory_space<vmem>>, vector<1x16xi32>,
        %get3A_158 = vector.shape_cast %get3A_157 : vector<1x16xi32> to vector<16xi32>
        %and3A_159 = arith.constant 65535 : i32
        %and3A_160 = vector.broadcast %and3A_159 : i32 to vector<16xi32>
        %and3A_161 = arith.andi %get3A_158, %and3A_160 : vector<16xi32>
        %swap3A_162 = arith.constant 0 : i32
        %swap3A_163 = arith.index_cast %swap3A_162 : i32 to index
        %swap3A_164 = arith.constant 96 : index
        %swap3A_165 = tpu.vector_load %arg7[%swap3A_163, %swap3A_164] {strides = array<i32>} : memref<1x128xi32, #tpu.memory_space<vmem>>, vector<1x16xi32>,
        %swap3A_166 = vector.shape_cast %swap3A_165 : vector<1x16xi32> to vector<16xi32>
        %swap3A_167 = vector.shape_cast %and3A_161 : vector<16xi32> to vector<1x16xi32>
        tpu.vector_store %arg7[%swap3A_163, %swap3A_164], %swap3A_167 {strides = array<i32>} : memref<1x128xi32, #tpu.memory_space<vmem>>, vector<1x16xi32>,
        %shift_right_logical3A_168 = arith.constant 16 : i32
        %shift_right_logical3A_169 = vector.broadcast %shift_right_logical3A_168 : i32 to vector<16xi32>
        %shift_right_logical3A_170 = arith.shrui %get3A_158, %shift_right_logical3A_169 : vector<16xi32>
        %swap3A_171 = arith.constant 0 : i32
        %swap3A_172 = arith.index_cast %swap3A_171 : i32 to index
        %swap3A_173 = arith.constant 96 : index
        %swap3A_174 = tpu.vector_load %arg8[%swap3A_172, %swap3A_173] {strides = array<i32>} : memref<1x128xi32, #tpu.memory_space<vmem>>, vector<1x16xi32>,
        %swap3A_175 = vector.shape_cast %swap3A_174 : vector<1x16xi32> to vector<16xi32>
        %swap3A_176 = vector.shape_cast %shift_right_logical3A_170 : vector<16xi32> to vector<1x16xi32>
        tpu.vector_store %arg8[%swap3A_172, %swap3A_173], %swap3A_176 {strides = array<i32>} : memref<1x128xi32, #tpu.memory_space<vmem>>, vector<1x16xi32>,
        %get3A_177 = arith.index_cast %add3A_26 : i32 to index
        %get3A_178 = arith.constant 112 : index
        %get3A_179 = tpu.vector_load %arg6[%get3A_177, %get3A_178] {strides = array<i32>} : memref<144x128xi32, #tpu.memory_space<vmem>>, vector<1x16xi32>,
        %get3A_180 = vector.shape_cast %get3A_179 : vector<1x16xi32> to vector<16xi32>
        %and3A_181 = arith.constant 65535 : i32
        %and3A_182 = vector.broadcast %and3A_181 : i32 to vector<16xi32>
        %and3A_183 = arith.andi %get3A_180, %and3A_182 : vector<16xi32>
        %swap3A_184 = arith.constant 0 : i32
        %swap3A_185 = arith.index_cast %swap3A_184 : i32 to index
        %swap3A_186 = arith.constant 112 : index
        %swap3A_187 = tpu.vector_load %arg7[%swap3A_185, %swap3A_186] {strides = array<i32>} : memref<1x128xi32, #tpu.memory_space<vmem>>, vector<1x16xi32>,
        %swap3A_188 = vector.shape_cast %swap3A_187 : vector<1x16xi32> to vector<16xi32>
        %swap3A_189 = vector.shape_cast %and3A_183 : vector<16xi32> to vector<1x16xi32>
        tpu.vector_store %arg7[%swap3A_185, %swap3A_186], %swap3A_189 {strides = array<i32>} : memref<1x128xi32, #tpu.memory_space<vmem>>, vector<1x16xi32>,
        %shift_right_logical3A_190 = arith.constant 16 : i32
        %shift_right_logical3A_191 = vector.broadcast %shift_right_logical3A_190 : i32 to vector<16xi32>
        %shift_right_logical3A_192 = arith.shrui %get3A_180, %shift_right_logical3A_191 : vector<16xi32>
        %swap3A_193 = arith.constant 0 : i32
        %swap3A_194 = arith.index_cast %swap3A_193 : i32 to index
        %swap3A_195 = arith.constant 112 : index
        %swap3A_196 = tpu.vector_load %arg8[%swap3A_194, %swap3A_195] {strides = array<i32>} : memref<1x128xi32, #tpu.memory_space<vmem>>, vector<1x16xi32>,
        %swap3A_197 = vector.shape_cast %swap3A_196 : vector<1x16xi32> to vector<16xi32>
        %swap3A_198 = vector.shape_cast %shift_right_logical3A_192 : vector<16xi32> to vector<1x16xi32>
        tpu.vector_store %arg8[%swap3A_194, %swap3A_195], %swap3A_198 {strides = array<i32>} : memref<1x128xi32, #tpu.memory_space<vmem>>, vector<1x16xi32>,
        %dma_start3A = arith.constant 0 : i32
        %dma_start3A_199 = arith.constant 0 : i32
        %dma_start3A_200 = arith.constant 0 : i32
        %dma_start3A_201 = arith.constant 0 : i32
        %dma_start3A_202 = arith.constant 0 : i32
        %dma_start3A_203 = tpu.memref_slice %arg9[%dma_start3A_199, %dma_start3A_201, %dma_start3A_202] : memref<1x128x128xf32, #tpu.memory_space<vmem>> -> memref<1x128x128xf32, #tpu.memory_space<vmem>>
        %dma_start3A_204 = tpu.memref_squeeze %dma_start3A_203 : memref<1x128x128xf32, #tpu.memory_space<vmem>> -> memref<128x128xf32, #tpu.memory_space<vmem>>
        %dma_start3A_205 = arith.constant 0 : i32
        %dma_start3A_206 = tpu.memref_slice %arg7[%dma_start3A, %dma_start3A_205] : memref<1x128xi32, #tpu.memory_space<vmem>> -> memref<1x128xi32, #tpu.memory_space<vmem>>
        %dma_start3A_207 = tpu.memref_squeeze %dma_start3A_206 : memref<1x128xi32, #tpu.memory_space<vmem>> -> memref<128xi32, #tpu.memory_space<vmem>>
        %dma_start3A_208 = arith.constant 0 : i32
        %dma_start3A_209 = arith.constant 0 : i32
        %dma_start3A_210 = tpu.memref_slice %arg2[%dma_start3A_208, %dma_start3A_209] : memref<10240x128xf32, #tpu.memory_space<hbm>> -> memref<10240x128xf32, #tpu.memory_space<hbm>>
        %dma_start3A_211 = tpu.memref_slice %arg11[%dma_start3A_200] : memref<1x!tpu.dma_semaphore, #tpu.memory_space<semaphore_mem>> -> memref<1x!tpu.dma_semaphore, #tpu.memory_space<semaphore_mem>>
        %dma_start3A_212 = tpu.memref_squeeze %dma_start3A_211 : memref<1x!tpu.dma_semaphore, #tpu.memory_space<semaphore_mem>> -> memref<!tpu.dma_semaphore, #tpu.memory_space<semaphore_mem>>
        tpu.enqueue_indirect_dma source(%dma_start3A_210 : memref<10240x128xf32, #tpu.memory_space<hbm>>) target(%dma_start3A_204 : memref<128x128xf32, #tpu.memory_space<vmem>>) offsets(%dma_start3A_207 : memref<128xi32, #tpu.memory_space<vmem>>) semaphore(%dma_start3A_212 : memref<!tpu.dma_semaphore, #tpu.memory_space<semaphore_mem>>)
        %dma_wait3A = arith.constant 0 : i32
        %dma_wait3A_213 = arith.constant 0 : i32
        %dma_wait3A_214 = arith.constant 0 : i32
        %dma_wait3A_215 = arith.constant 0 : i32
        %dma_wait3A_216 = arith.constant 0 : i32
        %dma_wait3A_217 = tpu.memref_slice %arg9[%dma_wait3A_213, %dma_wait3A_215, %dma_wait3A_216] : memref<1x128x128xf32, #tpu.memory_space<vmem>> -> memref<1x128x128xf32, #tpu.memory_space<vmem>>
        %dma_wait3A_218 = tpu.memref_squeeze %dma_wait3A_217 : memref<1x128x128xf32, #tpu.memory_space<vmem>> -> memref<128x128xf32, #tpu.memory_space<vmem>>
        %dma_wait3A_219 = arith.constant 0 : i32
        %dma_wait3A_220 = tpu.memref_slice %arg7[%dma_wait3A, %dma_wait3A_219] : memref<1x128xi32, #tpu.memory_space<vmem>> -> memref<1x128xi32, #tpu.memory_space<vmem>>
        %dma_wait3A_221 = tpu.memref_squeeze %dma_wait3A_220 : memref<1x128xi32, #tpu.memory_space<vmem>> -> memref<128xi32, #tpu.memory_space<vmem>>
        %dma_wait3A_222 = arith.constant 0 : i32
        %dma_wait3A_223 = arith.constant 0 : i32
        %dma_wait3A_224 = tpu.memref_slice %arg2[%dma_wait3A_222, %dma_wait3A_223] : memref<10240x128xf32, #tpu.memory_space<hbm>> -> memref<10240x128xf32, #tpu.memory_space<hbm>>
        %dma_wait3A_225 = tpu.memref_slice %arg11[%dma_wait3A_214] : memref<1x!tpu.dma_semaphore, #tpu.memory_space<semaphore_mem>> -> memref<1x!tpu.dma_semaphore, #tpu.memory_space<semaphore_mem>>
        %dma_wait3A_226 = tpu.memref_squeeze %dma_wait3A_225 : memref<1x!tpu.dma_semaphore, #tpu.memory_space<semaphore_mem>> -> memref<!tpu.dma_semaphore, #tpu.memory_space<semaphore_mem>>
        tpu.wait_indirect_dma semaphore(%dma_wait3A_226 : memref<!tpu.dma_semaphore, #tpu.memory_space<semaphore_mem>>) src(%dma_wait3A_224 : memref<10240x128xf32, #tpu.memory_space<hbm>>) dst(%dma_wait3A_218 : memref<128x128xf32, #tpu.memory_space<vmem>>)
        %dma_start3A_227 = arith.constant 0 : i32
        %dma_start3A_228 = arith.constant 0 : i32
        %dma_start3A_229 = arith.constant 0 : i32
        %dma_start3A_230 = arith.constant 0 : i32
        %dma_start3A_231 = arith.constant 0 : i32
        %dma_start3A_232 = tpu.memref_slice %arg9[%dma_start3A_227, %dma_start3A_230, %dma_start3A_231] : memref<1x128x128xf32, #tpu.memory_space<vmem>> -> memref<1x128x128xf32, #tpu.memory_space<vmem>>
        %dma_start3A_233 = tpu.memref_squeeze %dma_start3A_232 : memref<1x128x128xf32, #tpu.memory_space<vmem>> -> memref<128x128xf32, #tpu.memory_space<vmem>>
        %dma_start3A_234 = arith.constant 0 : i32
        %dma_start3A_235 = tpu.memref_slice %arg8[%dma_start3A_228, %dma_start3A_234] : memref<1x128xi32, #tpu.memory_space<vmem>> -> memref<1x128xi32, #tpu.memory_space<vmem>>
        %dma_start3A_236 = tpu.memref_squeeze %dma_start3A_235 : memref<1x128xi32, #tpu.memory_space<vmem>> -> memref<128xi32, #tpu.memory_space<vmem>>
        %dma_start3A_237 = arith.constant 0 : i32
        %dma_start3A_238 = arith.constant 0 : i32
        %dma_start3A_239 = tpu.memref_slice %arg10[%dma_start3A_237, %dma_start3A_238] : memref<10112x128xf32, #tpu.memory_space<vmem_shared>> -> memref<10112x128xf32, #tpu.memory_space<vmem_shared>>
        %dma_start3A_240 = tpu.memref_slice %arg12[%dma_start3A_229] : memref<1x!tpu.dma_semaphore, #tpu.memory_space<semaphore_mem>> -> memref<1x!tpu.dma_semaphore, #tpu.memory_space<semaphore_mem>>
        %dma_start3A_241 = tpu.memref_squeeze %dma_start3A_240 : memref<1x!tpu.dma_semaphore, #tpu.memory_space<semaphore_mem>> -> memref<!tpu.dma_semaphore, #tpu.memory_space<semaphore_mem>>
        tpu.enqueue_indirect_dma source(%dma_start3A_233 : memref<128x128xf32, #tpu.memory_space<vmem>>) target(%dma_start3A_239 : memref<10112x128xf32, #tpu.memory_space<vmem_shared>>) offsets(%dma_start3A_236 : memref<128xi32, #tpu.memory_space<vmem>>) semaphore(%dma_start3A_241 : memref<!tpu.dma_semaphore, #tpu.memory_space<semaphore_mem>>) {add = true}
        %dma_wait3A_242 = arith.constant 0 : i32
        %dma_wait3A_243 = arith.constant 0 : i32
        %dma_wait3A_244 = arith.constant 0 : i32
        %dma_wait3A_245 = arith.constant 0 : i32
        %dma_wait3A_246 = arith.constant 0 : i32
        %dma_wait3A_247 = tpu.memref_slice %arg9[%dma_wait3A_242, %dma_wait3A_245, %dma_wait3A_246] : memref<1x128x128xf32, #tpu.memory_space<vmem>> -> memref<1x128x128xf32, #tpu.memory_space<vmem>>
        %dma_wait3A_248 = tpu.memref_squeeze %dma_wait3A_247 : memref<1x128x128xf32, #tpu.memory_space<vmem>> -> memref<128x128xf32, #tpu.memory_space<vmem>>
        %dma_wait3A_249 = arith.constant 0 : i32
        %dma_wait3A_250 = tpu.memref_slice %arg8[%dma_wait3A_243, %dma_wait3A_249] : memref<1x128xi32, #tpu.memory_space<vmem>> -> memref<1x128xi32, #tpu.memory_space<vmem>>
        %dma_wait3A_251 = tpu.memref_squeeze %dma_wait3A_250 : memref<1x128xi32, #tpu.memory_space<vmem>> -> memref<128xi32, #tpu.memory_space<vmem>>
        %dma_wait3A_252 = arith.constant 0 : i32
        %dma_wait3A_253 = arith.constant 0 : i32
        %dma_wait3A_254 = tpu.memref_slice %arg10[%dma_wait3A_252, %dma_wait3A_253] : memref<10112x128xf32, #tpu.memory_space<vmem_shared>> -> memref<10112x128xf32, #tpu.memory_space<vmem_shared>>
        %dma_wait3A_255 = tpu.memref_slice %arg12[%dma_wait3A_244] : memref<1x!tpu.dma_semaphore, #tpu.memory_space<semaphore_mem>> -> memref<1x!tpu.dma_semaphore, #tpu.memory_space<semaphore_mem>>
        %dma_wait3A_256 = tpu.memref_squeeze %dma_wait3A_255 : memref<1x!tpu.dma_semaphore, #tpu.memory_space<semaphore_mem>> -> memref<!tpu.dma_semaphore, #tpu.memory_space<semaphore_mem>>
        tpu.wait_indirect_dma semaphore(%dma_wait3A_256 : memref<!tpu.dma_semaphore, #tpu.memory_space<semaphore_mem>>) src(%dma_wait3A_248 : memref<128x128xf32, #tpu.memory_space<vmem>>) dst(%dma_wait3A_254 : memref<10112x128xf32, #tpu.memory_space<vmem_shared>>)
      }
      %scan3A_22 = arith.constant 16 : i32
    } else {
    }
    %barrier3A_18 = arith.constant 0 : index
    tpu.barrier barrier_id(%barrier3A_18)
    "tpu.region"() ({
      %run_scoped3A = tpu.sem_alloc : memref<!tpu.dma_semaphore, #tpu.memory_space<semaphore_mem>>
      %dma_start3A = arith.constant 0 : i32
      %dma_start3A_19 = tpu.memref_slice %arg5[%arg0, %mul3A_0, %dma_start3A] : memref<2x10240x128xf32, #tpu.memory_space<hbm>> -> memref<1x632x128xf32, #tpu.memory_space<hbm>>
      %dma_start3A_20 = tpu.memref_squeeze %dma_start3A_19 : memref<1x632x128xf32, #tpu.memory_space<hbm>> -> memref<632x128xf32, #tpu.memory_space<hbm>>
      %dma_start3A_21 = arith.constant 0 : i32
      %dma_start3A_22 = tpu.memref_slice %arg10[%mul3A_0, %dma_start3A_21] : memref<10112x128xf32, #tpu.memory_space<vmem_shared>> -> memref<632x128xf32, #tpu.memory_space<vmem_shared>>
      tpu.enqueue_dma source(%dma_start3A_22 : memref<632x128xf32, #tpu.memory_space<vmem_shared>>) target(%dma_start3A_20 : memref<632x128xf32, #tpu.memory_space<hbm>>) target_semaphore(%run_scoped3A : memref<!tpu.dma_semaphore, #tpu.memory_space<semaphore_mem>>)
      %dma_wait3A = arith.constant 0 : i32
      %dma_wait3A_23 = tpu.memref_slice %arg5[%arg0, %mul3A_0, %dma_wait3A] : memref<2x10240x128xf32, #tpu.memory_space<hbm>> -> memref<1x632x128xf32, #tpu.memory_space<hbm>>
      %dma_wait3A_24 = tpu.memref_squeeze %dma_wait3A_23 : memref<1x632x128xf32, #tpu.memory_space<hbm>> -> memref<632x128xf32, #tpu.memory_space<hbm>>
      %dma_wait3A_25 = arith.constant 0 : i32
      %dma_wait3A_26 = tpu.memref_slice %arg10[%mul3A_0, %dma_wait3A_25] : memref<10112x128xf32, #tpu.memory_space<vmem_shared>> -> memref<632x128xf32, #tpu.memory_space<vmem_shared>>
      tpu.wait_dma2 semaphore(%run_scoped3A : memref<!tpu.dma_semaphore, #tpu.memory_space<semaphore_mem>>) src(%dma_wait3A_26 : memref<632x128xf32, #tpu.memory_space<vmem_shared>>) dst(%dma_wait3A_24 : memref<632x128xf32, #tpu.memory_space<hbm>>)
      tpu.yield
    }) : () -> ()
    return
  }
}

#map = affine_map<(d0, d1) -> (0, 0)>
#map1 = affine_map<(d0, d1) -> (0, 0, 0)>
module attributes {stable_mosaic.version = 14 : i64} {
  func.func @_sc_agg_body(%arg0: i32, %arg1: i32, %arg2: memref<10240x128xf32, #tpu.memory_space<hbm>>, %arg3: memref<2560x128xi32, #tpu.memory_space<hbm>>, %arg4: memref<10240x128xf32, #tpu.memory_space<hbm>>, %arg5: memref<2x10240x128xf32, #tpu.memory_space<hbm>>, %arg6: memref<144x128xi32, #tpu.memory_space<vmem>>, %arg7: memref<1x128xi32, #tpu.memory_space<vmem>>, %arg8: memref<1x128xi32, #tpu.memory_space<vmem>>, %arg9: memref<1x128x128xf32, #tpu.memory_space<vmem>>, %arg10: memref<10112x128xf32, #tpu.memory_space<vmem_shared>>, %arg11: memref<1x!tpu.dma_semaphore, #tpu.memory_space<semaphore_mem>>, %arg12: memref<1x!tpu.dma_semaphore, #tpu.memory_space<semaphore_mem>>) attributes {dimension_semantics = [#tpu.dimension_semantics<core_parallel>, #tpu.dimension_semantics<subcore_parallel>], iteration_bounds = array<i64: 2, 16>, scalar_prefetch = 0 : i64, scratch_operands = 7 : i64, tpu.core_type = #tpu.core_type<sc_vector_subcore>, window_params = [{transform_indices = #map}, {transform_indices = #map}, {transform_indices = #map}, {transform_indices = #map1}]} {
    %mul3A = arith.constant 632 : i32
    %mul3A_0 = arith.muli %arg1, %mul3A : i32
    "tpu.region"() ({
      %run_scoped3A = tpu.sem_alloc : memref<!tpu.dma_semaphore, #tpu.memory_space<semaphore_mem>>
      %dma_start3A = arith.constant 0 : i32
      %dma_start3A_19 = tpu.memref_slice %arg10[%mul3A_0, %dma_start3A] : memref<10112x128xf32, #tpu.memory_space<vmem_shared>> -> memref<632x128xf32, #tpu.memory_space<vmem_shared>>
      %dma_start3A_20 = arith.constant 0 : i32
      %dma_start3A_21 = tpu.memref_slice %arg4[%mul3A_0, %dma_start3A_20] : memref<10240x128xf32, #tpu.memory_space<hbm>> -> memref<632x128xf32, #tpu.memory_space<hbm>>
      tpu.enqueue_dma source(%dma_start3A_21 : memref<632x128xf32, #tpu.memory_space<hbm>>) target(%dma_start3A_19 : memref<632x128xf32, #tpu.memory_space<vmem_shared>>) target_semaphore(%run_scoped3A : memref<!tpu.dma_semaphore, #tpu.memory_space<semaphore_mem>>)
      %dma_wait3A = arith.constant 0 : i32
      %dma_wait3A_22 = tpu.memref_slice %arg10[%mul3A_0, %dma_wait3A] : memref<10112x128xf32, #tpu.memory_space<vmem_shared>> -> memref<632x128xf32, #tpu.memory_space<vmem_shared>>
      %dma_wait3A_23 = arith.constant 0 : i32
      %dma_wait3A_24 = tpu.memref_slice %arg4[%mul3A_0, %dma_wait3A_23] : memref<10240x128xf32, #tpu.memory_space<hbm>> -> memref<632x128xf32, #tpu.memory_space<hbm>>
      tpu.wait_dma2 semaphore(%run_scoped3A : memref<!tpu.dma_semaphore, #tpu.memory_space<semaphore_mem>>) src(%dma_wait3A_24 : memref<632x128xf32, #tpu.memory_space<hbm>>) dst(%dma_wait3A_22 : memref<632x128xf32, #tpu.memory_space<vmem_shared>>)
      tpu.yield
    }) : () -> ()
    %eq3A = arith.constant 0 : i32
    %eq3A_1 = arith.cmpi eq, %arg0, %eq3A : i32
    %convert_element_type3A = arith.extui %eq3A_1 : i1 to i32
    %cond3A = arith.constant 0 : i32
    %cond3A_2 = arith.cmpi ne, %convert_element_type3A, %cond3A : i32
    scf.if %cond3A_2 {
      %mul3A_19 = arith.constant 144 : i32
      %mul3A_20 = arith.muli %arg1, %mul3A_19 : i32
      "tpu.region"() ({
        %run_scoped3A = tpu.sem_alloc : memref<!tpu.dma_semaphore, #tpu.memory_space<semaphore_mem>>
        %dma_start3A = arith.constant 0 : i32
        %dma_start3A_21 = tpu.memref_slice %arg3[%mul3A_20, %dma_start3A] : memref<2560x128xi32, #tpu.memory_space<hbm>> -> memref<144x128xi32, #tpu.memory_space<hbm>>
        %dma_start3A_22 = arith.constant 0 : i32
        %dma_start3A_23 = tpu.memref_slice %arg3[%mul3A_20, %dma_start3A_22] : memref<2560x128xi32, #tpu.memory_space<hbm>> -> memref<144x128xi32, #tpu.memory_space<hbm>>
        tpu.enqueue_dma source(%dma_start3A_23 : memref<144x128xi32, #tpu.memory_space<hbm>>) target(%arg6 : memref<144x128xi32, #tpu.memory_space<vmem>>) target_semaphore(%run_scoped3A : memref<!tpu.dma_semaphore, #tpu.memory_space<semaphore_mem>>)
        %dma_wait3A = arith.constant 0 : i32
        %dma_wait3A_24 = tpu.memref_slice %arg3[%mul3A_20, %dma_wait3A] : memref<2560x128xi32, #tpu.memory_space<hbm>> -> memref<144x128xi32, #tpu.memory_space<hbm>>
        %dma_wait3A_25 = arith.constant 0 : i32
        %dma_wait3A_26 = tpu.memref_slice %arg3[%mul3A_20, %dma_wait3A_25] : memref<2560x128xi32, #tpu.memory_space<hbm>> -> memref<144x128xi32, #tpu.memory_space<hbm>>
        tpu.wait_dma2 semaphore(%run_scoped3A : memref<!tpu.dma_semaphore, #tpu.memory_space<semaphore_mem>>) src(%dma_wait3A_26 : memref<144x128xi32, #tpu.memory_space<hbm>>) dst(%arg6 : memref<144x128xi32, #tpu.memory_space<vmem>>)
        tpu.yield
      }) : () -> ()
    } else {
    }
    %eq3A_3 = arith.constant 1 : i32
    %eq3A_4 = arith.cmpi eq, %arg0, %eq3A_3 : i32
    %convert_element_type3A_5 = arith.extui %eq3A_4 : i1 to i32
    %cond3A_6 = arith.constant 0 : i32
    %cond3A_7 = arith.cmpi ne, %convert_element_type3A_5, %cond3A_6 : i32
    scf.if %cond3A_7 {
      %mul3A_19 = arith.constant 16 : i32
      %mul3A_20 = arith.muli %arg1, %mul3A_19 : i32
      %add3A = arith.constant 2304 : i32
      %add3A_21 = arith.addi %add3A, %mul3A_20 : i32
      "tpu.region"() ({
        %run_scoped3A = tpu.sem_alloc : memref<!tpu.dma_semaphore, #tpu.memory_space<semaphore_mem>>
        %dma_start3A = arith.constant 0 : i32
        %dma_start3A_22 = arith.constant 0 : i32
        %dma_start3A_23 = tpu.memref_slice %arg6[%dma_start3A, %dma_start3A_22] : memref<144x128xi32, #tpu.memory_space<vmem>> -> memref<16x128xi32, #tpu.memory_space<vmem>>
        %dma_start3A_24 = arith.constant 0 : i32
        %dma_start3A_25 = tpu.memref_slice %arg3[%add3A_21, %dma_start3A_24] : memref<2560x128xi32, #tpu.memory_space<hbm>> -> memref<16x128xi32, #tpu.memory_space<hbm>>
        %dma_start3A_26 = arith.constant 0 : i32
        %dma_start3A_27 = arith.constant 0 : i32
        %dma_start3A_28 = tpu.memref_slice %arg6[%dma_start3A_26, %dma_start3A_27] : memref<144x128xi32, #tpu.memory_space<vmem>> -> memref<16x128xi32, #tpu.memory_space<vmem>>
        %dma_start3A_29 = arith.constant 0 : i32
        %dma_start3A_30 = tpu.memref_slice %arg3[%add3A_21, %dma_start3A_29] : memref<2560x128xi32, #tpu.memory_space<hbm>> -> memref<16x128xi32, #tpu.memory_space<hbm>>
        tpu.enqueue_dma source(%dma_start3A_30 : memref<16x128xi32, #tpu.memory_space<hbm>>) target(%dma_start3A_28 : memref<16x128xi32, #tpu.memory_space<vmem>>) target_semaphore(%run_scoped3A : memref<!tpu.dma_semaphore, #tpu.memory_space<semaphore_mem>>)
        %dma_wait3A = arith.constant 0 : i32
        %dma_wait3A_31 = arith.constant 0 : i32
        %dma_wait3A_32 = tpu.memref_slice %arg6[%dma_wait3A, %dma_wait3A_31] : memref<144x128xi32, #tpu.memory_space<vmem>> -> memref<16x128xi32, #tpu.memory_space<vmem>>
        %dma_wait3A_33 = arith.constant 0 : i32
        %dma_wait3A_34 = tpu.memref_slice %arg3[%add3A_21, %dma_wait3A_33] : memref<2560x128xi32, #tpu.memory_space<hbm>> -> memref<16x128xi32, #tpu.memory_space<hbm>>
        %dma_wait3A_35 = arith.constant 0 : i32
        %dma_wait3A_36 = arith.constant 0 : i32
        %dma_wait3A_37 = tpu.memref_slice %arg6[%dma_wait3A_35, %dma_wait3A_36] : memref<144x128xi32, #tpu.memory_space<vmem>> -> memref<16x128xi32, #tpu.memory_space<vmem>>
        %dma_wait3A_38 = arith.constant 0 : i32
        %dma_wait3A_39 = tpu.memref_slice %arg3[%add3A_21, %dma_wait3A_38] : memref<2560x128xi32, #tpu.memory_space<hbm>> -> memref<16x128xi32, #tpu.memory_space<hbm>>
        tpu.wait_dma2 semaphore(%run_scoped3A : memref<!tpu.dma_semaphore, #tpu.memory_space<semaphore_mem>>) src(%dma_wait3A_39 : memref<16x128xi32, #tpu.memory_space<hbm>>) dst(%dma_wait3A_37 : memref<16x128xi32, #tpu.memory_space<vmem>>)
        tpu.yield
      }) : () -> ()
    } else {
    }
    %barrier3A = arith.constant 0 : index
    tpu.barrier barrier_id(%barrier3A)
    %eq3A_8 = arith.constant 0 : i32
    %eq3A_9 = arith.cmpi eq, %arg0, %eq3A_8 : i32
    %convert_element_type3A_10 = arith.extui %eq3A_9 : i1 to i32
    %cond3A_11 = arith.constant 0 : i32
    %cond3A_12 = arith.cmpi ne, %convert_element_type3A_10, %cond3A_11 : i32
    scf.if %cond3A_12 {
      %scan3A = arith.constant 0 : i32
      %scan3A_19 = arith.constant 144 : i32
      %scan3A_20 = arith.addi %scan3A, %scan3A_19 : i32
      %scan3A_21 = arith.constant 1 : i32
      scf.for %scan3A_23 = %scan3A to %scan3A_20 step %scan3A_21  : i32 {
        %mul3A_24 = arith.constant 1 : i32
        %mul3A_25 = arith.muli %scan3A_23, %mul3A_24 : i32
        %add3A = arith.constant 0 : i32
        %add3A_26 = arith.addi %add3A, %mul3A_25 : i32
        %get3A = arith.index_cast %add3A_26 : i32 to index
        %get3A_27 = arith.constant 0 : index
        %get3A_28 = tpu.vector_load %arg6[%get3A, %get3A_27] {strides = array<i32>} : memref<144x128xi32, #tpu.memory_space<vmem>>, vector<1x16xi32>,
        %get3A_29 = vector.shape_cast %get3A_28 : vector<1x16xi32> to vector<16xi32>
        %and3A = arith.constant 65535 : i32
        %and3A_30 = vector.broadcast %and3A : i32 to vector<16xi32>
        %and3A_31 = arith.andi %get3A_29, %and3A_30 : vector<16xi32>
        %swap3A = arith.constant 0 : i32
        %swap3A_32 = arith.index_cast %swap3A : i32 to index
        %swap3A_33 = arith.constant 0 : index
        %swap3A_34 = tpu.vector_load %arg7[%swap3A_32, %swap3A_33] {strides = array<i32>} : memref<1x128xi32, #tpu.memory_space<vmem>>, vector<1x16xi32>,
        %swap3A_35 = vector.shape_cast %swap3A_34 : vector<1x16xi32> to vector<16xi32>
        %swap3A_36 = vector.shape_cast %and3A_31 : vector<16xi32> to vector<1x16xi32>
        tpu.vector_store %arg7[%swap3A_32, %swap3A_33], %swap3A_36 {strides = array<i32>} : memref<1x128xi32, #tpu.memory_space<vmem>>, vector<1x16xi32>,
        %shift_right_logical3A = arith.constant 16 : i32
        %shift_right_logical3A_37 = vector.broadcast %shift_right_logical3A : i32 to vector<16xi32>
        %shift_right_logical3A_38 = arith.shrui %get3A_29, %shift_right_logical3A_37 : vector<16xi32>
        %swap3A_39 = arith.constant 0 : i32
        %swap3A_40 = arith.index_cast %swap3A_39 : i32 to index
        %swap3A_41 = arith.constant 0 : index
        %swap3A_42 = tpu.vector_load %arg8[%swap3A_40, %swap3A_41] {strides = array<i32>} : memref<1x128xi32, #tpu.memory_space<vmem>>, vector<1x16xi32>,
        %swap3A_43 = vector.shape_cast %swap3A_42 : vector<1x16xi32> to vector<16xi32>
        %swap3A_44 = vector.shape_cast %shift_right_logical3A_38 : vector<16xi32> to vector<1x16xi32>
        tpu.vector_store %arg8[%swap3A_40, %swap3A_41], %swap3A_44 {strides = array<i32>} : memref<1x128xi32, #tpu.memory_space<vmem>>, vector<1x16xi32>,
        %get3A_45 = arith.index_cast %add3A_26 : i32 to index
        %get3A_46 = arith.constant 16 : index
        %get3A_47 = tpu.vector_load %arg6[%get3A_45, %get3A_46] {strides = array<i32>} : memref<144x128xi32, #tpu.memory_space<vmem>>, vector<1x16xi32>,
        %get3A_48 = vector.shape_cast %get3A_47 : vector<1x16xi32> to vector<16xi32>
        %and3A_49 = arith.constant 65535 : i32
        %and3A_50 = vector.broadcast %and3A_49 : i32 to vector<16xi32>
        %and3A_51 = arith.andi %get3A_48, %and3A_50 : vector<16xi32>
        %swap3A_52 = arith.constant 0 : i32
        %swap3A_53 = arith.index_cast %swap3A_52 : i32 to index
        %swap3A_54 = arith.constant 16 : index
        %swap3A_55 = tpu.vector_load %arg7[%swap3A_53, %swap3A_54] {strides = array<i32>} : memref<1x128xi32, #tpu.memory_space<vmem>>, vector<1x16xi32>,
        %swap3A_56 = vector.shape_cast %swap3A_55 : vector<1x16xi32> to vector<16xi32>
        %swap3A_57 = vector.shape_cast %and3A_51 : vector<16xi32> to vector<1x16xi32>
        tpu.vector_store %arg7[%swap3A_53, %swap3A_54], %swap3A_57 {strides = array<i32>} : memref<1x128xi32, #tpu.memory_space<vmem>>, vector<1x16xi32>,
        %shift_right_logical3A_58 = arith.constant 16 : i32
        %shift_right_logical3A_59 = vector.broadcast %shift_right_logical3A_58 : i32 to vector<16xi32>
        %shift_right_logical3A_60 = arith.shrui %get3A_48, %shift_right_logical3A_59 : vector<16xi32>
        %swap3A_61 = arith.constant 0 : i32
        %swap3A_62 = arith.index_cast %swap3A_61 : i32 to index
        %swap3A_63 = arith.constant 16 : index
        %swap3A_64 = tpu.vector_load %arg8[%swap3A_62, %swap3A_63] {strides = array<i32>} : memref<1x128xi32, #tpu.memory_space<vmem>>, vector<1x16xi32>,
        %swap3A_65 = vector.shape_cast %swap3A_64 : vector<1x16xi32> to vector<16xi32>
        %swap3A_66 = vector.shape_cast %shift_right_logical3A_60 : vector<16xi32> to vector<1x16xi32>
        tpu.vector_store %arg8[%swap3A_62, %swap3A_63], %swap3A_66 {strides = array<i32>} : memref<1x128xi32, #tpu.memory_space<vmem>>, vector<1x16xi32>,
        %get3A_67 = arith.index_cast %add3A_26 : i32 to index
        %get3A_68 = arith.constant 32 : index
        %get3A_69 = tpu.vector_load %arg6[%get3A_67, %get3A_68] {strides = array<i32>} : memref<144x128xi32, #tpu.memory_space<vmem>>, vector<1x16xi32>,
        %get3A_70 = vector.shape_cast %get3A_69 : vector<1x16xi32> to vector<16xi32>
        %and3A_71 = arith.constant 65535 : i32
        %and3A_72 = vector.broadcast %and3A_71 : i32 to vector<16xi32>
        %and3A_73 = arith.andi %get3A_70, %and3A_72 : vector<16xi32>
        %swap3A_74 = arith.constant 0 : i32
        %swap3A_75 = arith.index_cast %swap3A_74 : i32 to index
        %swap3A_76 = arith.constant 32 : index
        %swap3A_77 = tpu.vector_load %arg7[%swap3A_75, %swap3A_76] {strides = array<i32>} : memref<1x128xi32, #tpu.memory_space<vmem>>, vector<1x16xi32>,
        %swap3A_78 = vector.shape_cast %swap3A_77 : vector<1x16xi32> to vector<16xi32>
        %swap3A_79 = vector.shape_cast %and3A_73 : vector<16xi32> to vector<1x16xi32>
        tpu.vector_store %arg7[%swap3A_75, %swap3A_76], %swap3A_79 {strides = array<i32>} : memref<1x128xi32, #tpu.memory_space<vmem>>, vector<1x16xi32>,
        %shift_right_logical3A_80 = arith.constant 16 : i32
        %shift_right_logical3A_81 = vector.broadcast %shift_right_logical3A_80 : i32 to vector<16xi32>
        %shift_right_logical3A_82 = arith.shrui %get3A_70, %shift_right_logical3A_81 : vector<16xi32>
        %swap3A_83 = arith.constant 0 : i32
        %swap3A_84 = arith.index_cast %swap3A_83 : i32 to index
        %swap3A_85 = arith.constant 32 : index
        %swap3A_86 = tpu.vector_load %arg8[%swap3A_84, %swap3A_85] {strides = array<i32>} : memref<1x128xi32, #tpu.memory_space<vmem>>, vector<1x16xi32>,
        %swap3A_87 = vector.shape_cast %swap3A_86 : vector<1x16xi32> to vector<16xi32>
        %swap3A_88 = vector.shape_cast %shift_right_logical3A_82 : vector<16xi32> to vector<1x16xi32>
        tpu.vector_store %arg8[%swap3A_84, %swap3A_85], %swap3A_88 {strides = array<i32>} : memref<1x128xi32, #tpu.memory_space<vmem>>, vector<1x16xi32>,
        %get3A_89 = arith.index_cast %add3A_26 : i32 to index
        %get3A_90 = arith.constant 48 : index
        %get3A_91 = tpu.vector_load %arg6[%get3A_89, %get3A_90] {strides = array<i32>} : memref<144x128xi32, #tpu.memory_space<vmem>>, vector<1x16xi32>,
        %get3A_92 = vector.shape_cast %get3A_91 : vector<1x16xi32> to vector<16xi32>
        %and3A_93 = arith.constant 65535 : i32
        %and3A_94 = vector.broadcast %and3A_93 : i32 to vector<16xi32>
        %and3A_95 = arith.andi %get3A_92, %and3A_94 : vector<16xi32>
        %swap3A_96 = arith.constant 0 : i32
        %swap3A_97 = arith.index_cast %swap3A_96 : i32 to index
        %swap3A_98 = arith.constant 48 : index
        %swap3A_99 = tpu.vector_load %arg7[%swap3A_97, %swap3A_98] {strides = array<i32>} : memref<1x128xi32, #tpu.memory_space<vmem>>, vector<1x16xi32>,
        %swap3A_100 = vector.shape_cast %swap3A_99 : vector<1x16xi32> to vector<16xi32>
        %swap3A_101 = vector.shape_cast %and3A_95 : vector<16xi32> to vector<1x16xi32>
        tpu.vector_store %arg7[%swap3A_97, %swap3A_98], %swap3A_101 {strides = array<i32>} : memref<1x128xi32, #tpu.memory_space<vmem>>, vector<1x16xi32>,
        %shift_right_logical3A_102 = arith.constant 16 : i32
        %shift_right_logical3A_103 = vector.broadcast %shift_right_logical3A_102 : i32 to vector<16xi32>
        %shift_right_logical3A_104 = arith.shrui %get3A_92, %shift_right_logical3A_103 : vector<16xi32>
        %swap3A_105 = arith.constant 0 : i32
        %swap3A_106 = arith.index_cast %swap3A_105 : i32 to index
        %swap3A_107 = arith.constant 48 : index
        %swap3A_108 = tpu.vector_load %arg8[%swap3A_106, %swap3A_107] {strides = array<i32>} : memref<1x128xi32, #tpu.memory_space<vmem>>, vector<1x16xi32>,
        %swap3A_109 = vector.shape_cast %swap3A_108 : vector<1x16xi32> to vector<16xi32>
        %swap3A_110 = vector.shape_cast %shift_right_logical3A_104 : vector<16xi32> to vector<1x16xi32>
        tpu.vector_store %arg8[%swap3A_106, %swap3A_107], %swap3A_110 {strides = array<i32>} : memref<1x128xi32, #tpu.memory_space<vmem>>, vector<1x16xi32>,
        %get3A_111 = arith.index_cast %add3A_26 : i32 to index
        %get3A_112 = arith.constant 64 : index
        %get3A_113 = tpu.vector_load %arg6[%get3A_111, %get3A_112] {strides = array<i32>} : memref<144x128xi32, #tpu.memory_space<vmem>>, vector<1x16xi32>,
        %get3A_114 = vector.shape_cast %get3A_113 : vector<1x16xi32> to vector<16xi32>
        %and3A_115 = arith.constant 65535 : i32
        %and3A_116 = vector.broadcast %and3A_115 : i32 to vector<16xi32>
        %and3A_117 = arith.andi %get3A_114, %and3A_116 : vector<16xi32>
        %swap3A_118 = arith.constant 0 : i32
        %swap3A_119 = arith.index_cast %swap3A_118 : i32 to index
        %swap3A_120 = arith.constant 64 : index
        %swap3A_121 = tpu.vector_load %arg7[%swap3A_119, %swap3A_120] {strides = array<i32>} : memref<1x128xi32, #tpu.memory_space<vmem>>, vector<1x16xi32>,
        %swap3A_122 = vector.shape_cast %swap3A_121 : vector<1x16xi32> to vector<16xi32>
        %swap3A_123 = vector.shape_cast %and3A_117 : vector<16xi32> to vector<1x16xi32>
        tpu.vector_store %arg7[%swap3A_119, %swap3A_120], %swap3A_123 {strides = array<i32>} : memref<1x128xi32, #tpu.memory_space<vmem>>, vector<1x16xi32>,
        %shift_right_logical3A_124 = arith.constant 16 : i32
        %shift_right_logical3A_125 = vector.broadcast %shift_right_logical3A_124 : i32 to vector<16xi32>
        %shift_right_logical3A_126 = arith.shrui %get3A_114, %shift_right_logical3A_125 : vector<16xi32>
        %swap3A_127 = arith.constant 0 : i32
        %swap3A_128 = arith.index_cast %swap3A_127 : i32 to index
        %swap3A_129 = arith.constant 64 : index
        %swap3A_130 = tpu.vector_load %arg8[%swap3A_128, %swap3A_129] {strides = array<i32>} : memref<1x128xi32, #tpu.memory_space<vmem>>, vector<1x16xi32>,
        %swap3A_131 = vector.shape_cast %swap3A_130 : vector<1x16xi32> to vector<16xi32>
        %swap3A_132 = vector.shape_cast %shift_right_logical3A_126 : vector<16xi32> to vector<1x16xi32>
        tpu.vector_store %arg8[%swap3A_128, %swap3A_129], %swap3A_132 {strides = array<i32>} : memref<1x128xi32, #tpu.memory_space<vmem>>, vector<1x16xi32>,
        %get3A_133 = arith.index_cast %add3A_26 : i32 to index
        %get3A_134 = arith.constant 80 : index
        %get3A_135 = tpu.vector_load %arg6[%get3A_133, %get3A_134] {strides = array<i32>} : memref<144x128xi32, #tpu.memory_space<vmem>>, vector<1x16xi32>,
        %get3A_136 = vector.shape_cast %get3A_135 : vector<1x16xi32> to vector<16xi32>
        %and3A_137 = arith.constant 65535 : i32
        %and3A_138 = vector.broadcast %and3A_137 : i32 to vector<16xi32>
        %and3A_139 = arith.andi %get3A_136, %and3A_138 : vector<16xi32>
        %swap3A_140 = arith.constant 0 : i32
        %swap3A_141 = arith.index_cast %swap3A_140 : i32 to index
        %swap3A_142 = arith.constant 80 : index
        %swap3A_143 = tpu.vector_load %arg7[%swap3A_141, %swap3A_142] {strides = array<i32>} : memref<1x128xi32, #tpu.memory_space<vmem>>, vector<1x16xi32>,
        %swap3A_144 = vector.shape_cast %swap3A_143 : vector<1x16xi32> to vector<16xi32>
        %swap3A_145 = vector.shape_cast %and3A_139 : vector<16xi32> to vector<1x16xi32>
        tpu.vector_store %arg7[%swap3A_141, %swap3A_142], %swap3A_145 {strides = array<i32>} : memref<1x128xi32, #tpu.memory_space<vmem>>, vector<1x16xi32>,
        %shift_right_logical3A_146 = arith.constant 16 : i32
        %shift_right_logical3A_147 = vector.broadcast %shift_right_logical3A_146 : i32 to vector<16xi32>
        %shift_right_logical3A_148 = arith.shrui %get3A_136, %shift_right_logical3A_147 : vector<16xi32>
        %swap3A_149 = arith.constant 0 : i32
        %swap3A_150 = arith.index_cast %swap3A_149 : i32 to index
        %swap3A_151 = arith.constant 80 : index
        %swap3A_152 = tpu.vector_load %arg8[%swap3A_150, %swap3A_151] {strides = array<i32>} : memref<1x128xi32, #tpu.memory_space<vmem>>, vector<1x16xi32>,
        %swap3A_153 = vector.shape_cast %swap3A_152 : vector<1x16xi32> to vector<16xi32>
        %swap3A_154 = vector.shape_cast %shift_right_logical3A_148 : vector<16xi32> to vector<1x16xi32>
        tpu.vector_store %arg8[%swap3A_150, %swap3A_151], %swap3A_154 {strides = array<i32>} : memref<1x128xi32, #tpu.memory_space<vmem>>, vector<1x16xi32>,
        %get3A_155 = arith.index_cast %add3A_26 : i32 to index
        %get3A_156 = arith.constant 96 : index
        %get3A_157 = tpu.vector_load %arg6[%get3A_155, %get3A_156] {strides = array<i32>} : memref<144x128xi32, #tpu.memory_space<vmem>>, vector<1x16xi32>,
        %get3A_158 = vector.shape_cast %get3A_157 : vector<1x16xi32> to vector<16xi32>
        %and3A_159 = arith.constant 65535 : i32
        %and3A_160 = vector.broadcast %and3A_159 : i32 to vector<16xi32>
        %and3A_161 = arith.andi %get3A_158, %and3A_160 : vector<16xi32>
        %swap3A_162 = arith.constant 0 : i32
        %swap3A_163 = arith.index_cast %swap3A_162 : i32 to index
        %swap3A_164 = arith.constant 96 : index
        %swap3A_165 = tpu.vector_load %arg7[%swap3A_163, %swap3A_164] {strides = array<i32>} : memref<1x128xi32, #tpu.memory_space<vmem>>, vector<1x16xi32>,
        %swap3A_166 = vector.shape_cast %swap3A_165 : vector<1x16xi32> to vector<16xi32>
        %swap3A_167 = vector.shape_cast %and3A_161 : vector<16xi32> to vector<1x16xi32>
        tpu.vector_store %arg7[%swap3A_163, %swap3A_164], %swap3A_167 {strides = array<i32>} : memref<1x128xi32, #tpu.memory_space<vmem>>, vector<1x16xi32>,
        %shift_right_logical3A_168 = arith.constant 16 : i32
        %shift_right_logical3A_169 = vector.broadcast %shift_right_logical3A_168 : i32 to vector<16xi32>
        %shift_right_logical3A_170 = arith.shrui %get3A_158, %shift_right_logical3A_169 : vector<16xi32>
        %swap3A_171 = arith.constant 0 : i32
        %swap3A_172 = arith.index_cast %swap3A_171 : i32 to index
        %swap3A_173 = arith.constant 96 : index
        %swap3A_174 = tpu.vector_load %arg8[%swap3A_172, %swap3A_173] {strides = array<i32>} : memref<1x128xi32, #tpu.memory_space<vmem>>, vector<1x16xi32>,
        %swap3A_175 = vector.shape_cast %swap3A_174 : vector<1x16xi32> to vector<16xi32>
        %swap3A_176 = vector.shape_cast %shift_right_logical3A_170 : vector<16xi32> to vector<1x16xi32>
        tpu.vector_store %arg8[%swap3A_172, %swap3A_173], %swap3A_176 {strides = array<i32>} : memref<1x128xi32, #tpu.memory_space<vmem>>, vector<1x16xi32>,
        %get3A_177 = arith.index_cast %add3A_26 : i32 to index
        %get3A_178 = arith.constant 112 : index
        %get3A_179 = tpu.vector_load %arg6[%get3A_177, %get3A_178] {strides = array<i32>} : memref<144x128xi32, #tpu.memory_space<vmem>>, vector<1x16xi32>,
        %get3A_180 = vector.shape_cast %get3A_179 : vector<1x16xi32> to vector<16xi32>
        %and3A_181 = arith.constant 65535 : i32
        %and3A_182 = vector.broadcast %and3A_181 : i32 to vector<16xi32>
        %and3A_183 = arith.andi %get3A_180, %and3A_182 : vector<16xi32>
        %swap3A_184 = arith.constant 0 : i32
        %swap3A_185 = arith.index_cast %swap3A_184 : i32 to index
        %swap3A_186 = arith.constant 112 : index
        %swap3A_187 = tpu.vector_load %arg7[%swap3A_185, %swap3A_186] {strides = array<i32>} : memref<1x128xi32, #tpu.memory_space<vmem>>, vector<1x16xi32>,
        %swap3A_188 = vector.shape_cast %swap3A_187 : vector<1x16xi32> to vector<16xi32>
        %swap3A_189 = vector.shape_cast %and3A_183 : vector<16xi32> to vector<1x16xi32>
        tpu.vector_store %arg7[%swap3A_185, %swap3A_186], %swap3A_189 {strides = array<i32>} : memref<1x128xi32, #tpu.memory_space<vmem>>, vector<1x16xi32>,
        %shift_right_logical3A_190 = arith.constant 16 : i32
        %shift_right_logical3A_191 = vector.broadcast %shift_right_logical3A_190 : i32 to vector<16xi32>
        %shift_right_logical3A_192 = arith.shrui %get3A_180, %shift_right_logical3A_191 : vector<16xi32>
        %swap3A_193 = arith.constant 0 : i32
        %swap3A_194 = arith.index_cast %swap3A_193 : i32 to index
        %swap3A_195 = arith.constant 112 : index
        %swap3A_196 = tpu.vector_load %arg8[%swap3A_194, %swap3A_195] {strides = array<i32>} : memref<1x128xi32, #tpu.memory_space<vmem>>, vector<1x16xi32>,
        %swap3A_197 = vector.shape_cast %swap3A_196 : vector<1x16xi32> to vector<16xi32>
        %swap3A_198 = vector.shape_cast %shift_right_logical3A_192 : vector<16xi32> to vector<1x16xi32>
        tpu.vector_store %arg8[%swap3A_194, %swap3A_195], %swap3A_198 {strides = array<i32>} : memref<1x128xi32, #tpu.memory_space<vmem>>, vector<1x16xi32>,
        %dma_start3A = arith.constant 0 : i32
        %dma_start3A_199 = arith.constant 0 : i32
        %dma_start3A_200 = arith.constant 0 : i32
        %dma_start3A_201 = arith.constant 0 : i32
        %dma_start3A_202 = arith.constant 0 : i32
        %dma_start3A_203 = tpu.memref_slice %arg9[%dma_start3A_199, %dma_start3A_201, %dma_start3A_202] : memref<1x128x128xf32, #tpu.memory_space<vmem>> -> memref<1x128x128xf32, #tpu.memory_space<vmem>>
        %dma_start3A_204 = tpu.memref_squeeze %dma_start3A_203 : memref<1x128x128xf32, #tpu.memory_space<vmem>> -> memref<128x128xf32, #tpu.memory_space<vmem>>
        %dma_start3A_205 = arith.constant 0 : i32
        %dma_start3A_206 = tpu.memref_slice %arg7[%dma_start3A, %dma_start3A_205] : memref<1x128xi32, #tpu.memory_space<vmem>> -> memref<1x128xi32, #tpu.memory_space<vmem>>
        %dma_start3A_207 = tpu.memref_squeeze %dma_start3A_206 : memref<1x128xi32, #tpu.memory_space<vmem>> -> memref<128xi32, #tpu.memory_space<vmem>>
        %dma_start3A_208 = arith.constant 0 : i32
        %dma_start3A_209 = arith.constant 0 : i32
        %dma_start3A_210 = tpu.memref_slice %arg2[%dma_start3A_208, %dma_start3A_209] : memref<10240x128xf32, #tpu.memory_space<hbm>> -> memref<10240x128xf32, #tpu.memory_space<hbm>>
        %dma_start3A_211 = tpu.memref_slice %arg11[%dma_start3A_200] : memref<1x!tpu.dma_semaphore, #tpu.memory_space<semaphore_mem>> -> memref<1x!tpu.dma_semaphore, #tpu.memory_space<semaphore_mem>>
        %dma_start3A_212 = tpu.memref_squeeze %dma_start3A_211 : memref<1x!tpu.dma_semaphore, #tpu.memory_space<semaphore_mem>> -> memref<!tpu.dma_semaphore, #tpu.memory_space<semaphore_mem>>
        tpu.enqueue_indirect_dma source(%dma_start3A_210 : memref<10240x128xf32, #tpu.memory_space<hbm>>) target(%dma_start3A_204 : memref<128x128xf32, #tpu.memory_space<vmem>>) offsets(%dma_start3A_207 : memref<128xi32, #tpu.memory_space<vmem>>) semaphore(%dma_start3A_212 : memref<!tpu.dma_semaphore, #tpu.memory_space<semaphore_mem>>)
        %dma_wait3A = arith.constant 0 : i32
        %dma_wait3A_213 = arith.constant 0 : i32
        %dma_wait3A_214 = arith.constant 0 : i32
        %dma_wait3A_215 = arith.constant 0 : i32
        %dma_wait3A_216 = arith.constant 0 : i32
        %dma_wait3A_217 = tpu.memref_slice %arg9[%dma_wait3A_213, %dma_wait3A_215, %dma_wait3A_216] : memref<1x128x128xf32, #tpu.memory_space<vmem>> -> memref<1x128x128xf32, #tpu.memory_space<vmem>>
        %dma_wait3A_218 = tpu.memref_squeeze %dma_wait3A_217 : memref<1x128x128xf32, #tpu.memory_space<vmem>> -> memref<128x128xf32, #tpu.memory_space<vmem>>
        %dma_wait3A_219 = arith.constant 0 : i32
        %dma_wait3A_220 = tpu.memref_slice %arg7[%dma_wait3A, %dma_wait3A_219] : memref<1x128xi32, #tpu.memory_space<vmem>> -> memref<1x128xi32, #tpu.memory_space<vmem>>
        %dma_wait3A_221 = tpu.memref_squeeze %dma_wait3A_220 : memref<1x128xi32, #tpu.memory_space<vmem>> -> memref<128xi32, #tpu.memory_space<vmem>>
        %dma_wait3A_222 = arith.constant 0 : i32
        %dma_wait3A_223 = arith.constant 0 : i32
        %dma_wait3A_224 = tpu.memref_slice %arg2[%dma_wait3A_222, %dma_wait3A_223] : memref<10240x128xf32, #tpu.memory_space<hbm>> -> memref<10240x128xf32, #tpu.memory_space<hbm>>
        %dma_wait3A_225 = tpu.memref_slice %arg11[%dma_wait3A_214] : memref<1x!tpu.dma_semaphore, #tpu.memory_space<semaphore_mem>> -> memref<1x!tpu.dma_semaphore, #tpu.memory_space<semaphore_mem>>
        %dma_wait3A_226 = tpu.memref_squeeze %dma_wait3A_225 : memref<1x!tpu.dma_semaphore, #tpu.memory_space<semaphore_mem>> -> memref<!tpu.dma_semaphore, #tpu.memory_space<semaphore_mem>>
        tpu.wait_indirect_dma semaphore(%dma_wait3A_226 : memref<!tpu.dma_semaphore, #tpu.memory_space<semaphore_mem>>) src(%dma_wait3A_224 : memref<10240x128xf32, #tpu.memory_space<hbm>>) dst(%dma_wait3A_218 : memref<128x128xf32, #tpu.memory_space<vmem>>)
        %dma_start3A_227 = arith.constant 0 : i32
        %dma_start3A_228 = arith.constant 0 : i32
        %dma_start3A_229 = arith.constant 0 : i32
        %dma_start3A_230 = arith.constant 0 : i32
        %dma_start3A_231 = arith.constant 0 : i32
        %dma_start3A_232 = tpu.memref_slice %arg9[%dma_start3A_227, %dma_start3A_230, %dma_start3A_231] : memref<1x128x128xf32, #tpu.memory_space<vmem>> -> memref<1x128x128xf32, #tpu.memory_space<vmem>>
        %dma_start3A_233 = tpu.memref_squeeze %dma_start3A_232 : memref<1x128x128xf32, #tpu.memory_space<vmem>> -> memref<128x128xf32, #tpu.memory_space<vmem>>
        %dma_start3A_234 = arith.constant 0 : i32
        %dma_start3A_235 = tpu.memref_slice %arg8[%dma_start3A_228, %dma_start3A_234] : memref<1x128xi32, #tpu.memory_space<vmem>> -> memref<1x128xi32, #tpu.memory_space<vmem>>
        %dma_start3A_236 = tpu.memref_squeeze %dma_start3A_235 : memref<1x128xi32, #tpu.memory_space<vmem>> -> memref<128xi32, #tpu.memory_space<vmem>>
        %dma_start3A_237 = arith.constant 0 : i32
        %dma_start3A_238 = arith.constant 0 : i32
        %dma_start3A_239 = tpu.memref_slice %arg10[%dma_start3A_237, %dma_start3A_238] : memref<10112x128xf32, #tpu.memory_space<vmem_shared>> -> memref<10112x128xf32, #tpu.memory_space<vmem_shared>>
        %dma_start3A_240 = tpu.memref_slice %arg12[%dma_start3A_229] : memref<1x!tpu.dma_semaphore, #tpu.memory_space<semaphore_mem>> -> memref<1x!tpu.dma_semaphore, #tpu.memory_space<semaphore_mem>>
        %dma_start3A_241 = tpu.memref_squeeze %dma_start3A_240 : memref<1x!tpu.dma_semaphore, #tpu.memory_space<semaphore_mem>> -> memref<!tpu.dma_semaphore, #tpu.memory_space<semaphore_mem>>
        tpu.enqueue_indirect_dma source(%dma_start3A_233 : memref<128x128xf32, #tpu.memory_space<vmem>>) target(%dma_start3A_239 : memref<10112x128xf32, #tpu.memory_space<vmem_shared>>) offsets(%dma_start3A_236 : memref<128xi32, #tpu.memory_space<vmem>>) semaphore(%dma_start3A_241 : memref<!tpu.dma_semaphore, #tpu.memory_space<semaphore_mem>>) {add = true}
        %dma_wait3A_242 = arith.constant 0 : i32
        %dma_wait3A_243 = arith.constant 0 : i32
        %dma_wait3A_244 = arith.constant 0 : i32
        %dma_wait3A_245 = arith.constant 0 : i32
        %dma_wait3A_246 = arith.constant 0 : i32
        %dma_wait3A_247 = tpu.memref_slice %arg9[%dma_wait3A_242, %dma_wait3A_245, %dma_wait3A_246] : memref<1x128x128xf32, #tpu.memory_space<vmem>> -> memref<1x128x128xf32, #tpu.memory_space<vmem>>
        %dma_wait3A_248 = tpu.memref_squeeze %dma_wait3A_247 : memref<1x128x128xf32, #tpu.memory_space<vmem>> -> memref<128x128xf32, #tpu.memory_space<vmem>>
        %dma_wait3A_249 = arith.constant 0 : i32
        %dma_wait3A_250 = tpu.memref_slice %arg8[%dma_wait3A_243, %dma_wait3A_249] : memref<1x128xi32, #tpu.memory_space<vmem>> -> memref<1x128xi32, #tpu.memory_space<vmem>>
        %dma_wait3A_251 = tpu.memref_squeeze %dma_wait3A_250 : memref<1x128xi32, #tpu.memory_space<vmem>> -> memref<128xi32, #tpu.memory_space<vmem>>
        %dma_wait3A_252 = arith.constant 0 : i32
        %dma_wait3A_253 = arith.constant 0 : i32
        %dma_wait3A_254 = tpu.memref_slice %arg10[%dma_wait3A_252, %dma_wait3A_253] : memref<10112x128xf32, #tpu.memory_space<vmem_shared>> -> memref<10112x128xf32, #tpu.memory_space<vmem_shared>>
        %dma_wait3A_255 = tpu.memref_slice %arg12[%dma_wait3A_244] : memref<1x!tpu.dma_semaphore, #tpu.memory_space<semaphore_mem>> -> memref<1x!tpu.dma_semaphore, #tpu.memory_space<semaphore_mem>>
        %dma_wait3A_256 = tpu.memref_squeeze %dma_wait3A_255 : memref<1x!tpu.dma_semaphore, #tpu.memory_space<semaphore_mem>> -> memref<!tpu.dma_semaphore, #tpu.memory_space<semaphore_mem>>
        tpu.wait_indirect_dma semaphore(%dma_wait3A_256 : memref<!tpu.dma_semaphore, #tpu.memory_space<semaphore_mem>>) src(%dma_wait3A_248 : memref<128x128xf32, #tpu.memory_space<vmem>>) dst(%dma_wait3A_254 : memref<10112x128xf32, #tpu.memory_space<vmem_shared>>)
      }
      %scan3A_22 = arith.constant 144 : i32
    } else {
    }
    %eq3A_13 = arith.constant 1 : i32
    %eq3A_14 = arith.cmpi eq, %arg0, %eq3A_13 : i32
    %convert_element_type3A_15 = arith.extui %eq3A_14 : i1 to i32
    %cond3A_16 = arith.constant 0 : i32
    %cond3A_17 = arith.cmpi ne, %convert_element_type3A_15, %cond3A_16 : i32
    scf.if %cond3A_17 {
      %scan3A = arith.constant 0 : i32
      %scan3A_19 = arith.constant 16 : i32
      %scan3A_20 = arith.addi %scan3A, %scan3A_19 : i32
      %scan3A_21 = arith.constant 1 : i32
      scf.for %scan3A_23 = %scan3A to %scan3A_20 step %scan3A_21  : i32 {
        %mul3A_24 = arith.constant 1 : i32
        %mul3A_25 = arith.muli %scan3A_23, %mul3A_24 : i32
        %add3A = arith.constant 0 : i32
        %add3A_26 = arith.addi %add3A, %mul3A_25 : i32
        %get3A = arith.index_cast %add3A_26 : i32 to index
        %get3A_27 = arith.constant 0 : index
        %get3A_28 = tpu.vector_load %arg6[%get3A, %get3A_27] {strides = array<i32>} : memref<144x128xi32, #tpu.memory_space<vmem>>, vector<1x16xi32>,
        %get3A_29 = vector.shape_cast %get3A_28 : vector<1x16xi32> to vector<16xi32>
        %and3A = arith.constant 65535 : i32
        %and3A_30 = vector.broadcast %and3A : i32 to vector<16xi32>
        %and3A_31 = arith.andi %get3A_29, %and3A_30 : vector<16xi32>
        %swap3A = arith.constant 0 : i32
        %swap3A_32 = arith.index_cast %swap3A : i32 to index
        %swap3A_33 = arith.constant 0 : index
        %swap3A_34 = tpu.vector_load %arg7[%swap3A_32, %swap3A_33] {strides = array<i32>} : memref<1x128xi32, #tpu.memory_space<vmem>>, vector<1x16xi32>,
        %swap3A_35 = vector.shape_cast %swap3A_34 : vector<1x16xi32> to vector<16xi32>
        %swap3A_36 = vector.shape_cast %and3A_31 : vector<16xi32> to vector<1x16xi32>
        tpu.vector_store %arg7[%swap3A_32, %swap3A_33], %swap3A_36 {strides = array<i32>} : memref<1x128xi32, #tpu.memory_space<vmem>>, vector<1x16xi32>,
        %shift_right_logical3A = arith.constant 16 : i32
        %shift_right_logical3A_37 = vector.broadcast %shift_right_logical3A : i32 to vector<16xi32>
        %shift_right_logical3A_38 = arith.shrui %get3A_29, %shift_right_logical3A_37 : vector<16xi32>
        %swap3A_39 = arith.constant 0 : i32
        %swap3A_40 = arith.index_cast %swap3A_39 : i32 to index
        %swap3A_41 = arith.constant 0 : index
        %swap3A_42 = tpu.vector_load %arg8[%swap3A_40, %swap3A_41] {strides = array<i32>} : memref<1x128xi32, #tpu.memory_space<vmem>>, vector<1x16xi32>,
        %swap3A_43 = vector.shape_cast %swap3A_42 : vector<1x16xi32> to vector<16xi32>
        %swap3A_44 = vector.shape_cast %shift_right_logical3A_38 : vector<16xi32> to vector<1x16xi32>
        tpu.vector_store %arg8[%swap3A_40, %swap3A_41], %swap3A_44 {strides = array<i32>} : memref<1x128xi32, #tpu.memory_space<vmem>>, vector<1x16xi32>,
        %get3A_45 = arith.index_cast %add3A_26 : i32 to index
        %get3A_46 = arith.constant 16 : index
        %get3A_47 = tpu.vector_load %arg6[%get3A_45, %get3A_46] {strides = array<i32>} : memref<144x128xi32, #tpu.memory_space<vmem>>, vector<1x16xi32>,
        %get3A_48 = vector.shape_cast %get3A_47 : vector<1x16xi32> to vector<16xi32>
        %and3A_49 = arith.constant 65535 : i32
        %and3A_50 = vector.broadcast %and3A_49 : i32 to vector<16xi32>
        %and3A_51 = arith.andi %get3A_48, %and3A_50 : vector<16xi32>
        %swap3A_52 = arith.constant 0 : i32
        %swap3A_53 = arith.index_cast %swap3A_52 : i32 to index
        %swap3A_54 = arith.constant 16 : index
        %swap3A_55 = tpu.vector_load %arg7[%swap3A_53, %swap3A_54] {strides = array<i32>} : memref<1x128xi32, #tpu.memory_space<vmem>>, vector<1x16xi32>,
        %swap3A_56 = vector.shape_cast %swap3A_55 : vector<1x16xi32> to vector<16xi32>
        %swap3A_57 = vector.shape_cast %and3A_51 : vector<16xi32> to vector<1x16xi32>
        tpu.vector_store %arg7[%swap3A_53, %swap3A_54], %swap3A_57 {strides = array<i32>} : memref<1x128xi32, #tpu.memory_space<vmem>>, vector<1x16xi32>,
        %shift_right_logical3A_58 = arith.constant 16 : i32
        %shift_right_logical3A_59 = vector.broadcast %shift_right_logical3A_58 : i32 to vector<16xi32>
        %shift_right_logical3A_60 = arith.shrui %get3A_48, %shift_right_logical3A_59 : vector<16xi32>
        %swap3A_61 = arith.constant 0 : i32
        %swap3A_62 = arith.index_cast %swap3A_61 : i32 to index
        %swap3A_63 = arith.constant 16 : index
        %swap3A_64 = tpu.vector_load %arg8[%swap3A_62, %swap3A_63] {strides = array<i32>} : memref<1x128xi32, #tpu.memory_space<vmem>>, vector<1x16xi32>,
        %swap3A_65 = vector.shape_cast %swap3A_64 : vector<1x16xi32> to vector<16xi32>
        %swap3A_66 = vector.shape_cast %shift_right_logical3A_60 : vector<16xi32> to vector<1x16xi32>
        tpu.vector_store %arg8[%swap3A_62, %swap3A_63], %swap3A_66 {strides = array<i32>} : memref<1x128xi32, #tpu.memory_space<vmem>>, vector<1x16xi32>,
        %get3A_67 = arith.index_cast %add3A_26 : i32 to index
        %get3A_68 = arith.constant 32 : index
        %get3A_69 = tpu.vector_load %arg6[%get3A_67, %get3A_68] {strides = array<i32>} : memref<144x128xi32, #tpu.memory_space<vmem>>, vector<1x16xi32>,
        %get3A_70 = vector.shape_cast %get3A_69 : vector<1x16xi32> to vector<16xi32>
        %and3A_71 = arith.constant 65535 : i32
        %and3A_72 = vector.broadcast %and3A_71 : i32 to vector<16xi32>
        %and3A_73 = arith.andi %get3A_70, %and3A_72 : vector<16xi32>
        %swap3A_74 = arith.constant 0 : i32
        %swap3A_75 = arith.index_cast %swap3A_74 : i32 to index
        %swap3A_76 = arith.constant 32 : index
        %swap3A_77 = tpu.vector_load %arg7[%swap3A_75, %swap3A_76] {strides = array<i32>} : memref<1x128xi32, #tpu.memory_space<vmem>>, vector<1x16xi32>,
        %swap3A_78 = vector.shape_cast %swap3A_77 : vector<1x16xi32> to vector<16xi32>
        %swap3A_79 = vector.shape_cast %and3A_73 : vector<16xi32> to vector<1x16xi32>
        tpu.vector_store %arg7[%swap3A_75, %swap3A_76], %swap3A_79 {strides = array<i32>} : memref<1x128xi32, #tpu.memory_space<vmem>>, vector<1x16xi32>,
        %shift_right_logical3A_80 = arith.constant 16 : i32
        %shift_right_logical3A_81 = vector.broadcast %shift_right_logical3A_80 : i32 to vector<16xi32>
        %shift_right_logical3A_82 = arith.shrui %get3A_70, %shift_right_logical3A_81 : vector<16xi32>
        %swap3A_83 = arith.constant 0 : i32
        %swap3A_84 = arith.index_cast %swap3A_83 : i32 to index
        %swap3A_85 = arith.constant 32 : index
        %swap3A_86 = tpu.vector_load %arg8[%swap3A_84, %swap3A_85] {strides = array<i32>} : memref<1x128xi32, #tpu.memory_space<vmem>>, vector<1x16xi32>,
        %swap3A_87 = vector.shape_cast %swap3A_86 : vector<1x16xi32> to vector<16xi32>
        %swap3A_88 = vector.shape_cast %shift_right_logical3A_82 : vector<16xi32> to vector<1x16xi32>
        tpu.vector_store %arg8[%swap3A_84, %swap3A_85], %swap3A_88 {strides = array<i32>} : memref<1x128xi32, #tpu.memory_space<vmem>>, vector<1x16xi32>,
        %get3A_89 = arith.index_cast %add3A_26 : i32 to index
        %get3A_90 = arith.constant 48 : index
        %get3A_91 = tpu.vector_load %arg6[%get3A_89, %get3A_90] {strides = array<i32>} : memref<144x128xi32, #tpu.memory_space<vmem>>, vector<1x16xi32>,
        %get3A_92 = vector.shape_cast %get3A_91 : vector<1x16xi32> to vector<16xi32>
        %and3A_93 = arith.constant 65535 : i32
        %and3A_94 = vector.broadcast %and3A_93 : i32 to vector<16xi32>
        %and3A_95 = arith.andi %get3A_92, %and3A_94 : vector<16xi32>
        %swap3A_96 = arith.constant 0 : i32
        %swap3A_97 = arith.index_cast %swap3A_96 : i32 to index
        %swap3A_98 = arith.constant 48 : index
        %swap3A_99 = tpu.vector_load %arg7[%swap3A_97, %swap3A_98] {strides = array<i32>} : memref<1x128xi32, #tpu.memory_space<vmem>>, vector<1x16xi32>,
        %swap3A_100 = vector.shape_cast %swap3A_99 : vector<1x16xi32> to vector<16xi32>
        %swap3A_101 = vector.shape_cast %and3A_95 : vector<16xi32> to vector<1x16xi32>
        tpu.vector_store %arg7[%swap3A_97, %swap3A_98], %swap3A_101 {strides = array<i32>} : memref<1x128xi32, #tpu.memory_space<vmem>>, vector<1x16xi32>,
        %shift_right_logical3A_102 = arith.constant 16 : i32
        %shift_right_logical3A_103 = vector.broadcast %shift_right_logical3A_102 : i32 to vector<16xi32>
        %shift_right_logical3A_104 = arith.shrui %get3A_92, %shift_right_logical3A_103 : vector<16xi32>
        %swap3A_105 = arith.constant 0 : i32
        %swap3A_106 = arith.index_cast %swap3A_105 : i32 to index
        %swap3A_107 = arith.constant 48 : index
        %swap3A_108 = tpu.vector_load %arg8[%swap3A_106, %swap3A_107] {strides = array<i32>} : memref<1x128xi32, #tpu.memory_space<vmem>>, vector<1x16xi32>,
        %swap3A_109 = vector.shape_cast %swap3A_108 : vector<1x16xi32> to vector<16xi32>
        %swap3A_110 = vector.shape_cast %shift_right_logical3A_104 : vector<16xi32> to vector<1x16xi32>
        tpu.vector_store %arg8[%swap3A_106, %swap3A_107], %swap3A_110 {strides = array<i32>} : memref<1x128xi32, #tpu.memory_space<vmem>>, vector<1x16xi32>,
        %get3A_111 = arith.index_cast %add3A_26 : i32 to index
        %get3A_112 = arith.constant 64 : index
        %get3A_113 = tpu.vector_load %arg6[%get3A_111, %get3A_112] {strides = array<i32>} : memref<144x128xi32, #tpu.memory_space<vmem>>, vector<1x16xi32>,
        %get3A_114 = vector.shape_cast %get3A_113 : vector<1x16xi32> to vector<16xi32>
        %and3A_115 = arith.constant 65535 : i32
        %and3A_116 = vector.broadcast %and3A_115 : i32 to vector<16xi32>
        %and3A_117 = arith.andi %get3A_114, %and3A_116 : vector<16xi32>
        %swap3A_118 = arith.constant 0 : i32
        %swap3A_119 = arith.index_cast %swap3A_118 : i32 to index
        %swap3A_120 = arith.constant 64 : index
        %swap3A_121 = tpu.vector_load %arg7[%swap3A_119, %swap3A_120] {strides = array<i32>} : memref<1x128xi32, #tpu.memory_space<vmem>>, vector<1x16xi32>,
        %swap3A_122 = vector.shape_cast %swap3A_121 : vector<1x16xi32> to vector<16xi32>
        %swap3A_123 = vector.shape_cast %and3A_117 : vector<16xi32> to vector<1x16xi32>
        tpu.vector_store %arg7[%swap3A_119, %swap3A_120], %swap3A_123 {strides = array<i32>} : memref<1x128xi32, #tpu.memory_space<vmem>>, vector<1x16xi32>,
        %shift_right_logical3A_124 = arith.constant 16 : i32
        %shift_right_logical3A_125 = vector.broadcast %shift_right_logical3A_124 : i32 to vector<16xi32>
        %shift_right_logical3A_126 = arith.shrui %get3A_114, %shift_right_logical3A_125 : vector<16xi32>
        %swap3A_127 = arith.constant 0 : i32
        %swap3A_128 = arith.index_cast %swap3A_127 : i32 to index
        %swap3A_129 = arith.constant 64 : index
        %swap3A_130 = tpu.vector_load %arg8[%swap3A_128, %swap3A_129] {strides = array<i32>} : memref<1x128xi32, #tpu.memory_space<vmem>>, vector<1x16xi32>,
        %swap3A_131 = vector.shape_cast %swap3A_130 : vector<1x16xi32> to vector<16xi32>
        %swap3A_132 = vector.shape_cast %shift_right_logical3A_126 : vector<16xi32> to vector<1x16xi32>
        tpu.vector_store %arg8[%swap3A_128, %swap3A_129], %swap3A_132 {strides = array<i32>} : memref<1x128xi32, #tpu.memory_space<vmem>>, vector<1x16xi32>,
        %get3A_133 = arith.index_cast %add3A_26 : i32 to index
        %get3A_134 = arith.constant 80 : index
        %get3A_135 = tpu.vector_load %arg6[%get3A_133, %get3A_134] {strides = array<i32>} : memref<144x128xi32, #tpu.memory_space<vmem>>, vector<1x16xi32>,
        %get3A_136 = vector.shape_cast %get3A_135 : vector<1x16xi32> to vector<16xi32>
        %and3A_137 = arith.constant 65535 : i32
        %and3A_138 = vector.broadcast %and3A_137 : i32 to vector<16xi32>
        %and3A_139 = arith.andi %get3A_136, %and3A_138 : vector<16xi32>
        %swap3A_140 = arith.constant 0 : i32
        %swap3A_141 = arith.index_cast %swap3A_140 : i32 to index
        %swap3A_142 = arith.constant 80 : index
        %swap3A_143 = tpu.vector_load %arg7[%swap3A_141, %swap3A_142] {strides = array<i32>} : memref<1x128xi32, #tpu.memory_space<vmem>>, vector<1x16xi32>,
        %swap3A_144 = vector.shape_cast %swap3A_143 : vector<1x16xi32> to vector<16xi32>
        %swap3A_145 = vector.shape_cast %and3A_139 : vector<16xi32> to vector<1x16xi32>
        tpu.vector_store %arg7[%swap3A_141, %swap3A_142], %swap3A_145 {strides = array<i32>} : memref<1x128xi32, #tpu.memory_space<vmem>>, vector<1x16xi32>,
        %shift_right_logical3A_146 = arith.constant 16 : i32
        %shift_right_logical3A_147 = vector.broadcast %shift_right_logical3A_146 : i32 to vector<16xi32>
        %shift_right_logical3A_148 = arith.shrui %get3A_136, %shift_right_logical3A_147 : vector<16xi32>
        %swap3A_149 = arith.constant 0 : i32
        %swap3A_150 = arith.index_cast %swap3A_149 : i32 to index
        %swap3A_151 = arith.constant 80 : index
        %swap3A_152 = tpu.vector_load %arg8[%swap3A_150, %swap3A_151] {strides = array<i32>} : memref<1x128xi32, #tpu.memory_space<vmem>>, vector<1x16xi32>,
        %swap3A_153 = vector.shape_cast %swap3A_152 : vector<1x16xi32> to vector<16xi32>
        %swap3A_154 = vector.shape_cast %shift_right_logical3A_148 : vector<16xi32> to vector<1x16xi32>
        tpu.vector_store %arg8[%swap3A_150, %swap3A_151], %swap3A_154 {strides = array<i32>} : memref<1x128xi32, #tpu.memory_space<vmem>>, vector<1x16xi32>,
        %get3A_155 = arith.index_cast %add3A_26 : i32 to index
        %get3A_156 = arith.constant 96 : index
        %get3A_157 = tpu.vector_load %arg6[%get3A_155, %get3A_156] {strides = array<i32>} : memref<144x128xi32, #tpu.memory_space<vmem>>, vector<1x16xi32>,
        %get3A_158 = vector.shape_cast %get3A_157 : vector<1x16xi32> to vector<16xi32>
        %and3A_159 = arith.constant 65535 : i32
        %and3A_160 = vector.broadcast %and3A_159 : i32 to vector<16xi32>
        %and3A_161 = arith.andi %get3A_158, %and3A_160 : vector<16xi32>
        %swap3A_162 = arith.constant 0 : i32
        %swap3A_163 = arith.index_cast %swap3A_162 : i32 to index
        %swap3A_164 = arith.constant 96 : index
        %swap3A_165 = tpu.vector_load %arg7[%swap3A_163, %swap3A_164] {strides = array<i32>} : memref<1x128xi32, #tpu.memory_space<vmem>>, vector<1x16xi32>,
        %swap3A_166 = vector.shape_cast %swap3A_165 : vector<1x16xi32> to vector<16xi32>
        %swap3A_167 = vector.shape_cast %and3A_161 : vector<16xi32> to vector<1x16xi32>
        tpu.vector_store %arg7[%swap3A_163, %swap3A_164], %swap3A_167 {strides = array<i32>} : memref<1x128xi32, #tpu.memory_space<vmem>>, vector<1x16xi32>,
        %shift_right_logical3A_168 = arith.constant 16 : i32
        %shift_right_logical3A_169 = vector.broadcast %shift_right_logical3A_168 : i32 to vector<16xi32>
        %shift_right_logical3A_170 = arith.shrui %get3A_158, %shift_right_logical3A_169 : vector<16xi32>
        %swap3A_171 = arith.constant 0 : i32
        %swap3A_172 = arith.index_cast %swap3A_171 : i32 to index
        %swap3A_173 = arith.constant 96 : index
        %swap3A_174 = tpu.vector_load %arg8[%swap3A_172, %swap3A_173] {strides = array<i32>} : memref<1x128xi32, #tpu.memory_space<vmem>>, vector<1x16xi32>,
        %swap3A_175 = vector.shape_cast %swap3A_174 : vector<1x16xi32> to vector<16xi32>
        %swap3A_176 = vector.shape_cast %shift_right_logical3A_170 : vector<16xi32> to vector<1x16xi32>
        tpu.vector_store %arg8[%swap3A_172, %swap3A_173], %swap3A_176 {strides = array<i32>} : memref<1x128xi32, #tpu.memory_space<vmem>>, vector<1x16xi32>,
        %get3A_177 = arith.index_cast %add3A_26 : i32 to index
        %get3A_178 = arith.constant 112 : index
        %get3A_179 = tpu.vector_load %arg6[%get3A_177, %get3A_178] {strides = array<i32>} : memref<144x128xi32, #tpu.memory_space<vmem>>, vector<1x16xi32>,
        %get3A_180 = vector.shape_cast %get3A_179 : vector<1x16xi32> to vector<16xi32>
        %and3A_181 = arith.constant 65535 : i32
        %and3A_182 = vector.broadcast %and3A_181 : i32 to vector<16xi32>
        %and3A_183 = arith.andi %get3A_180, %and3A_182 : vector<16xi32>
        %swap3A_184 = arith.constant 0 : i32
        %swap3A_185 = arith.index_cast %swap3A_184 : i32 to index
        %swap3A_186 = arith.constant 112 : index
        %swap3A_187 = tpu.vector_load %arg7[%swap3A_185, %swap3A_186] {strides = array<i32>} : memref<1x128xi32, #tpu.memory_space<vmem>>, vector<1x16xi32>,
        %swap3A_188 = vector.shape_cast %swap3A_187 : vector<1x16xi32> to vector<16xi32>
        %swap3A_189 = vector.shape_cast %and3A_183 : vector<16xi32> to vector<1x16xi32>
        tpu.vector_store %arg7[%swap3A_185, %swap3A_186], %swap3A_189 {strides = array<i32>} : memref<1x128xi32, #tpu.memory_space<vmem>>, vector<1x16xi32>,
        %shift_right_logical3A_190 = arith.constant 16 : i32
        %shift_right_logical3A_191 = vector.broadcast %shift_right_logical3A_190 : i32 to vector<16xi32>
        %shift_right_logical3A_192 = arith.shrui %get3A_180, %shift_right_logical3A_191 : vector<16xi32>
        %swap3A_193 = arith.constant 0 : i32
        %swap3A_194 = arith.index_cast %swap3A_193 : i32 to index
        %swap3A_195 = arith.constant 112 : index
        %swap3A_196 = tpu.vector_load %arg8[%swap3A_194, %swap3A_195] {strides = array<i32>} : memref<1x128xi32, #tpu.memory_space<vmem>>, vector<1x16xi32>,
        %swap3A_197 = vector.shape_cast %swap3A_196 : vector<1x16xi32> to vector<16xi32>
        %swap3A_198 = vector.shape_cast %shift_right_logical3A_192 : vector<16xi32> to vector<1x16xi32>
        tpu.vector_store %arg8[%swap3A_194, %swap3A_195], %swap3A_198 {strides = array<i32>} : memref<1x128xi32, #tpu.memory_space<vmem>>, vector<1x16xi32>,
        %dma_start3A = arith.constant 0 : i32
        %dma_start3A_199 = arith.constant 0 : i32
        %dma_start3A_200 = arith.constant 0 : i32
        %dma_start3A_201 = arith.constant 0 : i32
        %dma_start3A_202 = arith.constant 0 : i32
        %dma_start3A_203 = tpu.memref_slice %arg9[%dma_start3A_199, %dma_start3A_201, %dma_start3A_202] : memref<1x128x128xf32, #tpu.memory_space<vmem>> -> memref<1x128x128xf32, #tpu.memory_space<vmem>>
        %dma_start3A_204 = tpu.memref_squeeze %dma_start3A_203 : memref<1x128x128xf32, #tpu.memory_space<vmem>> -> memref<128x128xf32, #tpu.memory_space<vmem>>
        %dma_start3A_205 = arith.constant 0 : i32
        %dma_start3A_206 = tpu.memref_slice %arg7[%dma_start3A, %dma_start3A_205] : memref<1x128xi32, #tpu.memory_space<vmem>> -> memref<1x128xi32, #tpu.memory_space<vmem>>
        %dma_start3A_207 = tpu.memref_squeeze %dma_start3A_206 : memref<1x128xi32, #tpu.memory_space<vmem>> -> memref<128xi32, #tpu.memory_space<vmem>>
        %dma_start3A_208 = arith.constant 0 : i32
        %dma_start3A_209 = arith.constant 0 : i32
        %dma_start3A_210 = tpu.memref_slice %arg2[%dma_start3A_208, %dma_start3A_209] : memref<10240x128xf32, #tpu.memory_space<hbm>> -> memref<10240x128xf32, #tpu.memory_space<hbm>>
        %dma_start3A_211 = tpu.memref_slice %arg11[%dma_start3A_200] : memref<1x!tpu.dma_semaphore, #tpu.memory_space<semaphore_mem>> -> memref<1x!tpu.dma_semaphore, #tpu.memory_space<semaphore_mem>>
        %dma_start3A_212 = tpu.memref_squeeze %dma_start3A_211 : memref<1x!tpu.dma_semaphore, #tpu.memory_space<semaphore_mem>> -> memref<!tpu.dma_semaphore, #tpu.memory_space<semaphore_mem>>
        tpu.enqueue_indirect_dma source(%dma_start3A_210 : memref<10240x128xf32, #tpu.memory_space<hbm>>) target(%dma_start3A_204 : memref<128x128xf32, #tpu.memory_space<vmem>>) offsets(%dma_start3A_207 : memref<128xi32, #tpu.memory_space<vmem>>) semaphore(%dma_start3A_212 : memref<!tpu.dma_semaphore, #tpu.memory_space<semaphore_mem>>)
        %dma_wait3A = arith.constant 0 : i32
        %dma_wait3A_213 = arith.constant 0 : i32
        %dma_wait3A_214 = arith.constant 0 : i32
        %dma_wait3A_215 = arith.constant 0 : i32
        %dma_wait3A_216 = arith.constant 0 : i32
        %dma_wait3A_217 = tpu.memref_slice %arg9[%dma_wait3A_213, %dma_wait3A_215, %dma_wait3A_216] : memref<1x128x128xf32, #tpu.memory_space<vmem>> -> memref<1x128x128xf32, #tpu.memory_space<vmem>>
        %dma_wait3A_218 = tpu.memref_squeeze %dma_wait3A_217 : memref<1x128x128xf32, #tpu.memory_space<vmem>> -> memref<128x128xf32, #tpu.memory_space<vmem>>
        %dma_wait3A_219 = arith.constant 0 : i32
        %dma_wait3A_220 = tpu.memref_slice %arg7[%dma_wait3A, %dma_wait3A_219] : memref<1x128xi32, #tpu.memory_space<vmem>> -> memref<1x128xi32, #tpu.memory_space<vmem>>
        %dma_wait3A_221 = tpu.memref_squeeze %dma_wait3A_220 : memref<1x128xi32, #tpu.memory_space<vmem>> -> memref<128xi32, #tpu.memory_space<vmem>>
        %dma_wait3A_222 = arith.constant 0 : i32
        %dma_wait3A_223 = arith.constant 0 : i32
        %dma_wait3A_224 = tpu.memref_slice %arg2[%dma_wait3A_222, %dma_wait3A_223] : memref<10240x128xf32, #tpu.memory_space<hbm>> -> memref<10240x128xf32, #tpu.memory_space<hbm>>
        %dma_wait3A_225 = tpu.memref_slice %arg11[%dma_wait3A_214] : memref<1x!tpu.dma_semaphore, #tpu.memory_space<semaphore_mem>> -> memref<1x!tpu.dma_semaphore, #tpu.memory_space<semaphore_mem>>
        %dma_wait3A_226 = tpu.memref_squeeze %dma_wait3A_225 : memref<1x!tpu.dma_semaphore, #tpu.memory_space<semaphore_mem>> -> memref<!tpu.dma_semaphore, #tpu.memory_space<semaphore_mem>>
        tpu.wait_indirect_dma semaphore(%dma_wait3A_226 : memref<!tpu.dma_semaphore, #tpu.memory_space<semaphore_mem>>) src(%dma_wait3A_224 : memref<10240x128xf32, #tpu.memory_space<hbm>>) dst(%dma_wait3A_218 : memref<128x128xf32, #tpu.memory_space<vmem>>)
        %dma_start3A_227 = arith.constant 0 : i32
        %dma_start3A_228 = arith.constant 0 : i32
        %dma_start3A_229 = arith.constant 0 : i32
        %dma_start3A_230 = arith.constant 0 : i32
        %dma_start3A_231 = arith.constant 0 : i32
        %dma_start3A_232 = tpu.memref_slice %arg9[%dma_start3A_227, %dma_start3A_230, %dma_start3A_231] : memref<1x128x128xf32, #tpu.memory_space<vmem>> -> memref<1x128x128xf32, #tpu.memory_space<vmem>>
        %dma_start3A_233 = tpu.memref_squeeze %dma_start3A_232 : memref<1x128x128xf32, #tpu.memory_space<vmem>> -> memref<128x128xf32, #tpu.memory_space<vmem>>
        %dma_start3A_234 = arith.constant 0 : i32
        %dma_start3A_235 = tpu.memref_slice %arg8[%dma_start3A_228, %dma_start3A_234] : memref<1x128xi32, #tpu.memory_space<vmem>> -> memref<1x128xi32, #tpu.memory_space<vmem>>
        %dma_start3A_236 = tpu.memref_squeeze %dma_start3A_235 : memref<1x128xi32, #tpu.memory_space<vmem>> -> memref<128xi32, #tpu.memory_space<vmem>>
        %dma_start3A_237 = arith.constant 0 : i32
        %dma_start3A_238 = arith.constant 0 : i32
        %dma_start3A_239 = tpu.memref_slice %arg10[%dma_start3A_237, %dma_start3A_238] : memref<10112x128xf32, #tpu.memory_space<vmem_shared>> -> memref<10112x128xf32, #tpu.memory_space<vmem_shared>>
        %dma_start3A_240 = tpu.memref_slice %arg12[%dma_start3A_229] : memref<1x!tpu.dma_semaphore, #tpu.memory_space<semaphore_mem>> -> memref<1x!tpu.dma_semaphore, #tpu.memory_space<semaphore_mem>>
        %dma_start3A_241 = tpu.memref_squeeze %dma_start3A_240 : memref<1x!tpu.dma_semaphore, #tpu.memory_space<semaphore_mem>> -> memref<!tpu.dma_semaphore, #tpu.memory_space<semaphore_mem>>
        tpu.enqueue_indirect_dma source(%dma_start3A_233 : memref<128x128xf32, #tpu.memory_space<vmem>>) target(%dma_start3A_239 : memref<10112x128xf32, #tpu.memory_space<vmem_shared>>) offsets(%dma_start3A_236 : memref<128xi32, #tpu.memory_space<vmem>>) semaphore(%dma_start3A_241 : memref<!tpu.dma_semaphore, #tpu.memory_space<semaphore_mem>>) {add = true}
        %dma_wait3A_242 = arith.constant 0 : i32
        %dma_wait3A_243 = arith.constant 0 : i32
        %dma_wait3A_244 = arith.constant 0 : i32
        %dma_wait3A_245 = arith.constant 0 : i32
        %dma_wait3A_246 = arith.constant 0 : i32
        %dma_wait3A_247 = tpu.memref_slice %arg9[%dma_wait3A_242, %dma_wait3A_245, %dma_wait3A_246] : memref<1x128x128xf32, #tpu.memory_space<vmem>> -> memref<1x128x128xf32, #tpu.memory_space<vmem>>
        %dma_wait3A_248 = tpu.memref_squeeze %dma_wait3A_247 : memref<1x128x128xf32, #tpu.memory_space<vmem>> -> memref<128x128xf32, #tpu.memory_space<vmem>>
        %dma_wait3A_249 = arith.constant 0 : i32
        %dma_wait3A_250 = tpu.memref_slice %arg8[%dma_wait3A_243, %dma_wait3A_249] : memref<1x128xi32, #tpu.memory_space<vmem>> -> memref<1x128xi32, #tpu.memory_space<vmem>>
        %dma_wait3A_251 = tpu.memref_squeeze %dma_wait3A_250 : memref<1x128xi32, #tpu.memory_space<vmem>> -> memref<128xi32, #tpu.memory_space<vmem>>
        %dma_wait3A_252 = arith.constant 0 : i32
        %dma_wait3A_253 = arith.constant 0 : i32
        %dma_wait3A_254 = tpu.memref_slice %arg10[%dma_wait3A_252, %dma_wait3A_253] : memref<10112x128xf32, #tpu.memory_space<vmem_shared>> -> memref<10112x128xf32, #tpu.memory_space<vmem_shared>>
        %dma_wait3A_255 = tpu.memref_slice %arg12[%dma_wait3A_244] : memref<1x!tpu.dma_semaphore, #tpu.memory_space<semaphore_mem>> -> memref<1x!tpu.dma_semaphore, #tpu.memory_space<semaphore_mem>>
        %dma_wait3A_256 = tpu.memref_squeeze %dma_wait3A_255 : memref<1x!tpu.dma_semaphore, #tpu.memory_space<semaphore_mem>> -> memref<!tpu.dma_semaphore, #tpu.memory_space<semaphore_mem>>
        tpu.wait_indirect_dma semaphore(%dma_wait3A_256 : memref<!tpu.dma_semaphore, #tpu.memory_space<semaphore_mem>>) src(%dma_wait3A_248 : memref<128x128xf32, #tpu.memory_space<vmem>>) dst(%dma_wait3A_254 : memref<10112x128xf32, #tpu.memory_space<vmem_shared>>)
      }
      %scan3A_22 = arith.constant 16 : i32
    } else {
    }
    %barrier3A_18 = arith.constant 0 : index
    tpu.barrier barrier_id(%barrier3A_18)
    "tpu.region"() ({
      %run_scoped3A = tpu.sem_alloc : memref<!tpu.dma_semaphore, #tpu.memory_space<semaphore_mem>>
      %dma_start3A = arith.constant 0 : i32
      %dma_start3A_19 = tpu.memref_slice %arg5[%arg0, %mul3A_0, %dma_start3A] : memref<2x10240x128xf32, #tpu.memory_space<hbm>> -> memref<1x632x128xf32, #tpu.memory_space<hbm>>
      %dma_start3A_20 = tpu.memref_squeeze %dma_start3A_19 : memref<1x632x128xf32, #tpu.memory_space<hbm>> -> memref<632x128xf32, #tpu.memory_space<hbm>>
      %dma_start3A_21 = arith.constant 0 : i32
      %dma_start3A_22 = tpu.memref_slice %arg10[%mul3A_0, %dma_start3A_21] : memref<10112x128xf32, #tpu.memory_space<vmem_shared>> -> memref<632x128xf32, #tpu.memory_space<vmem_shared>>
      tpu.enqueue_dma source(%dma_start3A_22 : memref<632x128xf32, #tpu.memory_space<vmem_shared>>) target(%dma_start3A_20 : memref<632x128xf32, #tpu.memory_space<hbm>>) target_semaphore(%run_scoped3A : memref<!tpu.dma_semaphore, #tpu.memory_space<semaphore_mem>>)
      %dma_wait3A = arith.constant 0 : i32
      %dma_wait3A_23 = tpu.memref_slice %arg5[%arg0, %mul3A_0, %dma_wait3A] : memref<2x10240x128xf32, #tpu.memory_space<hbm>> -> memref<1x632x128xf32, #tpu.memory_space<hbm>>
      %dma_wait3A_24 = tpu.memref_squeeze %dma_wait3A_23 : memref<1x632x128xf32, #tpu.memory_space<hbm>> -> memref<632x128xf32, #tpu.memory_space<hbm>>
      %dma_wait3A_25 = arith.constant 0 : i32
      %dma_wait3A_26 = tpu.memref_slice %arg10[%mul3A_0, %dma_wait3A_25] : memref<10112x128xf32, #tpu.memory_space<vmem_shared>> -> memref<632x128xf32, #tpu.memory_space<vmem_shared>>
      tpu.wait_dma2 semaphore(%run_scoped3A : memref<!tpu.dma_semaphore, #tpu.memory_space<semaphore_mem>>) src(%dma_wait3A_26 : memref<632x128xf32, #tpu.memory_space<vmem_shared>>) dst(%dma_wait3A_24 : memref<632x128xf32, #tpu.memory_space<hbm>>)
      tpu.yield
    }) : () -> ()
    return
  }
}

#map = affine_map<(d0, d1) -> (0, 0)>
#map1 = affine_map<(d0, d1) -> (0, 0, 0)>
module attributes {stable_mosaic.version = 14 : i64} {
  func.func @_sc_agg_body(%arg0: i32, %arg1: i32, %arg2: memref<10240x128xf32, #tpu.memory_space<hbm>>, %arg3: memref<2560x128xi32, #tpu.memory_space<hbm>>, %arg4: memref<10240x128xf32, #tpu.memory_space<hbm>>, %arg5: memref<2x10240x128xf32, #tpu.memory_space<hbm>>, %arg6: memref<144x128xi32, #tpu.memory_space<vmem>>, %arg7: memref<1x128xi32, #tpu.memory_space<vmem>>, %arg8: memref<1x128xi32, #tpu.memory_space<vmem>>, %arg9: memref<1x128x128xf32, #tpu.memory_space<vmem>>, %arg10: memref<10112x128xf32, #tpu.memory_space<vmem_shared>>, %arg11: memref<1x!tpu.dma_semaphore, #tpu.memory_space<semaphore_mem>>, %arg12: memref<1x!tpu.dma_semaphore, #tpu.memory_space<semaphore_mem>>) attributes {dimension_semantics = [#tpu.dimension_semantics<core_parallel>, #tpu.dimension_semantics<subcore_parallel>], iteration_bounds = array<i64: 2, 16>, scalar_prefetch = 0 : i64, scratch_operands = 7 : i64, tpu.core_type = #tpu.core_type<sc_vector_subcore>, window_params = [{transform_indices = #map}, {transform_indices = #map}, {transform_indices = #map}, {transform_indices = #map1}]} {
    %mul3A = arith.constant 632 : i32
    %mul3A_0 = arith.muli %arg1, %mul3A : i32
    "tpu.region"() ({
      %run_scoped3A = tpu.sem_alloc : memref<!tpu.dma_semaphore, #tpu.memory_space<semaphore_mem>>
      %dma_start3A = arith.constant 0 : i32
      %dma_start3A_19 = tpu.memref_slice %arg10[%mul3A_0, %dma_start3A] : memref<10112x128xf32, #tpu.memory_space<vmem_shared>> -> memref<632x128xf32, #tpu.memory_space<vmem_shared>>
      %dma_start3A_20 = arith.constant 0 : i32
      %dma_start3A_21 = tpu.memref_slice %arg4[%mul3A_0, %dma_start3A_20] : memref<10240x128xf32, #tpu.memory_space<hbm>> -> memref<632x128xf32, #tpu.memory_space<hbm>>
      tpu.enqueue_dma source(%dma_start3A_21 : memref<632x128xf32, #tpu.memory_space<hbm>>) target(%dma_start3A_19 : memref<632x128xf32, #tpu.memory_space<vmem_shared>>) target_semaphore(%run_scoped3A : memref<!tpu.dma_semaphore, #tpu.memory_space<semaphore_mem>>)
      %dma_wait3A = arith.constant 0 : i32
      %dma_wait3A_22 = tpu.memref_slice %arg10[%mul3A_0, %dma_wait3A] : memref<10112x128xf32, #tpu.memory_space<vmem_shared>> -> memref<632x128xf32, #tpu.memory_space<vmem_shared>>
      %dma_wait3A_23 = arith.constant 0 : i32
      %dma_wait3A_24 = tpu.memref_slice %arg4[%mul3A_0, %dma_wait3A_23] : memref<10240x128xf32, #tpu.memory_space<hbm>> -> memref<632x128xf32, #tpu.memory_space<hbm>>
      tpu.wait_dma2 semaphore(%run_scoped3A : memref<!tpu.dma_semaphore, #tpu.memory_space<semaphore_mem>>) src(%dma_wait3A_24 : memref<632x128xf32, #tpu.memory_space<hbm>>) dst(%dma_wait3A_22 : memref<632x128xf32, #tpu.memory_space<vmem_shared>>)
      tpu.yield
    }) : () -> ()
    %eq3A = arith.constant 0 : i32
    %eq3A_1 = arith.cmpi eq, %arg0, %eq3A : i32
    %convert_element_type3A = arith.extui %eq3A_1 : i1 to i32
    %cond3A = arith.constant 0 : i32
    %cond3A_2 = arith.cmpi ne, %convert_element_type3A, %cond3A : i32
    scf.if %cond3A_2 {
      %mul3A_19 = arith.constant 144 : i32
      %mul3A_20 = arith.muli %arg1, %mul3A_19 : i32
      "tpu.region"() ({
        %run_scoped3A = tpu.sem_alloc : memref<!tpu.dma_semaphore, #tpu.memory_space<semaphore_mem>>
        %dma_start3A = arith.constant 0 : i32
        %dma_start3A_21 = tpu.memref_slice %arg3[%mul3A_20, %dma_start3A] : memref<2560x128xi32, #tpu.memory_space<hbm>> -> memref<144x128xi32, #tpu.memory_space<hbm>>
        %dma_start3A_22 = arith.constant 0 : i32
        %dma_start3A_23 = tpu.memref_slice %arg3[%mul3A_20, %dma_start3A_22] : memref<2560x128xi32, #tpu.memory_space<hbm>> -> memref<144x128xi32, #tpu.memory_space<hbm>>
        tpu.enqueue_dma source(%dma_start3A_23 : memref<144x128xi32, #tpu.memory_space<hbm>>) target(%arg6 : memref<144x128xi32, #tpu.memory_space<vmem>>) target_semaphore(%run_scoped3A : memref<!tpu.dma_semaphore, #tpu.memory_space<semaphore_mem>>)
        %dma_wait3A = arith.constant 0 : i32
        %dma_wait3A_24 = tpu.memref_slice %arg3[%mul3A_20, %dma_wait3A] : memref<2560x128xi32, #tpu.memory_space<hbm>> -> memref<144x128xi32, #tpu.memory_space<hbm>>
        %dma_wait3A_25 = arith.constant 0 : i32
        %dma_wait3A_26 = tpu.memref_slice %arg3[%mul3A_20, %dma_wait3A_25] : memref<2560x128xi32, #tpu.memory_space<hbm>> -> memref<144x128xi32, #tpu.memory_space<hbm>>
        tpu.wait_dma2 semaphore(%run_scoped3A : memref<!tpu.dma_semaphore, #tpu.memory_space<semaphore_mem>>) src(%dma_wait3A_26 : memref<144x128xi32, #tpu.memory_space<hbm>>) dst(%arg6 : memref<144x128xi32, #tpu.memory_space<vmem>>)
        tpu.yield
      }) : () -> ()
    } else {
    }
    %eq3A_3 = arith.constant 1 : i32
    %eq3A_4 = arith.cmpi eq, %arg0, %eq3A_3 : i32
    %convert_element_type3A_5 = arith.extui %eq3A_4 : i1 to i32
    %cond3A_6 = arith.constant 0 : i32
    %cond3A_7 = arith.cmpi ne, %convert_element_type3A_5, %cond3A_6 : i32
    scf.if %cond3A_7 {
      %mul3A_19 = arith.constant 16 : i32
      %mul3A_20 = arith.muli %arg1, %mul3A_19 : i32
      %add3A = arith.constant 2304 : i32
      %add3A_21 = arith.addi %add3A, %mul3A_20 : i32
      "tpu.region"() ({
        %run_scoped3A = tpu.sem_alloc : memref<!tpu.dma_semaphore, #tpu.memory_space<semaphore_mem>>
        %dma_start3A = arith.constant 0 : i32
        %dma_start3A_22 = arith.constant 0 : i32
        %dma_start3A_23 = tpu.memref_slice %arg6[%dma_start3A, %dma_start3A_22] : memref<144x128xi32, #tpu.memory_space<vmem>> -> memref<16x128xi32, #tpu.memory_space<vmem>>
        %dma_start3A_24 = arith.constant 0 : i32
        %dma_start3A_25 = tpu.memref_slice %arg3[%add3A_21, %dma_start3A_24] : memref<2560x128xi32, #tpu.memory_space<hbm>> -> memref<16x128xi32, #tpu.memory_space<hbm>>
        %dma_start3A_26 = arith.constant 0 : i32
        %dma_start3A_27 = arith.constant 0 : i32
        %dma_start3A_28 = tpu.memref_slice %arg6[%dma_start3A_26, %dma_start3A_27] : memref<144x128xi32, #tpu.memory_space<vmem>> -> memref<16x128xi32, #tpu.memory_space<vmem>>
        %dma_start3A_29 = arith.constant 0 : i32
        %dma_start3A_30 = tpu.memref_slice %arg3[%add3A_21, %dma_start3A_29] : memref<2560x128xi32, #tpu.memory_space<hbm>> -> memref<16x128xi32, #tpu.memory_space<hbm>>
        tpu.enqueue_dma source(%dma_start3A_30 : memref<16x128xi32, #tpu.memory_space<hbm>>) target(%dma_start3A_28 : memref<16x128xi32, #tpu.memory_space<vmem>>) target_semaphore(%run_scoped3A : memref<!tpu.dma_semaphore, #tpu.memory_space<semaphore_mem>>)
        %dma_wait3A = arith.constant 0 : i32
        %dma_wait3A_31 = arith.constant 0 : i32
        %dma_wait3A_32 = tpu.memref_slice %arg6[%dma_wait3A, %dma_wait3A_31] : memref<144x128xi32, #tpu.memory_space<vmem>> -> memref<16x128xi32, #tpu.memory_space<vmem>>
        %dma_wait3A_33 = arith.constant 0 : i32
        %dma_wait3A_34 = tpu.memref_slice %arg3[%add3A_21, %dma_wait3A_33] : memref<2560x128xi32, #tpu.memory_space<hbm>> -> memref<16x128xi32, #tpu.memory_space<hbm>>
        %dma_wait3A_35 = arith.constant 0 : i32
        %dma_wait3A_36 = arith.constant 0 : i32
        %dma_wait3A_37 = tpu.memref_slice %arg6[%dma_wait3A_35, %dma_wait3A_36] : memref<144x128xi32, #tpu.memory_space<vmem>> -> memref<16x128xi32, #tpu.memory_space<vmem>>
        %dma_wait3A_38 = arith.constant 0 : i32
        %dma_wait3A_39 = tpu.memref_slice %arg3[%add3A_21, %dma_wait3A_38] : memref<2560x128xi32, #tpu.memory_space<hbm>> -> memref<16x128xi32, #tpu.memory_space<hbm>>
        tpu.wait_dma2 semaphore(%run_scoped3A : memref<!tpu.dma_semaphore, #tpu.memory_space<semaphore_mem>>) src(%dma_wait3A_39 : memref<16x128xi32, #tpu.memory_space<hbm>>) dst(%dma_wait3A_37 : memref<16x128xi32, #tpu.memory_space<vmem>>)
        tpu.yield
      }) : () -> ()
    } else {
    }
    %barrier3A = arith.constant 0 : index
    tpu.barrier barrier_id(%barrier3A)
    %eq3A_8 = arith.constant 0 : i32
    %eq3A_9 = arith.cmpi eq, %arg0, %eq3A_8 : i32
    %convert_element_type3A_10 = arith.extui %eq3A_9 : i1 to i32
    %cond3A_11 = arith.constant 0 : i32
    %cond3A_12 = arith.cmpi ne, %convert_element_type3A_10, %cond3A_11 : i32
    scf.if %cond3A_12 {
      %scan3A = arith.constant 0 : i32
      %scan3A_19 = arith.constant 144 : i32
      %scan3A_20 = arith.addi %scan3A, %scan3A_19 : i32
      %scan3A_21 = arith.constant 1 : i32
      scf.for %scan3A_23 = %scan3A to %scan3A_20 step %scan3A_21  : i32 {
        %mul3A_24 = arith.constant 1 : i32
        %mul3A_25 = arith.muli %scan3A_23, %mul3A_24 : i32
        %add3A = arith.constant 0 : i32
        %add3A_26 = arith.addi %add3A, %mul3A_25 : i32
        %get3A = arith.index_cast %add3A_26 : i32 to index
        %get3A_27 = arith.constant 0 : index
        %get3A_28 = tpu.vector_load %arg6[%get3A, %get3A_27] {strides = array<i32>} : memref<144x128xi32, #tpu.memory_space<vmem>>, vector<1x16xi32>,
        %get3A_29 = vector.shape_cast %get3A_28 : vector<1x16xi32> to vector<16xi32>
        %and3A = arith.constant 65535 : i32
        %and3A_30 = vector.broadcast %and3A : i32 to vector<16xi32>
        %and3A_31 = arith.andi %get3A_29, %and3A_30 : vector<16xi32>
        %swap3A = arith.constant 0 : i32
        %swap3A_32 = arith.index_cast %swap3A : i32 to index
        %swap3A_33 = arith.constant 0 : index
        %swap3A_34 = tpu.vector_load %arg7[%swap3A_32, %swap3A_33] {strides = array<i32>} : memref<1x128xi32, #tpu.memory_space<vmem>>, vector<1x16xi32>,
        %swap3A_35 = vector.shape_cast %swap3A_34 : vector<1x16xi32> to vector<16xi32>
        %swap3A_36 = vector.shape_cast %and3A_31 : vector<16xi32> to vector<1x16xi32>
        tpu.vector_store %arg7[%swap3A_32, %swap3A_33], %swap3A_36 {strides = array<i32>} : memref<1x128xi32, #tpu.memory_space<vmem>>, vector<1x16xi32>,
        %shift_right_logical3A = arith.constant 16 : i32
        %shift_right_logical3A_37 = vector.broadcast %shift_right_logical3A : i32 to vector<16xi32>
        %shift_right_logical3A_38 = arith.shrui %get3A_29, %shift_right_logical3A_37 : vector<16xi32>
        %swap3A_39 = arith.constant 0 : i32
        %swap3A_40 = arith.index_cast %swap3A_39 : i32 to index
        %swap3A_41 = arith.constant 0 : index
        %swap3A_42 = tpu.vector_load %arg8[%swap3A_40, %swap3A_41] {strides = array<i32>} : memref<1x128xi32, #tpu.memory_space<vmem>>, vector<1x16xi32>,
        %swap3A_43 = vector.shape_cast %swap3A_42 : vector<1x16xi32> to vector<16xi32>
        %swap3A_44 = vector.shape_cast %shift_right_logical3A_38 : vector<16xi32> to vector<1x16xi32>
        tpu.vector_store %arg8[%swap3A_40, %swap3A_41], %swap3A_44 {strides = array<i32>} : memref<1x128xi32, #tpu.memory_space<vmem>>, vector<1x16xi32>,
        %get3A_45 = arith.index_cast %add3A_26 : i32 to index
        %get3A_46 = arith.constant 16 : index
        %get3A_47 = tpu.vector_load %arg6[%get3A_45, %get3A_46] {strides = array<i32>} : memref<144x128xi32, #tpu.memory_space<vmem>>, vector<1x16xi32>,
        %get3A_48 = vector.shape_cast %get3A_47 : vector<1x16xi32> to vector<16xi32>
        %and3A_49 = arith.constant 65535 : i32
        %and3A_50 = vector.broadcast %and3A_49 : i32 to vector<16xi32>
        %and3A_51 = arith.andi %get3A_48, %and3A_50 : vector<16xi32>
        %swap3A_52 = arith.constant 0 : i32
        %swap3A_53 = arith.index_cast %swap3A_52 : i32 to index
        %swap3A_54 = arith.constant 16 : index
        %swap3A_55 = tpu.vector_load %arg7[%swap3A_53, %swap3A_54] {strides = array<i32>} : memref<1x128xi32, #tpu.memory_space<vmem>>, vector<1x16xi32>,
        %swap3A_56 = vector.shape_cast %swap3A_55 : vector<1x16xi32> to vector<16xi32>
        %swap3A_57 = vector.shape_cast %and3A_51 : vector<16xi32> to vector<1x16xi32>
        tpu.vector_store %arg7[%swap3A_53, %swap3A_54], %swap3A_57 {strides = array<i32>} : memref<1x128xi32, #tpu.memory_space<vmem>>, vector<1x16xi32>,
        %shift_right_logical3A_58 = arith.constant 16 : i32
        %shift_right_logical3A_59 = vector.broadcast %shift_right_logical3A_58 : i32 to vector<16xi32>
        %shift_right_logical3A_60 = arith.shrui %get3A_48, %shift_right_logical3A_59 : vector<16xi32>
        %swap3A_61 = arith.constant 0 : i32
        %swap3A_62 = arith.index_cast %swap3A_61 : i32 to index
        %swap3A_63 = arith.constant 16 : index
        %swap3A_64 = tpu.vector_load %arg8[%swap3A_62, %swap3A_63] {strides = array<i32>} : memref<1x128xi32, #tpu.memory_space<vmem>>, vector<1x16xi32>,
        %swap3A_65 = vector.shape_cast %swap3A_64 : vector<1x16xi32> to vector<16xi32>
        %swap3A_66 = vector.shape_cast %shift_right_logical3A_60 : vector<16xi32> to vector<1x16xi32>
        tpu.vector_store %arg8[%swap3A_62, %swap3A_63], %swap3A_66 {strides = array<i32>} : memref<1x128xi32, #tpu.memory_space<vmem>>, vector<1x16xi32>,
        %get3A_67 = arith.index_cast %add3A_26 : i32 to index
        %get3A_68 = arith.constant 32 : index
        %get3A_69 = tpu.vector_load %arg6[%get3A_67, %get3A_68] {strides = array<i32>} : memref<144x128xi32, #tpu.memory_space<vmem>>, vector<1x16xi32>,
        %get3A_70 = vector.shape_cast %get3A_69 : vector<1x16xi32> to vector<16xi32>
        %and3A_71 = arith.constant 65535 : i32
        %and3A_72 = vector.broadcast %and3A_71 : i32 to vector<16xi32>
        %and3A_73 = arith.andi %get3A_70, %and3A_72 : vector<16xi32>
        %swap3A_74 = arith.constant 0 : i32
        %swap3A_75 = arith.index_cast %swap3A_74 : i32 to index
        %swap3A_76 = arith.constant 32 : index
        %swap3A_77 = tpu.vector_load %arg7[%swap3A_75, %swap3A_76] {strides = array<i32>} : memref<1x128xi32, #tpu.memory_space<vmem>>, vector<1x16xi32>,
        %swap3A_78 = vector.shape_cast %swap3A_77 : vector<1x16xi32> to vector<16xi32>
        %swap3A_79 = vector.shape_cast %and3A_73 : vector<16xi32> to vector<1x16xi32>
        tpu.vector_store %arg7[%swap3A_75, %swap3A_76], %swap3A_79 {strides = array<i32>} : memref<1x128xi32, #tpu.memory_space<vmem>>, vector<1x16xi32>,
        %shift_right_logical3A_80 = arith.constant 16 : i32
        %shift_right_logical3A_81 = vector.broadcast %shift_right_logical3A_80 : i32 to vector<16xi32>
        %shift_right_logical3A_82 = arith.shrui %get3A_70, %shift_right_logical3A_81 : vector<16xi32>
        %swap3A_83 = arith.constant 0 : i32
        %swap3A_84 = arith.index_cast %swap3A_83 : i32 to index
        %swap3A_85 = arith.constant 32 : index
        %swap3A_86 = tpu.vector_load %arg8[%swap3A_84, %swap3A_85] {strides = array<i32>} : memref<1x128xi32, #tpu.memory_space<vmem>>, vector<1x16xi32>,
        %swap3A_87 = vector.shape_cast %swap3A_86 : vector<1x16xi32> to vector<16xi32>
        %swap3A_88 = vector.shape_cast %shift_right_logical3A_82 : vector<16xi32> to vector<1x16xi32>
        tpu.vector_store %arg8[%swap3A_84, %swap3A_85], %swap3A_88 {strides = array<i32>} : memref<1x128xi32, #tpu.memory_space<vmem>>, vector<1x16xi32>,
        %get3A_89 = arith.index_cast %add3A_26 : i32 to index
        %get3A_90 = arith.constant 48 : index
        %get3A_91 = tpu.vector_load %arg6[%get3A_89, %get3A_90] {strides = array<i32>} : memref<144x128xi32, #tpu.memory_space<vmem>>, vector<1x16xi32>,
        %get3A_92 = vector.shape_cast %get3A_91 : vector<1x16xi32> to vector<16xi32>
        %and3A_93 = arith.constant 65535 : i32
        %and3A_94 = vector.broadcast %and3A_93 : i32 to vector<16xi32>
        %and3A_95 = arith.andi %get3A_92, %and3A_94 : vector<16xi32>
        %swap3A_96 = arith.constant 0 : i32
        %swap3A_97 = arith.index_cast %swap3A_96 : i32 to index
        %swap3A_98 = arith.constant 48 : index
        %swap3A_99 = tpu.vector_load %arg7[%swap3A_97, %swap3A_98] {strides = array<i32>} : memref<1x128xi32, #tpu.memory_space<vmem>>, vector<1x16xi32>,
        %swap3A_100 = vector.shape_cast %swap3A_99 : vector<1x16xi32> to vector<16xi32>
        %swap3A_101 = vector.shape_cast %and3A_95 : vector<16xi32> to vector<1x16xi32>
        tpu.vector_store %arg7[%swap3A_97, %swap3A_98], %swap3A_101 {strides = array<i32>} : memref<1x128xi32, #tpu.memory_space<vmem>>, vector<1x16xi32>,
        %shift_right_logical3A_102 = arith.constant 16 : i32
        %shift_right_logical3A_103 = vector.broadcast %shift_right_logical3A_102 : i32 to vector<16xi32>
        %shift_right_logical3A_104 = arith.shrui %get3A_92, %shift_right_logical3A_103 : vector<16xi32>
        %swap3A_105 = arith.constant 0 : i32
        %swap3A_106 = arith.index_cast %swap3A_105 : i32 to index
        %swap3A_107 = arith.constant 48 : index
        %swap3A_108 = tpu.vector_load %arg8[%swap3A_106, %swap3A_107] {strides = array<i32>} : memref<1x128xi32, #tpu.memory_space<vmem>>, vector<1x16xi32>,
        %swap3A_109 = vector.shape_cast %swap3A_108 : vector<1x16xi32> to vector<16xi32>
        %swap3A_110 = vector.shape_cast %shift_right_logical3A_104 : vector<16xi32> to vector<1x16xi32>
        tpu.vector_store %arg8[%swap3A_106, %swap3A_107], %swap3A_110 {strides = array<i32>} : memref<1x128xi32, #tpu.memory_space<vmem>>, vector<1x16xi32>,
        %get3A_111 = arith.index_cast %add3A_26 : i32 to index
        %get3A_112 = arith.constant 64 : index
        %get3A_113 = tpu.vector_load %arg6[%get3A_111, %get3A_112] {strides = array<i32>} : memref<144x128xi32, #tpu.memory_space<vmem>>, vector<1x16xi32>,
        %get3A_114 = vector.shape_cast %get3A_113 : vector<1x16xi32> to vector<16xi32>
        %and3A_115 = arith.constant 65535 : i32
        %and3A_116 = vector.broadcast %and3A_115 : i32 to vector<16xi32>
        %and3A_117 = arith.andi %get3A_114, %and3A_116 : vector<16xi32>
        %swap3A_118 = arith.constant 0 : i32
        %swap3A_119 = arith.index_cast %swap3A_118 : i32 to index
        %swap3A_120 = arith.constant 64 : index
        %swap3A_121 = tpu.vector_load %arg7[%swap3A_119, %swap3A_120] {strides = array<i32>} : memref<1x128xi32, #tpu.memory_space<vmem>>, vector<1x16xi32>,
        %swap3A_122 = vector.shape_cast %swap3A_121 : vector<1x16xi32> to vector<16xi32>
        %swap3A_123 = vector.shape_cast %and3A_117 : vector<16xi32> to vector<1x16xi32>
        tpu.vector_store %arg7[%swap3A_119, %swap3A_120], %swap3A_123 {strides = array<i32>} : memref<1x128xi32, #tpu.memory_space<vmem>>, vector<1x16xi32>,
        %shift_right_logical3A_124 = arith.constant 16 : i32
        %shift_right_logical3A_125 = vector.broadcast %shift_right_logical3A_124 : i32 to vector<16xi32>
        %shift_right_logical3A_126 = arith.shrui %get3A_114, %shift_right_logical3A_125 : vector<16xi32>
        %swap3A_127 = arith.constant 0 : i32
        %swap3A_128 = arith.index_cast %swap3A_127 : i32 to index
        %swap3A_129 = arith.constant 64 : index
        %swap3A_130 = tpu.vector_load %arg8[%swap3A_128, %swap3A_129] {strides = array<i32>} : memref<1x128xi32, #tpu.memory_space<vmem>>, vector<1x16xi32>,
        %swap3A_131 = vector.shape_cast %swap3A_130 : vector<1x16xi32> to vector<16xi32>
        %swap3A_132 = vector.shape_cast %shift_right_logical3A_126 : vector<16xi32> to vector<1x16xi32>
        tpu.vector_store %arg8[%swap3A_128, %swap3A_129], %swap3A_132 {strides = array<i32>} : memref<1x128xi32, #tpu.memory_space<vmem>>, vector<1x16xi32>,
        %get3A_133 = arith.index_cast %add3A_26 : i32 to index
        %get3A_134 = arith.constant 80 : index
        %get3A_135 = tpu.vector_load %arg6[%get3A_133, %get3A_134] {strides = array<i32>} : memref<144x128xi32, #tpu.memory_space<vmem>>, vector<1x16xi32>,
        %get3A_136 = vector.shape_cast %get3A_135 : vector<1x16xi32> to vector<16xi32>
        %and3A_137 = arith.constant 65535 : i32
        %and3A_138 = vector.broadcast %and3A_137 : i32 to vector<16xi32>
        %and3A_139 = arith.andi %get3A_136, %and3A_138 : vector<16xi32>
        %swap3A_140 = arith.constant 0 : i32
        %swap3A_141 = arith.index_cast %swap3A_140 : i32 to index
        %swap3A_142 = arith.constant 80 : index
        %swap3A_143 = tpu.vector_load %arg7[%swap3A_141, %swap3A_142] {strides = array<i32>} : memref<1x128xi32, #tpu.memory_space<vmem>>, vector<1x16xi32>,
        %swap3A_144 = vector.shape_cast %swap3A_143 : vector<1x16xi32> to vector<16xi32>
        %swap3A_145 = vector.shape_cast %and3A_139 : vector<16xi32> to vector<1x16xi32>
        tpu.vector_store %arg7[%swap3A_141, %swap3A_142], %swap3A_145 {strides = array<i32>} : memref<1x128xi32, #tpu.memory_space<vmem>>, vector<1x16xi32>,
        %shift_right_logical3A_146 = arith.constant 16 : i32
        %shift_right_logical3A_147 = vector.broadcast %shift_right_logical3A_146 : i32 to vector<16xi32>
        %shift_right_logical3A_148 = arith.shrui %get3A_136, %shift_right_logical3A_147 : vector<16xi32>
        %swap3A_149 = arith.constant 0 : i32
        %swap3A_150 = arith.index_cast %swap3A_149 : i32 to index
        %swap3A_151 = arith.constant 80 : index
        %swap3A_152 = tpu.vector_load %arg8[%swap3A_150, %swap3A_151] {strides = array<i32>} : memref<1x128xi32, #tpu.memory_space<vmem>>, vector<1x16xi32>,
        %swap3A_153 = vector.shape_cast %swap3A_152 : vector<1x16xi32> to vector<16xi32>
        %swap3A_154 = vector.shape_cast %shift_right_logical3A_148 : vector<16xi32> to vector<1x16xi32>
        tpu.vector_store %arg8[%swap3A_150, %swap3A_151], %swap3A_154 {strides = array<i32>} : memref<1x128xi32, #tpu.memory_space<vmem>>, vector<1x16xi32>,
        %get3A_155 = arith.index_cast %add3A_26 : i32 to index
        %get3A_156 = arith.constant 96 : index
        %get3A_157 = tpu.vector_load %arg6[%get3A_155, %get3A_156] {strides = array<i32>} : memref<144x128xi32, #tpu.memory_space<vmem>>, vector<1x16xi32>,
        %get3A_158 = vector.shape_cast %get3A_157 : vector<1x16xi32> to vector<16xi32>
        %and3A_159 = arith.constant 65535 : i32
        %and3A_160 = vector.broadcast %and3A_159 : i32 to vector<16xi32>
        %and3A_161 = arith.andi %get3A_158, %and3A_160 : vector<16xi32>
        %swap3A_162 = arith.constant 0 : i32
        %swap3A_163 = arith.index_cast %swap3A_162 : i32 to index
        %swap3A_164 = arith.constant 96 : index
        %swap3A_165 = tpu.vector_load %arg7[%swap3A_163, %swap3A_164] {strides = array<i32>} : memref<1x128xi32, #tpu.memory_space<vmem>>, vector<1x16xi32>,
        %swap3A_166 = vector.shape_cast %swap3A_165 : vector<1x16xi32> to vector<16xi32>
        %swap3A_167 = vector.shape_cast %and3A_161 : vector<16xi32> to vector<1x16xi32>
        tpu.vector_store %arg7[%swap3A_163, %swap3A_164], %swap3A_167 {strides = array<i32>} : memref<1x128xi32, #tpu.memory_space<vmem>>, vector<1x16xi32>,
        %shift_right_logical3A_168 = arith.constant 16 : i32
        %shift_right_logical3A_169 = vector.broadcast %shift_right_logical3A_168 : i32 to vector<16xi32>
        %shift_right_logical3A_170 = arith.shrui %get3A_158, %shift_right_logical3A_169 : vector<16xi32>
        %swap3A_171 = arith.constant 0 : i32
        %swap3A_172 = arith.index_cast %swap3A_171 : i32 to index
        %swap3A_173 = arith.constant 96 : index
        %swap3A_174 = tpu.vector_load %arg8[%swap3A_172, %swap3A_173] {strides = array<i32>} : memref<1x128xi32, #tpu.memory_space<vmem>>, vector<1x16xi32>,
        %swap3A_175 = vector.shape_cast %swap3A_174 : vector<1x16xi32> to vector<16xi32>
        %swap3A_176 = vector.shape_cast %shift_right_logical3A_170 : vector<16xi32> to vector<1x16xi32>
        tpu.vector_store %arg8[%swap3A_172, %swap3A_173], %swap3A_176 {strides = array<i32>} : memref<1x128xi32, #tpu.memory_space<vmem>>, vector<1x16xi32>,
        %get3A_177 = arith.index_cast %add3A_26 : i32 to index
        %get3A_178 = arith.constant 112 : index
        %get3A_179 = tpu.vector_load %arg6[%get3A_177, %get3A_178] {strides = array<i32>} : memref<144x128xi32, #tpu.memory_space<vmem>>, vector<1x16xi32>,
        %get3A_180 = vector.shape_cast %get3A_179 : vector<1x16xi32> to vector<16xi32>
        %and3A_181 = arith.constant 65535 : i32
        %and3A_182 = vector.broadcast %and3A_181 : i32 to vector<16xi32>
        %and3A_183 = arith.andi %get3A_180, %and3A_182 : vector<16xi32>
        %swap3A_184 = arith.constant 0 : i32
        %swap3A_185 = arith.index_cast %swap3A_184 : i32 to index
        %swap3A_186 = arith.constant 112 : index
        %swap3A_187 = tpu.vector_load %arg7[%swap3A_185, %swap3A_186] {strides = array<i32>} : memref<1x128xi32, #tpu.memory_space<vmem>>, vector<1x16xi32>,
        %swap3A_188 = vector.shape_cast %swap3A_187 : vector<1x16xi32> to vector<16xi32>
        %swap3A_189 = vector.shape_cast %and3A_183 : vector<16xi32> to vector<1x16xi32>
        tpu.vector_store %arg7[%swap3A_185, %swap3A_186], %swap3A_189 {strides = array<i32>} : memref<1x128xi32, #tpu.memory_space<vmem>>, vector<1x16xi32>,
        %shift_right_logical3A_190 = arith.constant 16 : i32
        %shift_right_logical3A_191 = vector.broadcast %shift_right_logical3A_190 : i32 to vector<16xi32>
        %shift_right_logical3A_192 = arith.shrui %get3A_180, %shift_right_logical3A_191 : vector<16xi32>
        %swap3A_193 = arith.constant 0 : i32
        %swap3A_194 = arith.index_cast %swap3A_193 : i32 to index
        %swap3A_195 = arith.constant 112 : index
        %swap3A_196 = tpu.vector_load %arg8[%swap3A_194, %swap3A_195] {strides = array<i32>} : memref<1x128xi32, #tpu.memory_space<vmem>>, vector<1x16xi32>,
        %swap3A_197 = vector.shape_cast %swap3A_196 : vector<1x16xi32> to vector<16xi32>
        %swap3A_198 = vector.shape_cast %shift_right_logical3A_192 : vector<16xi32> to vector<1x16xi32>
        tpu.vector_store %arg8[%swap3A_194, %swap3A_195], %swap3A_198 {strides = array<i32>} : memref<1x128xi32, #tpu.memory_space<vmem>>, vector<1x16xi32>,
        %dma_start3A = arith.constant 0 : i32
        %dma_start3A_199 = arith.constant 0 : i32
        %dma_start3A_200 = arith.constant 0 : i32
        %dma_start3A_201 = arith.constant 0 : i32
        %dma_start3A_202 = arith.constant 0 : i32
        %dma_start3A_203 = tpu.memref_slice %arg9[%dma_start3A_199, %dma_start3A_201, %dma_start3A_202] : memref<1x128x128xf32, #tpu.memory_space<vmem>> -> memref<1x128x128xf32, #tpu.memory_space<vmem>>
        %dma_start3A_204 = tpu.memref_squeeze %dma_start3A_203 : memref<1x128x128xf32, #tpu.memory_space<vmem>> -> memref<128x128xf32, #tpu.memory_space<vmem>>
        %dma_start3A_205 = arith.constant 0 : i32
        %dma_start3A_206 = tpu.memref_slice %arg7[%dma_start3A, %dma_start3A_205] : memref<1x128xi32, #tpu.memory_space<vmem>> -> memref<1x128xi32, #tpu.memory_space<vmem>>
        %dma_start3A_207 = tpu.memref_squeeze %dma_start3A_206 : memref<1x128xi32, #tpu.memory_space<vmem>> -> memref<128xi32, #tpu.memory_space<vmem>>
        %dma_start3A_208 = arith.constant 0 : i32
        %dma_start3A_209 = arith.constant 0 : i32
        %dma_start3A_210 = tpu.memref_slice %arg2[%dma_start3A_208, %dma_start3A_209] : memref<10240x128xf32, #tpu.memory_space<hbm>> -> memref<10240x128xf32, #tpu.memory_space<hbm>>
        %dma_start3A_211 = tpu.memref_slice %arg11[%dma_start3A_200] : memref<1x!tpu.dma_semaphore, #tpu.memory_space<semaphore_mem>> -> memref<1x!tpu.dma_semaphore, #tpu.memory_space<semaphore_mem>>
        %dma_start3A_212 = tpu.memref_squeeze %dma_start3A_211 : memref<1x!tpu.dma_semaphore, #tpu.memory_space<semaphore_mem>> -> memref<!tpu.dma_semaphore, #tpu.memory_space<semaphore_mem>>
        tpu.enqueue_indirect_dma source(%dma_start3A_210 : memref<10240x128xf32, #tpu.memory_space<hbm>>) target(%dma_start3A_204 : memref<128x128xf32, #tpu.memory_space<vmem>>) offsets(%dma_start3A_207 : memref<128xi32, #tpu.memory_space<vmem>>) semaphore(%dma_start3A_212 : memref<!tpu.dma_semaphore, #tpu.memory_space<semaphore_mem>>)
        %dma_wait3A = arith.constant 0 : i32
        %dma_wait3A_213 = arith.constant 0 : i32
        %dma_wait3A_214 = arith.constant 0 : i32
        %dma_wait3A_215 = arith.constant 0 : i32
        %dma_wait3A_216 = arith.constant 0 : i32
        %dma_wait3A_217 = tpu.memref_slice %arg9[%dma_wait3A_213, %dma_wait3A_215, %dma_wait3A_216] : memref<1x128x128xf32, #tpu.memory_space<vmem>> -> memref<1x128x128xf32, #tpu.memory_space<vmem>>
        %dma_wait3A_218 = tpu.memref_squeeze %dma_wait3A_217 : memref<1x128x128xf32, #tpu.memory_space<vmem>> -> memref<128x128xf32, #tpu.memory_space<vmem>>
        %dma_wait3A_219 = arith.constant 0 : i32
        %dma_wait3A_220 = tpu.memref_slice %arg7[%dma_wait3A, %dma_wait3A_219] : memref<1x128xi32, #tpu.memory_space<vmem>> -> memref<1x128xi32, #tpu.memory_space<vmem>>
        %dma_wait3A_221 = tpu.memref_squeeze %dma_wait3A_220 : memref<1x128xi32, #tpu.memory_space<vmem>> -> memref<128xi32, #tpu.memory_space<vmem>>
        %dma_wait3A_222 = arith.constant 0 : i32
        %dma_wait3A_223 = arith.constant 0 : i32
        %dma_wait3A_224 = tpu.memref_slice %arg2[%dma_wait3A_222, %dma_wait3A_223] : memref<10240x128xf32, #tpu.memory_space<hbm>> -> memref<10240x128xf32, #tpu.memory_space<hbm>>
        %dma_wait3A_225 = tpu.memref_slice %arg11[%dma_wait3A_214] : memref<1x!tpu.dma_semaphore, #tpu.memory_space<semaphore_mem>> -> memref<1x!tpu.dma_semaphore, #tpu.memory_space<semaphore_mem>>
        %dma_wait3A_226 = tpu.memref_squeeze %dma_wait3A_225 : memref<1x!tpu.dma_semaphore, #tpu.memory_space<semaphore_mem>> -> memref<!tpu.dma_semaphore, #tpu.memory_space<semaphore_mem>>
        tpu.wait_indirect_dma semaphore(%dma_wait3A_226 : memref<!tpu.dma_semaphore, #tpu.memory_space<semaphore_mem>>) src(%dma_wait3A_224 : memref<10240x128xf32, #tpu.memory_space<hbm>>) dst(%dma_wait3A_218 : memref<128x128xf32, #tpu.memory_space<vmem>>)
        %dma_start3A_227 = arith.constant 0 : i32
        %dma_start3A_228 = arith.constant 0 : i32
        %dma_start3A_229 = arith.constant 0 : i32
        %dma_start3A_230 = arith.constant 0 : i32
        %dma_start3A_231 = arith.constant 0 : i32
        %dma_start3A_232 = tpu.memref_slice %arg9[%dma_start3A_227, %dma_start3A_230, %dma_start3A_231] : memref<1x128x128xf32, #tpu.memory_space<vmem>> -> memref<1x128x128xf32, #tpu.memory_space<vmem>>
        %dma_start3A_233 = tpu.memref_squeeze %dma_start3A_232 : memref<1x128x128xf32, #tpu.memory_space<vmem>> -> memref<128x128xf32, #tpu.memory_space<vmem>>
        %dma_start3A_234 = arith.constant 0 : i32
        %dma_start3A_235 = tpu.memref_slice %arg8[%dma_start3A_228, %dma_start3A_234] : memref<1x128xi32, #tpu.memory_space<vmem>> -> memref<1x128xi32, #tpu.memory_space<vmem>>
        %dma_start3A_236 = tpu.memref_squeeze %dma_start3A_235 : memref<1x128xi32, #tpu.memory_space<vmem>> -> memref<128xi32, #tpu.memory_space<vmem>>
        %dma_start3A_237 = arith.constant 0 : i32
        %dma_start3A_238 = arith.constant 0 : i32
        %dma_start3A_239 = tpu.memref_slice %arg10[%dma_start3A_237, %dma_start3A_238] : memref<10112x128xf32, #tpu.memory_space<vmem_shared>> -> memref<10112x128xf32, #tpu.memory_space<vmem_shared>>
        %dma_start3A_240 = tpu.memref_slice %arg12[%dma_start3A_229] : memref<1x!tpu.dma_semaphore, #tpu.memory_space<semaphore_mem>> -> memref<1x!tpu.dma_semaphore, #tpu.memory_space<semaphore_mem>>
        %dma_start3A_241 = tpu.memref_squeeze %dma_start3A_240 : memref<1x!tpu.dma_semaphore, #tpu.memory_space<semaphore_mem>> -> memref<!tpu.dma_semaphore, #tpu.memory_space<semaphore_mem>>
        tpu.enqueue_indirect_dma source(%dma_start3A_233 : memref<128x128xf32, #tpu.memory_space<vmem>>) target(%dma_start3A_239 : memref<10112x128xf32, #tpu.memory_space<vmem_shared>>) offsets(%dma_start3A_236 : memref<128xi32, #tpu.memory_space<vmem>>) semaphore(%dma_start3A_241 : memref<!tpu.dma_semaphore, #tpu.memory_space<semaphore_mem>>) {add = true}
        %dma_wait3A_242 = arith.constant 0 : i32
        %dma_wait3A_243 = arith.constant 0 : i32
        %dma_wait3A_244 = arith.constant 0 : i32
        %dma_wait3A_245 = arith.constant 0 : i32
        %dma_wait3A_246 = arith.constant 0 : i32
        %dma_wait3A_247 = tpu.memref_slice %arg9[%dma_wait3A_242, %dma_wait3A_245, %dma_wait3A_246] : memref<1x128x128xf32, #tpu.memory_space<vmem>> -> memref<1x128x128xf32, #tpu.memory_space<vmem>>
        %dma_wait3A_248 = tpu.memref_squeeze %dma_wait3A_247 : memref<1x128x128xf32, #tpu.memory_space<vmem>> -> memref<128x128xf32, #tpu.memory_space<vmem>>
        %dma_wait3A_249 = arith.constant 0 : i32
        %dma_wait3A_250 = tpu.memref_slice %arg8[%dma_wait3A_243, %dma_wait3A_249] : memref<1x128xi32, #tpu.memory_space<vmem>> -> memref<1x128xi32, #tpu.memory_space<vmem>>
        %dma_wait3A_251 = tpu.memref_squeeze %dma_wait3A_250 : memref<1x128xi32, #tpu.memory_space<vmem>> -> memref<128xi32, #tpu.memory_space<vmem>>
        %dma_wait3A_252 = arith.constant 0 : i32
        %dma_wait3A_253 = arith.constant 0 : i32
        %dma_wait3A_254 = tpu.memref_slice %arg10[%dma_wait3A_252, %dma_wait3A_253] : memref<10112x128xf32, #tpu.memory_space<vmem_shared>> -> memref<10112x128xf32, #tpu.memory_space<vmem_shared>>
        %dma_wait3A_255 = tpu.memref_slice %arg12[%dma_wait3A_244] : memref<1x!tpu.dma_semaphore, #tpu.memory_space<semaphore_mem>> -> memref<1x!tpu.dma_semaphore, #tpu.memory_space<semaphore_mem>>
        %dma_wait3A_256 = tpu.memref_squeeze %dma_wait3A_255 : memref<1x!tpu.dma_semaphore, #tpu.memory_space<semaphore_mem>> -> memref<!tpu.dma_semaphore, #tpu.memory_space<semaphore_mem>>
        tpu.wait_indirect_dma semaphore(%dma_wait3A_256 : memref<!tpu.dma_semaphore, #tpu.memory_space<semaphore_mem>>) src(%dma_wait3A_248 : memref<128x128xf32, #tpu.memory_space<vmem>>) dst(%dma_wait3A_254 : memref<10112x128xf32, #tpu.memory_space<vmem_shared>>)
      }
      %scan3A_22 = arith.constant 144 : i32
    } else {
    }
    %eq3A_13 = arith.constant 1 : i32
    %eq3A_14 = arith.cmpi eq, %arg0, %eq3A_13 : i32
    %convert_element_type3A_15 = arith.extui %eq3A_14 : i1 to i32
    %cond3A_16 = arith.constant 0 : i32
    %cond3A_17 = arith.cmpi ne, %convert_element_type3A_15, %cond3A_16 : i32
    scf.if %cond3A_17 {
      %scan3A = arith.constant 0 : i32
      %scan3A_19 = arith.constant 16 : i32
      %scan3A_20 = arith.addi %scan3A, %scan3A_19 : i32
      %scan3A_21 = arith.constant 1 : i32
      scf.for %scan3A_23 = %scan3A to %scan3A_20 step %scan3A_21  : i32 {
        %mul3A_24 = arith.constant 1 : i32
        %mul3A_25 = arith.muli %scan3A_23, %mul3A_24 : i32
        %add3A = arith.constant 0 : i32
        %add3A_26 = arith.addi %add3A, %mul3A_25 : i32
        %get3A = arith.index_cast %add3A_26 : i32 to index
        %get3A_27 = arith.constant 0 : index
        %get3A_28 = tpu.vector_load %arg6[%get3A, %get3A_27] {strides = array<i32>} : memref<144x128xi32, #tpu.memory_space<vmem>>, vector<1x16xi32>,
        %get3A_29 = vector.shape_cast %get3A_28 : vector<1x16xi32> to vector<16xi32>
        %and3A = arith.constant 65535 : i32
        %and3A_30 = vector.broadcast %and3A : i32 to vector<16xi32>
        %and3A_31 = arith.andi %get3A_29, %and3A_30 : vector<16xi32>
        %swap3A = arith.constant 0 : i32
        %swap3A_32 = arith.index_cast %swap3A : i32 to index
        %swap3A_33 = arith.constant 0 : index
        %swap3A_34 = tpu.vector_load %arg7[%swap3A_32, %swap3A_33] {strides = array<i32>} : memref<1x128xi32, #tpu.memory_space<vmem>>, vector<1x16xi32>,
        %swap3A_35 = vector.shape_cast %swap3A_34 : vector<1x16xi32> to vector<16xi32>
        %swap3A_36 = vector.shape_cast %and3A_31 : vector<16xi32> to vector<1x16xi32>
        tpu.vector_store %arg7[%swap3A_32, %swap3A_33], %swap3A_36 {strides = array<i32>} : memref<1x128xi32, #tpu.memory_space<vmem>>, vector<1x16xi32>,
        %shift_right_logical3A = arith.constant 16 : i32
        %shift_right_logical3A_37 = vector.broadcast %shift_right_logical3A : i32 to vector<16xi32>
        %shift_right_logical3A_38 = arith.shrui %get3A_29, %shift_right_logical3A_37 : vector<16xi32>
        %swap3A_39 = arith.constant 0 : i32
        %swap3A_40 = arith.index_cast %swap3A_39 : i32 to index
        %swap3A_41 = arith.constant 0 : index
        %swap3A_42 = tpu.vector_load %arg8[%swap3A_40, %swap3A_41] {strides = array<i32>} : memref<1x128xi32, #tpu.memory_space<vmem>>, vector<1x16xi32>,
        %swap3A_43 = vector.shape_cast %swap3A_42 : vector<1x16xi32> to vector<16xi32>
        %swap3A_44 = vector.shape_cast %shift_right_logical3A_38 : vector<16xi32> to vector<1x16xi32>
        tpu.vector_store %arg8[%swap3A_40, %swap3A_41], %swap3A_44 {strides = array<i32>} : memref<1x128xi32, #tpu.memory_space<vmem>>, vector<1x16xi32>,
        %get3A_45 = arith.index_cast %add3A_26 : i32 to index
        %get3A_46 = arith.constant 16 : index
        %get3A_47 = tpu.vector_load %arg6[%get3A_45, %get3A_46] {strides = array<i32>} : memref<144x128xi32, #tpu.memory_space<vmem>>, vector<1x16xi32>,
        %get3A_48 = vector.shape_cast %get3A_47 : vector<1x16xi32> to vector<16xi32>
        %and3A_49 = arith.constant 65535 : i32
        %and3A_50 = vector.broadcast %and3A_49 : i32 to vector<16xi32>
        %and3A_51 = arith.andi %get3A_48, %and3A_50 : vector<16xi32>
        %swap3A_52 = arith.constant 0 : i32
        %swap3A_53 = arith.index_cast %swap3A_52 : i32 to index
        %swap3A_54 = arith.constant 16 : index
        %swap3A_55 = tpu.vector_load %arg7[%swap3A_53, %swap3A_54] {strides = array<i32>} : memref<1x128xi32, #tpu.memory_space<vmem>>, vector<1x16xi32>,
        %swap3A_56 = vector.shape_cast %swap3A_55 : vector<1x16xi32> to vector<16xi32>
        %swap3A_57 = vector.shape_cast %and3A_51 : vector<16xi32> to vector<1x16xi32>
        tpu.vector_store %arg7[%swap3A_53, %swap3A_54], %swap3A_57 {strides = array<i32>} : memref<1x128xi32, #tpu.memory_space<vmem>>, vector<1x16xi32>,
        %shift_right_logical3A_58 = arith.constant 16 : i32
        %shift_right_logical3A_59 = vector.broadcast %shift_right_logical3A_58 : i32 to vector<16xi32>
        %shift_right_logical3A_60 = arith.shrui %get3A_48, %shift_right_logical3A_59 : vector<16xi32>
        %swap3A_61 = arith.constant 0 : i32
        %swap3A_62 = arith.index_cast %swap3A_61 : i32 to index
        %swap3A_63 = arith.constant 16 : index
        %swap3A_64 = tpu.vector_load %arg8[%swap3A_62, %swap3A_63] {strides = array<i32>} : memref<1x128xi32, #tpu.memory_space<vmem>>, vector<1x16xi32>,
        %swap3A_65 = vector.shape_cast %swap3A_64 : vector<1x16xi32> to vector<16xi32>
        %swap3A_66 = vector.shape_cast %shift_right_logical3A_60 : vector<16xi32> to vector<1x16xi32>
        tpu.vector_store %arg8[%swap3A_62, %swap3A_63], %swap3A_66 {strides = array<i32>} : memref<1x128xi32, #tpu.memory_space<vmem>>, vector<1x16xi32>,
        %get3A_67 = arith.index_cast %add3A_26 : i32 to index
        %get3A_68 = arith.constant 32 : index
        %get3A_69 = tpu.vector_load %arg6[%get3A_67, %get3A_68] {strides = array<i32>} : memref<144x128xi32, #tpu.memory_space<vmem>>, vector<1x16xi32>,
        %get3A_70 = vector.shape_cast %get3A_69 : vector<1x16xi32> to vector<16xi32>
        %and3A_71 = arith.constant 65535 : i32
        %and3A_72 = vector.broadcast %and3A_71 : i32 to vector<16xi32>
        %and3A_73 = arith.andi %get3A_70, %and3A_72 : vector<16xi32>
        %swap3A_74 = arith.constant 0 : i32
        %swap3A_75 = arith.index_cast %swap3A_74 : i32 to index
        %swap3A_76 = arith.constant 32 : index
        %swap3A_77 = tpu.vector_load %arg7[%swap3A_75, %swap3A_76] {strides = array<i32>} : memref<1x128xi32, #tpu.memory_space<vmem>>, vector<1x16xi32>,
        %swap3A_78 = vector.shape_cast %swap3A_77 : vector<1x16xi32> to vector<16xi32>
        %swap3A_79 = vector.shape_cast %and3A_73 : vector<16xi32> to vector<1x16xi32>
        tpu.vector_store %arg7[%swap3A_75, %swap3A_76], %swap3A_79 {strides = array<i32>} : memref<1x128xi32, #tpu.memory_space<vmem>>, vector<1x16xi32>,
        %shift_right_logical3A_80 = arith.constant 16 : i32
        %shift_right_logical3A_81 = vector.broadcast %shift_right_logical3A_80 : i32 to vector<16xi32>
        %shift_right_logical3A_82 = arith.shrui %get3A_70, %shift_right_logical3A_81 : vector<16xi32>
        %swap3A_83 = arith.constant 0 : i32
        %swap3A_84 = arith.index_cast %swap3A_83 : i32 to index
        %swap3A_85 = arith.constant 32 : index
        %swap3A_86 = tpu.vector_load %arg8[%swap3A_84, %swap3A_85] {strides = array<i32>} : memref<1x128xi32, #tpu.memory_space<vmem>>, vector<1x16xi32>,
        %swap3A_87 = vector.shape_cast %swap3A_86 : vector<1x16xi32> to vector<16xi32>
        %swap3A_88 = vector.shape_cast %shift_right_logical3A_82 : vector<16xi32> to vector<1x16xi32>
        tpu.vector_store %arg8[%swap3A_84, %swap3A_85], %swap3A_88 {strides = array<i32>} : memref<1x128xi32, #tpu.memory_space<vmem>>, vector<1x16xi32>,
        %get3A_89 = arith.index_cast %add3A_26 : i32 to index
        %get3A_90 = arith.constant 48 : index
        %get3A_91 = tpu.vector_load %arg6[%get3A_89, %get3A_90] {strides = array<i32>} : memref<144x128xi32, #tpu.memory_space<vmem>>, vector<1x16xi32>,
        %get3A_92 = vector.shape_cast %get3A_91 : vector<1x16xi32> to vector<16xi32>
        %and3A_93 = arith.constant 65535 : i32
        %and3A_94 = vector.broadcast %and3A_93 : i32 to vector<16xi32>
        %and3A_95 = arith.andi %get3A_92, %and3A_94 : vector<16xi32>
        %swap3A_96 = arith.constant 0 : i32
        %swap3A_97 = arith.index_cast %swap3A_96 : i32 to index
        %swap3A_98 = arith.constant 48 : index
        %swap3A_99 = tpu.vector_load %arg7[%swap3A_97, %swap3A_98] {strides = array<i32>} : memref<1x128xi32, #tpu.memory_space<vmem>>, vector<1x16xi32>,
        %swap3A_100 = vector.shape_cast %swap3A_99 : vector<1x16xi32> to vector<16xi32>
        %swap3A_101 = vector.shape_cast %and3A_95 : vector<16xi32> to vector<1x16xi32>
        tpu.vector_store %arg7[%swap3A_97, %swap3A_98], %swap3A_101 {strides = array<i32>} : memref<1x128xi32, #tpu.memory_space<vmem>>, vector<1x16xi32>,
        %shift_right_logical3A_102 = arith.constant 16 : i32
        %shift_right_logical3A_103 = vector.broadcast %shift_right_logical3A_102 : i32 to vector<16xi32>
        %shift_right_logical3A_104 = arith.shrui %get3A_92, %shift_right_logical3A_103 : vector<16xi32>
        %swap3A_105 = arith.constant 0 : i32
        %swap3A_106 = arith.index_cast %swap3A_105 : i32 to index
        %swap3A_107 = arith.constant 48 : index
        %swap3A_108 = tpu.vector_load %arg8[%swap3A_106, %swap3A_107] {strides = array<i32>} : memref<1x128xi32, #tpu.memory_space<vmem>>, vector<1x16xi32>,
        %swap3A_109 = vector.shape_cast %swap3A_108 : vector<1x16xi32> to vector<16xi32>
        %swap3A_110 = vector.shape_cast %shift_right_logical3A_104 : vector<16xi32> to vector<1x16xi32>
        tpu.vector_store %arg8[%swap3A_106, %swap3A_107], %swap3A_110 {strides = array<i32>} : memref<1x128xi32, #tpu.memory_space<vmem>>, vector<1x16xi32>,
        %get3A_111 = arith.index_cast %add3A_26 : i32 to index
        %get3A_112 = arith.constant 64 : index
        %get3A_113 = tpu.vector_load %arg6[%get3A_111, %get3A_112] {strides = array<i32>} : memref<144x128xi32, #tpu.memory_space<vmem>>, vector<1x16xi32>,
        %get3A_114 = vector.shape_cast %get3A_113 : vector<1x16xi32> to vector<16xi32>
        %and3A_115 = arith.constant 65535 : i32
        %and3A_116 = vector.broadcast %and3A_115 : i32 to vector<16xi32>
        %and3A_117 = arith.andi %get3A_114, %and3A_116 : vector<16xi32>
        %swap3A_118 = arith.constant 0 : i32
        %swap3A_119 = arith.index_cast %swap3A_118 : i32 to index
        %swap3A_120 = arith.constant 64 : index
        %swap3A_121 = tpu.vector_load %arg7[%swap3A_119, %swap3A_120] {strides = array<i32>} : memref<1x128xi32, #tpu.memory_space<vmem>>, vector<1x16xi32>,
        %swap3A_122 = vector.shape_cast %swap3A_121 : vector<1x16xi32> to vector<16xi32>
        %swap3A_123 = vector.shape_cast %and3A_117 : vector<16xi32> to vector<1x16xi32>
        tpu.vector_store %arg7[%swap3A_119, %swap3A_120], %swap3A_123 {strides = array<i32>} : memref<1x128xi32, #tpu.memory_space<vmem>>, vector<1x16xi32>,
        %shift_right_logical3A_124 = arith.constant 16 : i32
        %shift_right_logical3A_125 = vector.broadcast %shift_right_logical3A_124 : i32 to vector<16xi32>
        %shift_right_logical3A_126 = arith.shrui %get3A_114, %shift_right_logical3A_125 : vector<16xi32>
        %swap3A_127 = arith.constant 0 : i32
        %swap3A_128 = arith.index_cast %swap3A_127 : i32 to index
        %swap3A_129 = arith.constant 64 : index
        %swap3A_130 = tpu.vector_load %arg8[%swap3A_128, %swap3A_129] {strides = array<i32>} : memref<1x128xi32, #tpu.memory_space<vmem>>, vector<1x16xi32>,
        %swap3A_131 = vector.shape_cast %swap3A_130 : vector<1x16xi32> to vector<16xi32>
        %swap3A_132 = vector.shape_cast %shift_right_logical3A_126 : vector<16xi32> to vector<1x16xi32>
        tpu.vector_store %arg8[%swap3A_128, %swap3A_129], %swap3A_132 {strides = array<i32>} : memref<1x128xi32, #tpu.memory_space<vmem>>, vector<1x16xi32>,
        %get3A_133 = arith.index_cast %add3A_26 : i32 to index
        %get3A_134 = arith.constant 80 : index
        %get3A_135 = tpu.vector_load %arg6[%get3A_133, %get3A_134] {strides = array<i32>} : memref<144x128xi32, #tpu.memory_space<vmem>>, vector<1x16xi32>,
        %get3A_136 = vector.shape_cast %get3A_135 : vector<1x16xi32> to vector<16xi32>
        %and3A_137 = arith.constant 65535 : i32
        %and3A_138 = vector.broadcast %and3A_137 : i32 to vector<16xi32>
        %and3A_139 = arith.andi %get3A_136, %and3A_138 : vector<16xi32>
        %swap3A_140 = arith.constant 0 : i32
        %swap3A_141 = arith.index_cast %swap3A_140 : i32 to index
        %swap3A_142 = arith.constant 80 : index
        %swap3A_143 = tpu.vector_load %arg7[%swap3A_141, %swap3A_142] {strides = array<i32>} : memref<1x128xi32, #tpu.memory_space<vmem>>, vector<1x16xi32>,
        %swap3A_144 = vector.shape_cast %swap3A_143 : vector<1x16xi32> to vector<16xi32>
        %swap3A_145 = vector.shape_cast %and3A_139 : vector<16xi32> to vector<1x16xi32>
        tpu.vector_store %arg7[%swap3A_141, %swap3A_142], %swap3A_145 {strides = array<i32>} : memref<1x128xi32, #tpu.memory_space<vmem>>, vector<1x16xi32>,
        %shift_right_logical3A_146 = arith.constant 16 : i32
        %shift_right_logical3A_147 = vector.broadcast %shift_right_logical3A_146 : i32 to vector<16xi32>
        %shift_right_logical3A_148 = arith.shrui %get3A_136, %shift_right_logical3A_147 : vector<16xi32>
        %swap3A_149 = arith.constant 0 : i32
        %swap3A_150 = arith.index_cast %swap3A_149 : i32 to index
        %swap3A_151 = arith.constant 80 : index
        %swap3A_152 = tpu.vector_load %arg8[%swap3A_150, %swap3A_151] {strides = array<i32>} : memref<1x128xi32, #tpu.memory_space<vmem>>, vector<1x16xi32>,
        %swap3A_153 = vector.shape_cast %swap3A_152 : vector<1x16xi32> to vector<16xi32>
        %swap3A_154 = vector.shape_cast %shift_right_logical3A_148 : vector<16xi32> to vector<1x16xi32>
        tpu.vector_store %arg8[%swap3A_150, %swap3A_151], %swap3A_154 {strides = array<i32>} : memref<1x128xi32, #tpu.memory_space<vmem>>, vector<1x16xi32>,
        %get3A_155 = arith.index_cast %add3A_26 : i32 to index
        %get3A_156 = arith.constant 96 : index
        %get3A_157 = tpu.vector_load %arg6[%get3A_155, %get3A_156] {strides = array<i32>} : memref<144x128xi32, #tpu.memory_space<vmem>>, vector<1x16xi32>,
        %get3A_158 = vector.shape_cast %get3A_157 : vector<1x16xi32> to vector<16xi32>
        %and3A_159 = arith.constant 65535 : i32
        %and3A_160 = vector.broadcast %and3A_159 : i32 to vector<16xi32>
        %and3A_161 = arith.andi %get3A_158, %and3A_160 : vector<16xi32>
        %swap3A_162 = arith.constant 0 : i32
        %swap3A_163 = arith.index_cast %swap3A_162 : i32 to index
        %swap3A_164 = arith.constant 96 : index
        %swap3A_165 = tpu.vector_load %arg7[%swap3A_163, %swap3A_164] {strides = array<i32>} : memref<1x128xi32, #tpu.memory_space<vmem>>, vector<1x16xi32>,
        %swap3A_166 = vector.shape_cast %swap3A_165 : vector<1x16xi32> to vector<16xi32>
        %swap3A_167 = vector.shape_cast %and3A_161 : vector<16xi32> to vector<1x16xi32>
        tpu.vector_store %arg7[%swap3A_163, %swap3A_164], %swap3A_167 {strides = array<i32>} : memref<1x128xi32, #tpu.memory_space<vmem>>, vector<1x16xi32>,
        %shift_right_logical3A_168 = arith.constant 16 : i32
        %shift_right_logical3A_169 = vector.broadcast %shift_right_logical3A_168 : i32 to vector<16xi32>
        %shift_right_logical3A_170 = arith.shrui %get3A_158, %shift_right_logical3A_169 : vector<16xi32>
        %swap3A_171 = arith.constant 0 : i32
        %swap3A_172 = arith.index_cast %swap3A_171 : i32 to index
        %swap3A_173 = arith.constant 96 : index
        %swap3A_174 = tpu.vector_load %arg8[%swap3A_172, %swap3A_173] {strides = array<i32>} : memref<1x128xi32, #tpu.memory_space<vmem>>, vector<1x16xi32>,
        %swap3A_175 = vector.shape_cast %swap3A_174 : vector<1x16xi32> to vector<16xi32>
        %swap3A_176 = vector.shape_cast %shift_right_logical3A_170 : vector<16xi32> to vector<1x16xi32>
        tpu.vector_store %arg8[%swap3A_172, %swap3A_173], %swap3A_176 {strides = array<i32>} : memref<1x128xi32, #tpu.memory_space<vmem>>, vector<1x16xi32>,
        %get3A_177 = arith.index_cast %add3A_26 : i32 to index
        %get3A_178 = arith.constant 112 : index
        %get3A_179 = tpu.vector_load %arg6[%get3A_177, %get3A_178] {strides = array<i32>} : memref<144x128xi32, #tpu.memory_space<vmem>>, vector<1x16xi32>,
        %get3A_180 = vector.shape_cast %get3A_179 : vector<1x16xi32> to vector<16xi32>
        %and3A_181 = arith.constant 65535 : i32
        %and3A_182 = vector.broadcast %and3A_181 : i32 to vector<16xi32>
        %and3A_183 = arith.andi %get3A_180, %and3A_182 : vector<16xi32>
        %swap3A_184 = arith.constant 0 : i32
        %swap3A_185 = arith.index_cast %swap3A_184 : i32 to index
        %swap3A_186 = arith.constant 112 : index
        %swap3A_187 = tpu.vector_load %arg7[%swap3A_185, %swap3A_186] {strides = array<i32>} : memref<1x128xi32, #tpu.memory_space<vmem>>, vector<1x16xi32>,
        %swap3A_188 = vector.shape_cast %swap3A_187 : vector<1x16xi32> to vector<16xi32>
        %swap3A_189 = vector.shape_cast %and3A_183 : vector<16xi32> to vector<1x16xi32>
        tpu.vector_store %arg7[%swap3A_185, %swap3A_186], %swap3A_189 {strides = array<i32>} : memref<1x128xi32, #tpu.memory_space<vmem>>, vector<1x16xi32>,
        %shift_right_logical3A_190 = arith.constant 16 : i32
        %shift_right_logical3A_191 = vector.broadcast %shift_right_logical3A_190 : i32 to vector<16xi32>
        %shift_right_logical3A_192 = arith.shrui %get3A_180, %shift_right_logical3A_191 : vector<16xi32>
        %swap3A_193 = arith.constant 0 : i32
        %swap3A_194 = arith.index_cast %swap3A_193 : i32 to index
        %swap3A_195 = arith.constant 112 : index
        %swap3A_196 = tpu.vector_load %arg8[%swap3A_194, %swap3A_195] {strides = array<i32>} : memref<1x128xi32, #tpu.memory_space<vmem>>, vector<1x16xi32>,
        %swap3A_197 = vector.shape_cast %swap3A_196 : vector<1x16xi32> to vector<16xi32>
        %swap3A_198 = vector.shape_cast %shift_right_logical3A_192 : vector<16xi32> to vector<1x16xi32>
        tpu.vector_store %arg8[%swap3A_194, %swap3A_195], %swap3A_198 {strides = array<i32>} : memref<1x128xi32, #tpu.memory_space<vmem>>, vector<1x16xi32>,
        %dma_start3A = arith.constant 0 : i32
        %dma_start3A_199 = arith.constant 0 : i32
        %dma_start3A_200 = arith.constant 0 : i32
        %dma_start3A_201 = arith.constant 0 : i32
        %dma_start3A_202 = arith.constant 0 : i32
        %dma_start3A_203 = tpu.memref_slice %arg9[%dma_start3A_199, %dma_start3A_201, %dma_start3A_202] : memref<1x128x128xf32, #tpu.memory_space<vmem>> -> memref<1x128x128xf32, #tpu.memory_space<vmem>>
        %dma_start3A_204 = tpu.memref_squeeze %dma_start3A_203 : memref<1x128x128xf32, #tpu.memory_space<vmem>> -> memref<128x128xf32, #tpu.memory_space<vmem>>
        %dma_start3A_205 = arith.constant 0 : i32
        %dma_start3A_206 = tpu.memref_slice %arg7[%dma_start3A, %dma_start3A_205] : memref<1x128xi32, #tpu.memory_space<vmem>> -> memref<1x128xi32, #tpu.memory_space<vmem>>
        %dma_start3A_207 = tpu.memref_squeeze %dma_start3A_206 : memref<1x128xi32, #tpu.memory_space<vmem>> -> memref<128xi32, #tpu.memory_space<vmem>>
        %dma_start3A_208 = arith.constant 0 : i32
        %dma_start3A_209 = arith.constant 0 : i32
        %dma_start3A_210 = tpu.memref_slice %arg2[%dma_start3A_208, %dma_start3A_209] : memref<10240x128xf32, #tpu.memory_space<hbm>> -> memref<10240x128xf32, #tpu.memory_space<hbm>>
        %dma_start3A_211 = tpu.memref_slice %arg11[%dma_start3A_200] : memref<1x!tpu.dma_semaphore, #tpu.memory_space<semaphore_mem>> -> memref<1x!tpu.dma_semaphore, #tpu.memory_space<semaphore_mem>>
        %dma_start3A_212 = tpu.memref_squeeze %dma_start3A_211 : memref<1x!tpu.dma_semaphore, #tpu.memory_space<semaphore_mem>> -> memref<!tpu.dma_semaphore, #tpu.memory_space<semaphore_mem>>
        tpu.enqueue_indirect_dma source(%dma_start3A_210 : memref<10240x128xf32, #tpu.memory_space<hbm>>) target(%dma_start3A_204 : memref<128x128xf32, #tpu.memory_space<vmem>>) offsets(%dma_start3A_207 : memref<128xi32, #tpu.memory_space<vmem>>) semaphore(%dma_start3A_212 : memref<!tpu.dma_semaphore, #tpu.memory_space<semaphore_mem>>)
        %dma_wait3A = arith.constant 0 : i32
        %dma_wait3A_213 = arith.constant 0 : i32
        %dma_wait3A_214 = arith.constant 0 : i32
        %dma_wait3A_215 = arith.constant 0 : i32
        %dma_wait3A_216 = arith.constant 0 : i32
        %dma_wait3A_217 = tpu.memref_slice %arg9[%dma_wait3A_213, %dma_wait3A_215, %dma_wait3A_216] : memref<1x128x128xf32, #tpu.memory_space<vmem>> -> memref<1x128x128xf32, #tpu.memory_space<vmem>>
        %dma_wait3A_218 = tpu.memref_squeeze %dma_wait3A_217 : memref<1x128x128xf32, #tpu.memory_space<vmem>> -> memref<128x128xf32, #tpu.memory_space<vmem>>
        %dma_wait3A_219 = arith.constant 0 : i32
        %dma_wait3A_220 = tpu.memref_slice %arg7[%dma_wait3A, %dma_wait3A_219] : memref<1x128xi32, #tpu.memory_space<vmem>> -> memref<1x128xi32, #tpu.memory_space<vmem>>
        %dma_wait3A_221 = tpu.memref_squeeze %dma_wait3A_220 : memref<1x128xi32, #tpu.memory_space<vmem>> -> memref<128xi32, #tpu.memory_space<vmem>>
        %dma_wait3A_222 = arith.constant 0 : i32
        %dma_wait3A_223 = arith.constant 0 : i32
        %dma_wait3A_224 = tpu.memref_slice %arg2[%dma_wait3A_222, %dma_wait3A_223] : memref<10240x128xf32, #tpu.memory_space<hbm>> -> memref<10240x128xf32, #tpu.memory_space<hbm>>
        %dma_wait3A_225 = tpu.memref_slice %arg11[%dma_wait3A_214] : memref<1x!tpu.dma_semaphore, #tpu.memory_space<semaphore_mem>> -> memref<1x!tpu.dma_semaphore, #tpu.memory_space<semaphore_mem>>
        %dma_wait3A_226 = tpu.memref_squeeze %dma_wait3A_225 : memref<1x!tpu.dma_semaphore, #tpu.memory_space<semaphore_mem>> -> memref<!tpu.dma_semaphore, #tpu.memory_space<semaphore_mem>>
        tpu.wait_indirect_dma semaphore(%dma_wait3A_226 : memref<!tpu.dma_semaphore, #tpu.memory_space<semaphore_mem>>) src(%dma_wait3A_224 : memref<10240x128xf32, #tpu.memory_space<hbm>>) dst(%dma_wait3A_218 : memref<128x128xf32, #tpu.memory_space<vmem>>)
        %dma_start3A_227 = arith.constant 0 : i32
        %dma_start3A_228 = arith.constant 0 : i32
        %dma_start3A_229 = arith.constant 0 : i32
        %dma_start3A_230 = arith.constant 0 : i32
        %dma_start3A_231 = arith.constant 0 : i32
        %dma_start3A_232 = tpu.memref_slice %arg9[%dma_start3A_227, %dma_start3A_230, %dma_start3A_231] : memref<1x128x128xf32, #tpu.memory_space<vmem>> -> memref<1x128x128xf32, #tpu.memory_space<vmem>>
        %dma_start3A_233 = tpu.memref_squeeze %dma_start3A_232 : memref<1x128x128xf32, #tpu.memory_space<vmem>> -> memref<128x128xf32, #tpu.memory_space<vmem>>
        %dma_start3A_234 = arith.constant 0 : i32
        %dma_start3A_235 = tpu.memref_slice %arg8[%dma_start3A_228, %dma_start3A_234] : memref<1x128xi32, #tpu.memory_space<vmem>> -> memref<1x128xi32, #tpu.memory_space<vmem>>
        %dma_start3A_236 = tpu.memref_squeeze %dma_start3A_235 : memref<1x128xi32, #tpu.memory_space<vmem>> -> memref<128xi32, #tpu.memory_space<vmem>>
        %dma_start3A_237 = arith.constant 0 : i32
        %dma_start3A_238 = arith.constant 0 : i32
        %dma_start3A_239 = tpu.memref_slice %arg10[%dma_start3A_237, %dma_start3A_238] : memref<10112x128xf32, #tpu.memory_space<vmem_shared>> -> memref<10112x128xf32, #tpu.memory_space<vmem_shared>>
        %dma_start3A_240 = tpu.memref_slice %arg12[%dma_start3A_229] : memref<1x!tpu.dma_semaphore, #tpu.memory_space<semaphore_mem>> -> memref<1x!tpu.dma_semaphore, #tpu.memory_space<semaphore_mem>>
        %dma_start3A_241 = tpu.memref_squeeze %dma_start3A_240 : memref<1x!tpu.dma_semaphore, #tpu.memory_space<semaphore_mem>> -> memref<!tpu.dma_semaphore, #tpu.memory_space<semaphore_mem>>
        tpu.enqueue_indirect_dma source(%dma_start3A_233 : memref<128x128xf32, #tpu.memory_space<vmem>>) target(%dma_start3A_239 : memref<10112x128xf32, #tpu.memory_space<vmem_shared>>) offsets(%dma_start3A_236 : memref<128xi32, #tpu.memory_space<vmem>>) semaphore(%dma_start3A_241 : memref<!tpu.dma_semaphore, #tpu.memory_space<semaphore_mem>>) {add = true}
        %dma_wait3A_242 = arith.constant 0 : i32
        %dma_wait3A_243 = arith.constant 0 : i32
        %dma_wait3A_244 = arith.constant 0 : i32
        %dma_wait3A_245 = arith.constant 0 : i32
        %dma_wait3A_246 = arith.constant 0 : i32
        %dma_wait3A_247 = tpu.memref_slice %arg9[%dma_wait3A_242, %dma_wait3A_245, %dma_wait3A_246] : memref<1x128x128xf32, #tpu.memory_space<vmem>> -> memref<1x128x128xf32, #tpu.memory_space<vmem>>
        %dma_wait3A_248 = tpu.memref_squeeze %dma_wait3A_247 : memref<1x128x128xf32, #tpu.memory_space<vmem>> -> memref<128x128xf32, #tpu.memory_space<vmem>>
        %dma_wait3A_249 = arith.constant 0 : i32
        %dma_wait3A_250 = tpu.memref_slice %arg8[%dma_wait3A_243, %dma_wait3A_249] : memref<1x128xi32, #tpu.memory_space<vmem>> -> memref<1x128xi32, #tpu.memory_space<vmem>>
        %dma_wait3A_251 = tpu.memref_squeeze %dma_wait3A_250 : memref<1x128xi32, #tpu.memory_space<vmem>> -> memref<128xi32, #tpu.memory_space<vmem>>
        %dma_wait3A_252 = arith.constant 0 : i32
        %dma_wait3A_253 = arith.constant 0 : i32
        %dma_wait3A_254 = tpu.memref_slice %arg10[%dma_wait3A_252, %dma_wait3A_253] : memref<10112x128xf32, #tpu.memory_space<vmem_shared>> -> memref<10112x128xf32, #tpu.memory_space<vmem_shared>>
        %dma_wait3A_255 = tpu.memref_slice %arg12[%dma_wait3A_244] : memref<1x!tpu.dma_semaphore, #tpu.memory_space<semaphore_mem>> -> memref<1x!tpu.dma_semaphore, #tpu.memory_space<semaphore_mem>>
        %dma_wait3A_256 = tpu.memref_squeeze %dma_wait3A_255 : memref<1x!tpu.dma_semaphore, #tpu.memory_space<semaphore_mem>> -> memref<!tpu.dma_semaphore, #tpu.memory_space<semaphore_mem>>
        tpu.wait_indirect_dma semaphore(%dma_wait3A_256 : memref<!tpu.dma_semaphore, #tpu.memory_space<semaphore_mem>>) src(%dma_wait3A_248 : memref<128x128xf32, #tpu.memory_space<vmem>>) dst(%dma_wait3A_254 : memref<10112x128xf32, #tpu.memory_space<vmem_shared>>)
      }
      %scan3A_22 = arith.constant 16 : i32
    } else {
    }
    %barrier3A_18 = arith.constant 0 : index
    tpu.barrier barrier_id(%barrier3A_18)
    "tpu.region"() ({
      %run_scoped3A = tpu.sem_alloc : memref<!tpu.dma_semaphore, #tpu.memory_space<semaphore_mem>>
      %dma_start3A = arith.constant 0 : i32
      %dma_start3A_19 = tpu.memref_slice %arg5[%arg0, %mul3A_0, %dma_start3A] : memref<2x10240x128xf32, #tpu.memory_space<hbm>> -> memref<1x632x128xf32, #tpu.memory_space<hbm>>
      %dma_start3A_20 = tpu.memref_squeeze %dma_start3A_19 : memref<1x632x128xf32, #tpu.memory_space<hbm>> -> memref<632x128xf32, #tpu.memory_space<hbm>>
      %dma_start3A_21 = arith.constant 0 : i32
      %dma_start3A_22 = tpu.memref_slice %arg10[%mul3A_0, %dma_start3A_21] : memref<10112x128xf32, #tpu.memory_space<vmem_shared>> -> memref<632x128xf32, #tpu.memory_space<vmem_shared>>
      tpu.enqueue_dma source(%dma_start3A_22 : memref<632x128xf32, #tpu.memory_space<vmem_shared>>) target(%dma_start3A_20 : memref<632x128xf32, #tpu.memory_space<hbm>>) target_semaphore(%run_scoped3A : memref<!tpu.dma_semaphore, #tpu.memory_space<semaphore_mem>>)
      %dma_wait3A = arith.constant 0 : i32
      %dma_wait3A_23 = tpu.memref_slice %arg5[%arg0, %mul3A_0, %dma_wait3A] : memref<2x10240x128xf32, #tpu.memory_space<hbm>> -> memref<1x632x128xf32, #tpu.memory_space<hbm>>
      %dma_wait3A_24 = tpu.memref_squeeze %dma_wait3A_23 : memref<1x632x128xf32, #tpu.memory_space<hbm>> -> memref<632x128xf32, #tpu.memory_space<hbm>>
      %dma_wait3A_25 = arith.constant 0 : i32
      %dma_wait3A_26 = tpu.memref_slice %arg10[%mul3A_0, %dma_wait3A_25] : memref<10112x128xf32, #tpu.memory_space<vmem_shared>> -> memref<632x128xf32, #tpu.memory_space<vmem_shared>>
      tpu.wait_dma2 semaphore(%run_scoped3A : memref<!tpu.dma_semaphore, #tpu.memory_space<semaphore_mem>>) src(%dma_wait3A_26 : memref<632x128xf32, #tpu.memory_space<vmem_shared>>) dst(%dma_wait3A_24 : memref<632x128xf32, #tpu.memory_space<hbm>>)
      tpu.yield
    }) : () -> ()
    return
  }
}

module attributes {stable_mosaic.version = 14 : i64} {
  func.func @_dense_body(%arg0: i32, %arg1: memref<2x1024x128xf32, #tpu.memory_space<vmem>>, %arg2: memref<1024x128xf32, #tpu.memory_space<vmem>>, %arg3: memref<128x128xf32, #tpu.memory_space<vmem>>, %arg4: memref<128x128xf32, #tpu.memory_space<vmem>>, %arg5: memref<1x128xf32, #tpu.memory_space<vmem>>, %arg6: memref<1x128xf32, #tpu.memory_space<vmem>>, %arg7: memref<1024x128xf32, #tpu.memory_space<vmem>>) attributes {dimension_semantics = [#tpu.dimension_semantics<arbitrary>], iteration_bounds = array<i64: 10>, scalar_prefetch = 0 : i64, scratch_operands = 0 : i64, tpu.core_type = #tpu.core_type<tc>, window_params = [{transform_indices = @transform_0, window_bounds = array<i64: 2, 1024, 128>}, {transform_indices = @transform_1, window_bounds = array<i64: 1024, 128>}, {pipeline_mode = #tpu.pipeline_mode<synchronous>, transform_indices = @transform_2, window_bounds = array<i64: 128, 128>}, {pipeline_mode = #tpu.pipeline_mode<synchronous>, transform_indices = @transform_3, window_bounds = array<i64: 128, 128>}, {pipeline_mode = #tpu.pipeline_mode<synchronous>, transform_indices = @transform_4, window_bounds = array<i64: 1, 128>}, {pipeline_mode = #tpu.pipeline_mode<synchronous>, transform_indices = @transform_5, window_bounds = array<i64: 1, 128>}, {transform_indices = @transform_6, window_bounds = array<i64: 1024, 128>}]} {
    %get3A = arith.constant 0 : index
    %get3A_0 = arith.constant 0 : index
    %get3A_1 = arith.constant 0 : index
    %get3A_2 = vector.load %arg1[%get3A, %get3A_0, %get3A_1] : memref<2x1024x128xf32, #tpu.memory_space<vmem>>, vector<1x1024x128xf32>
    %get3A_3 = vector.shape_cast %get3A_2 : vector<1x1024x128xf32> to vector<1024x128xf32>
    %get3A_4 = arith.constant 1 : index
    %get3A_5 = arith.constant 0 : index
    %get3A_6 = arith.constant 0 : index
    %get3A_7 = vector.load %arg1[%get3A_4, %get3A_5, %get3A_6] : memref<2x1024x128xf32, #tpu.memory_space<vmem>>, vector<1x1024x128xf32>
    %get3A_8 = vector.shape_cast %get3A_7 : vector<1x1024x128xf32> to vector<1024x128xf32>
    %add3A = arith.addf %get3A_3, %get3A_8 : vector<1024x128xf32>
    %get3A_9 = arith.constant 0 : index
    %get3A_10 = arith.constant 0 : index
    %get3A_11 = vector.load %arg3[%get3A_9, %get3A_10] : memref<128x128xf32, #tpu.memory_space<vmem>>, vector<128x128xf32>
    %dot_general3A = arith.constant dense<0.000000e+00> : vector<1024x128xf32>
    %dot_general3A_12 = tpu.matmul %add3A, %get3A_11, %dot_general3A {dimension_numbers = #tpu.dot_dimension_numbers<[1], [0], [0], [1], [0, 0, 1, 1], [], []>, precision = #tpu.contract_precision<fp32>, transpose_lhs_hint = false} : vector<1024x128xf32>, vector<128x128xf32>, vector<1024x128xf32> -> vector<1024x128xf32>
    %get3A_13 = arith.constant 0 : index
    %get3A_14 = arith.constant 0 : index
    %get3A_15 = vector.load %arg5[%get3A_13, %get3A_14] : memref<1x128xf32, #tpu.memory_space<vmem>>, vector<1x128xf32>
    %add3A_16 = vector.broadcast %get3A_15 : vector<1x128xf32> to vector<1024x128xf32>
    %add3A_17 = arith.addf %dot_general3A_12, %add3A_16 : vector<1024x128xf32>
    %max3A = arith.constant 0.000000e+00 : f32
    %max3A_18 = vector.broadcast %max3A : f32 to vector<1024x128xf32>
    %max3A_19 = arith.maximumf %add3A_17, %max3A_18 : vector<1024x128xf32>
    %get3A_20 = arith.constant 0 : index
    %get3A_21 = arith.constant 0 : index
    %get3A_22 = vector.load %arg2[%get3A_20, %get3A_21] : memref<1024x128xf32, #tpu.memory_space<vmem>>, vector<1024x128xf32>
    %get3A_23 = arith.constant 0 : index
    %get3A_24 = arith.constant 0 : index
    %get3A_25 = vector.load %arg4[%get3A_23, %get3A_24] : memref<128x128xf32, #tpu.memory_space<vmem>>, vector<128x128xf32>
    %dot_general3A_26 = arith.constant dense<0.000000e+00> : vector<1024x128xf32>
    %dot_general3A_27 = tpu.matmul %get3A_22, %get3A_25, %dot_general3A_26 {dimension_numbers = #tpu.dot_dimension_numbers<[1], [0], [0], [1], [0, 0, 1, 1], [], []>, precision = #tpu.contract_precision<fp32>, transpose_lhs_hint = false} : vector<1024x128xf32>, vector<128x128xf32>, vector<1024x128xf32> -> vector<1024x128xf32>
    %get3A_28 = arith.constant 0 : index
    %get3A_29 = arith.constant 0 : index
    %get3A_30 = vector.load %arg6[%get3A_28, %get3A_29] : memref<1x128xf32, #tpu.memory_space<vmem>>, vector<1x128xf32>
    %add3A_31 = vector.broadcast %get3A_30 : vector<1x128xf32> to vector<1024x128xf32>
    %add3A_32 = arith.addf %dot_general3A_27, %add3A_31 : vector<1024x128xf32>
    %max3A_33 = arith.constant 0.000000e+00 : f32
    %max3A_34 = vector.broadcast %max3A_33 : f32 to vector<1024x128xf32>
    %max3A_35 = arith.maximumf %add3A_32, %max3A_34 : vector<1024x128xf32>
    %add3A_36 = arith.addf %max3A_19, %max3A_35 : vector<1024x128xf32>
    %swap3A = arith.constant 0 : index
    %swap3A_37 = arith.constant 0 : index
    %swap3A_38 = vector.load %arg7[%swap3A, %swap3A_37] : memref<1024x128xf32, #tpu.memory_space<vmem>>, vector<1024x128xf32>
    tpu.vector_store %arg7[%swap3A, %swap3A_37], %add3A_36 {strides = array<i32>} : memref<1024x128xf32, #tpu.memory_space<vmem>>, vector<1024x128xf32>,
    return
  }
  func.func @transform_0(%arg0: i32) -> (i32, i32, i32) {
    %c0_i32 = arith.constant 0 : i32
    %c0_i32_0 = arith.constant 0 : i32
    %c0_i32_1 = arith.constant 0 : i32
    return %c0_i32, %arg0, %c0_i32_0 : i32, i32, i32
  }
  func.func @transform_1(%arg0: i32) -> (i32, i32) {
    %c0_i32 = arith.constant 0 : i32
    %c0_i32_0 = arith.constant 0 : i32
    return %arg0, %c0_i32 : i32, i32
  }
  func.func @transform_2(%arg0: i32) -> (i32, i32) {
    %c0_i32 = arith.constant 0 : i32
    %c0_i32_0 = arith.constant 0 : i32
    %c0_i32_1 = arith.constant 0 : i32
    return %c0_i32, %c0_i32_0 : i32, i32
  }
  func.func @transform_3(%arg0: i32) -> (i32, i32) {
    %c0_i32 = arith.constant 0 : i32
    %c0_i32_0 = arith.constant 0 : i32
    %c0_i32_1 = arith.constant 0 : i32
    return %c0_i32, %c0_i32_0 : i32, i32
  }
  func.func @transform_4(%arg0: i32) -> (i32, i32) {
    %c0_i32 = arith.constant 0 : i32
    %c0_i32_0 = arith.constant 0 : i32
    %c0_i32_1 = arith.constant 0 : i32
    return %c0_i32, %c0_i32_0 : i32, i32
  }
  func.func @transform_5(%arg0: i32) -> (i32, i32) {
    %c0_i32 = arith.constant 0 : i32
    %c0_i32_0 = arith.constant 0 : i32
    %c0_i32_1 = arith.constant 0 : i32
    return %c0_i32, %c0_i32_0 : i32, i32
  }
  func.func @transform_6(%arg0: i32) -> (i32, i32) {
    %c0_i32 = arith.constant 0 : i32
    %c0_i32_0 = arith.constant 0 : i32
    return %arg0, %c0_i32 : i32, i32
  }
}

module attributes {stable_mosaic.version = 14 : i64} {
  func.func @_mlp_body(%arg0: memref<256x128xf32, #tpu.memory_space<vmem>>, %arg1: memref<128x128xf32, #tpu.memory_space<vmem>>, %arg2: memref<1x128xf32, #tpu.memory_space<vmem>>, %arg3: memref<128x1xf32, #tpu.memory_space<vmem>>, %arg4: memref<1x1xf32, #tpu.memory_space<vmem>>, %arg5: memref<256x1xf32, #tpu.memory_space<vmem>>) attributes {dimension_semantics = [], scalar_prefetch = 0 : i64, scratch_operands = 0 : i64, tpu.core_type = #tpu.core_type<tc>} {
    %get3A = arith.constant 0 : index
    %get3A_0 = arith.constant 0 : index
    %get3A_1 = vector.load %arg0[%get3A, %get3A_0] : memref<256x128xf32, #tpu.memory_space<vmem>>, vector<256x128xf32>
    %get3A_2 = arith.constant 0 : index
    %get3A_3 = arith.constant 0 : index
    %get3A_4 = vector.load %arg1[%get3A_2, %get3A_3] : memref<128x128xf32, #tpu.memory_space<vmem>>, vector<128x128xf32>
    %dot_general3A = arith.constant dense<0.000000e+00> : vector<256x128xf32>
    %dot_general3A_5 = tpu.matmul %get3A_1, %get3A_4, %dot_general3A {dimension_numbers = #tpu.dot_dimension_numbers<[1], [0], [0], [1], [0, 0, 1, 1], [], []>, precision = #tpu.contract_precision<fp32>, transpose_lhs_hint = false} : vector<256x128xf32>, vector<128x128xf32>, vector<256x128xf32> -> vector<256x128xf32>
    %get3A_6 = arith.constant 0 : index
    %get3A_7 = arith.constant 0 : index
    %get3A_8 = vector.load %arg2[%get3A_6, %get3A_7] : memref<1x128xf32, #tpu.memory_space<vmem>>, vector<1x128xf32>
    %add3A = vector.broadcast %get3A_8 : vector<1x128xf32> to vector<256x128xf32>
    %add3A_9 = arith.addf %dot_general3A_5, %add3A : vector<256x128xf32>
    %max3A = arith.constant 0.000000e+00 : f32
    %max3A_10 = vector.broadcast %max3A : f32 to vector<256x128xf32>
    %max3A_11 = arith.maximumf %add3A_9, %max3A_10 : vector<256x128xf32>
    %get3A_12 = arith.constant 0 : index
    %get3A_13 = arith.constant 0 : index
    %get3A_14 = vector.load %arg3[%get3A_12, %get3A_13] : memref<128x1xf32, #tpu.memory_space<vmem>>, vector<128x1xf32>
    %dot_general3A_15 = arith.constant dense<0.000000e+00> : vector<256x1xf32>
    %dot_general3A_16 = tpu.matmul %max3A_11, %get3A_14, %dot_general3A_15 {dimension_numbers = #tpu.dot_dimension_numbers<[1], [0], [0], [1], [0, 0, 1, 1], [], []>, precision = #tpu.contract_precision<fp32>, transpose_lhs_hint = false} : vector<256x128xf32>, vector<128x1xf32>, vector<256x1xf32> -> vector<256x1xf32>
    %get3A_17 = arith.constant 0 : index
    %get3A_18 = arith.constant 0 : index
    %get3A_19 = vector.load %arg4[%get3A_17, %get3A_18] : memref<1x1xf32, #tpu.memory_space<vmem>>, vector<1x1xf32>
    %add3A_20 = vector.broadcast %get3A_19 : vector<1x1xf32> to vector<256x1xf32>
    %add3A_21 = arith.addf %dot_general3A_16, %add3A_20 : vector<256x1xf32>
    %swap3A = arith.constant 0 : index
    %swap3A_22 = arith.constant 0 : index
    %swap3A_23 = vector.load %arg5[%swap3A, %swap3A_22] : memref<256x1xf32, #tpu.memory_space<vmem>>, vector<256x1xf32>
    tpu.vector_store %arg5[%swap3A, %swap3A_22], %add3A_21 {strides = array<i32>} : memref<256x1xf32, #tpu.memory_space<vmem>>, vector<256x1xf32>,
    return
  }
}

module attributes {stable_mosaic.version = 14 : i64} {
  func.func @_dense_pool_body(%arg0: i32, %arg1: memref<2x1024x128xf32, #tpu.memory_space<vmem>>, %arg2: memref<1024x128xf32, #tpu.memory_space<vmem>>, %arg3: memref<128x128xf32, #tpu.memory_space<vmem>>, %arg4: memref<128x128xf32, #tpu.memory_space<vmem>>, %arg5: memref<1x128xf32, #tpu.memory_space<vmem>>, %arg6: memref<1x128xf32, #tpu.memory_space<vmem>>, %arg7: memref<1x1x1024xi32, #tpu.memory_space<vmem>>, %arg8: memref<1024x128xf32, #tpu.memory_space<vmem>>, %arg9: memref<256x128xf32, #tpu.memory_space<vmem>>) attributes {dimension_semantics = [#tpu.dimension_semantics<arbitrary>], iteration_bounds = array<i64: 10>, scalar_prefetch = 0 : i64, scratch_operands = 0 : i64, tpu.core_type = #tpu.core_type<tc>, window_params = [{transform_indices = @transform_0, window_bounds = array<i64: 2, 1024, 128>}, {transform_indices = @transform_1, window_bounds = array<i64: 1024, 128>}, {pipeline_mode = #tpu.pipeline_mode<synchronous>, transform_indices = @transform_2, window_bounds = array<i64: 128, 128>}, {pipeline_mode = #tpu.pipeline_mode<synchronous>, transform_indices = @transform_3, window_bounds = array<i64: 128, 128>}, {pipeline_mode = #tpu.pipeline_mode<synchronous>, transform_indices = @transform_4, window_bounds = array<i64: 1, 128>}, {pipeline_mode = #tpu.pipeline_mode<synchronous>, transform_indices = @transform_5, window_bounds = array<i64: 1, 128>}, {transform_indices = @transform_6, window_bounds = array<i64: 1, 1, 1024>}, {transform_indices = @transform_7, window_bounds = array<i64: 1024, 128>}, {pipeline_mode = #tpu.pipeline_mode<synchronous>, transform_indices = @transform_8, window_bounds = array<i64: 256, 128>}]} {
    %get3A = arith.constant 0 : index
    %get3A_0 = arith.constant 0 : index
    %get3A_1 = arith.constant 0 : index
    %get3A_2 = vector.load %arg1[%get3A, %get3A_0, %get3A_1] : memref<2x1024x128xf32, #tpu.memory_space<vmem>>, vector<1x1024x128xf32>
    %get3A_3 = vector.shape_cast %get3A_2 : vector<1x1024x128xf32> to vector<1024x128xf32>
    %get3A_4 = arith.constant 1 : index
    %get3A_5 = arith.constant 0 : index
    %get3A_6 = arith.constant 0 : index
    %get3A_7 = vector.load %arg1[%get3A_4, %get3A_5, %get3A_6] : memref<2x1024x128xf32, #tpu.memory_space<vmem>>, vector<1x1024x128xf32>
    %get3A_8 = vector.shape_cast %get3A_7 : vector<1x1024x128xf32> to vector<1024x128xf32>
    %add3A = arith.addf %get3A_3, %get3A_8 : vector<1024x128xf32>
    %get3A_9 = arith.constant 0 : index
    %get3A_10 = arith.constant 0 : index
    %get3A_11 = vector.load %arg3[%get3A_9, %get3A_10] : memref<128x128xf32, #tpu.memory_space<vmem>>, vector<128x128xf32>
    %dot_general3A = arith.constant dense<0.000000e+00> : vector<1024x128xf32>
    %dot_general3A_12 = tpu.matmul %add3A, %get3A_11, %dot_general3A {dimension_numbers = #tpu.dot_dimension_numbers<[1], [0], [0], [1], [0, 0, 1, 1], [], []>, precision = #tpu.contract_precision<fp32>, transpose_lhs_hint = false} : vector<1024x128xf32>, vector<128x128xf32>, vector<1024x128xf32> -> vector<1024x128xf32>
    %get3A_13 = arith.constant 0 : index
    %get3A_14 = arith.constant 0 : index
    %get3A_15 = vector.load %arg5[%get3A_13, %get3A_14] : memref<1x128xf32, #tpu.memory_space<vmem>>, vector<1x128xf32>
    %add3A_16 = vector.broadcast %get3A_15 : vector<1x128xf32> to vector<1024x128xf32>
    %add3A_17 = arith.addf %dot_general3A_12, %add3A_16 : vector<1024x128xf32>
    %max3A = arith.constant 0.000000e+00 : f32
    %max3A_18 = vector.broadcast %max3A : f32 to vector<1024x128xf32>
    %max3A_19 = arith.maximumf %add3A_17, %max3A_18 : vector<1024x128xf32>
    %get3A_20 = arith.constant 0 : index
    %get3A_21 = arith.constant 0 : index
    %get3A_22 = vector.load %arg2[%get3A_20, %get3A_21] : memref<1024x128xf32, #tpu.memory_space<vmem>>, vector<1024x128xf32>
    %get3A_23 = arith.constant 0 : index
    %get3A_24 = arith.constant 0 : index
    %get3A_25 = vector.load %arg4[%get3A_23, %get3A_24] : memref<128x128xf32, #tpu.memory_space<vmem>>, vector<128x128xf32>
    %dot_general3A_26 = arith.constant dense<0.000000e+00> : vector<1024x128xf32>
    %dot_general3A_27 = tpu.matmul %get3A_22, %get3A_25, %dot_general3A_26 {dimension_numbers = #tpu.dot_dimension_numbers<[1], [0], [0], [1], [0, 0, 1, 1], [], []>, precision = #tpu.contract_precision<fp32>, transpose_lhs_hint = false} : vector<1024x128xf32>, vector<128x128xf32>, vector<1024x128xf32> -> vector<1024x128xf32>
    %get3A_28 = arith.constant 0 : index
    %get3A_29 = arith.constant 0 : index
    %get3A_30 = vector.load %arg6[%get3A_28, %get3A_29] : memref<1x128xf32, #tpu.memory_space<vmem>>, vector<1x128xf32>
    %add3A_31 = vector.broadcast %get3A_30 : vector<1x128xf32> to vector<1024x128xf32>
    %add3A_32 = arith.addf %dot_general3A_27, %add3A_31 : vector<1024x128xf32>
    %max3A_33 = arith.constant 0.000000e+00 : f32
    %max3A_34 = vector.broadcast %max3A_33 : f32 to vector<1024x128xf32>
    %max3A_35 = arith.maximumf %add3A_32, %max3A_34 : vector<1024x128xf32>
    %add3A_36 = arith.addf %max3A_19, %max3A_35 : vector<1024x128xf32>
    %swap3A = arith.constant 0 : index
    %swap3A_37 = arith.constant 0 : index
    %swap3A_38 = vector.load %arg8[%swap3A, %swap3A_37] : memref<1024x128xf32, #tpu.memory_space<vmem>>, vector<1024x128xf32>
    tpu.vector_store %arg8[%swap3A, %swap3A_37], %add3A_36 {strides = array<i32>} : memref<1024x128xf32, #tpu.memory_space<vmem>>, vector<1024x128xf32>,
    %get3A_39 = arith.constant 0 : index
    %get3A_40 = arith.constant 0 : index
    %get3A_41 = arith.constant 0 : index
    %get3A_42 = vector.load %arg7[%get3A_39, %get3A_40, %get3A_41] : memref<1x1x1024xi32, #tpu.memory_space<vmem>>, vector<1x1x1024xi32>
    %get3A_43 = vector.shape_cast %get3A_42 : vector<1x1x1024xi32> to vector<1024xi32>
    %broadcast_in_dim3A = vector.shape_cast %get3A_43 : vector<1024xi32> to vector<1024x1xi32>
    %lt3A = arith.constant 256 : i32
    %lt3A_44 = vector.broadcast %lt3A : i32 to vector<1024x1xi32>
    %lt3A_45 = arith.cmpi slt, %broadcast_in_dim3A, %lt3A_44 : vector<1024x1xi32>
    %jit3A = arith.constant 0.000000e+00 : f32
    %broadcast_in_dim3A_46 = vector.shape_cast %lt3A_45 : vector<1024x1xi1> to vector<1024x1xi1>
    %broadcast_in_dim3A_47 = vector.broadcast %broadcast_in_dim3A_46 : vector<1024x1xi1> to vector<1024x128xi1>
    %broadcast_in_dim3A_48 = vector.broadcast %jit3A : f32 to vector<1024x128xf32>
    %select_n3A = arith.select %broadcast_in_dim3A_47, %add3A_36, %broadcast_in_dim3A_48 : vector<1024x128xi1>, vector<1024x128xf32>
    %broadcast_in_dim3A_49 = vector.shape_cast %get3A_43 : vector<1024xi32> to vector<1024x1xi32>
    %iota3A = tpu.iota {dimensions = array<i32: 1>} : vector<1024x256xi32>
    %eq3A = vector.broadcast %broadcast_in_dim3A_49 : vector<1024x1xi32> to vector<1024x256xi32>
    %eq3A_50 = arith.cmpi eq, %eq3A, %iota3A : vector<1024x256xi32>
    %convert_element_type3A = arith.extui %eq3A_50 : vector<1024x256xi1> to vector<1024x256xi32>
    %convert_element_type3A_51 = arith.sitofp %convert_element_type3A : vector<1024x256xi32> to vector<1024x256xf32>
    %dot_general3A_52 = arith.constant dense<0.000000e+00> : vector<256x128xf32>
    %dot_general3A_53 = tpu.matmul %convert_element_type3A_51, %select_n3A, %dot_general3A_52 {dimension_numbers = #tpu.dot_dimension_numbers<[0], [0], [1], [1], [0, 1, 1, 1], [], []>, precision = #tpu.contract_precision<fp32>, transpose_lhs_hint = false} : vector<1024x256xf32>, vector<1024x128xf32>, vector<256x128xf32> -> vector<256x128xf32>
    %eq3A_54 = arith.constant 0 : i32
    %eq3A_55 = arith.cmpi eq, %arg0, %eq3A_54 : i32
    %convert_element_type3A_56 = arith.extui %eq3A_55 : i1 to i32
    %cond3A = arith.constant 0 : i32
    %cond3A_57 = arith.cmpi ne, %convert_element_type3A_56, %cond3A : i32
    scf.if %cond3A_57 {
      %broadcast_in_dim3A_65 = arith.constant 0.000000e+00 : f32
      %broadcast_in_dim3A_66 = vector.broadcast %broadcast_in_dim3A_65 : f32 to vector<256x128xf32>
      %swap3A_67 = arith.constant 0 : index
      %swap3A_68 = arith.constant 0 : index
      %swap3A_69 = vector.load %arg9[%swap3A_67, %swap3A_68] : memref<256x128xf32, #tpu.memory_space<vmem>>, vector<256x128xf32>
      tpu.vector_store %arg9[%swap3A_67, %swap3A_68], %broadcast_in_dim3A_66 {strides = array<i32>} : memref<256x128xf32, #tpu.memory_space<vmem>>, vector<256x128xf32>,
    } else {
    }
    %get3A_58 = arith.constant 0 : index
    %get3A_59 = arith.constant 0 : index
    %get3A_60 = vector.load %arg9[%get3A_58, %get3A_59] : memref<256x128xf32, #tpu.memory_space<vmem>>, vector<256x128xf32>
    %add3A_61 = arith.addf %get3A_60, %dot_general3A_53 : vector<256x128xf32>
    %swap3A_62 = arith.constant 0 : index
    %swap3A_63 = arith.constant 0 : index
    %swap3A_64 = vector.load %arg9[%swap3A_62, %swap3A_63] : memref<256x128xf32, #tpu.memory_space<vmem>>, vector<256x128xf32>
    tpu.vector_store %arg9[%swap3A_62, %swap3A_63], %add3A_61 {strides = array<i32>} : memref<256x128xf32, #tpu.memory_space<vmem>>, vector<256x128xf32>,
    return
  }
  func.func @transform_0(%arg0: i32) -> (i32, i32, i32) {
    %c0_i32 = arith.constant 0 : i32
    %c0_i32_0 = arith.constant 0 : i32
    %c0_i32_1 = arith.constant 0 : i32
    return %c0_i32, %arg0, %c0_i32_0 : i32, i32, i32
  }
  func.func @transform_1(%arg0: i32) -> (i32, i32) {
    %c0_i32 = arith.constant 0 : i32
    %c0_i32_0 = arith.constant 0 : i32
    return %arg0, %c0_i32 : i32, i32
  }
  func.func @transform_2(%arg0: i32) -> (i32, i32) {
    %c0_i32 = arith.constant 0 : i32
    %c0_i32_0 = arith.constant 0 : i32
    %c0_i32_1 = arith.constant 0 : i32
    return %c0_i32, %c0_i32_0 : i32, i32
  }
  func.func @transform_3(%arg0: i32) -> (i32, i32) {
    %c0_i32 = arith.constant 0 : i32
    %c0_i32_0 = arith.constant 0 : i32
    %c0_i32_1 = arith.constant 0 : i32
    return %c0_i32, %c0_i32_0 : i32, i32
  }
  func.func @transform_4(%arg0: i32) -> (i32, i32) {
    %c0_i32 = arith.constant 0 : i32
    %c0_i32_0 = arith.constant 0 : i32
    %c0_i32_1 = arith.constant 0 : i32
    return %c0_i32, %c0_i32_0 : i32, i32
  }
  func.func @transform_5(%arg0: i32) -> (i32, i32) {
    %c0_i32 = arith.constant 0 : i32
    %c0_i32_0 = arith.constant 0 : i32
    %c0_i32_1 = arith.constant 0 : i32
    return %c0_i32, %c0_i32_0 : i32, i32
  }
  func.func @transform_6(%arg0: i32) -> (i32, i32, i32) {
    %c0_i32 = arith.constant 0 : i32
    %c0_i32_0 = arith.constant 0 : i32
    %c0_i32_1 = arith.constant 0 : i32
    return %arg0, %c0_i32, %c0_i32_0 : i32, i32, i32
  }
  func.func @transform_7(%arg0: i32) -> (i32, i32) {
    %c0_i32 = arith.constant 0 : i32
    %c0_i32_0 = arith.constant 0 : i32
    return %arg0, %c0_i32 : i32, i32
  }
  func.func @transform_8(%arg0: i32) -> (i32, i32) {
    %c0_i32 = arith.constant 0 : i32
    %c0_i32_0 = arith.constant 0 : i32
    %c0_i32_1 = arith.constant 0 : i32
    return %c0_i32, %c0_i32_0 : i32, i32
  }
}

</mosaic_0001>

<sc_bundles>
// kernel: kernel.12.cloned.1.call-start
scs
__scs_entry_jumppad:
0x0: {  	(pc) =	sbr.rel $0x88, $3  }
0x1: {  	(tag) =	ssettag $0x0;
	lr =	simm.s32 $0x1  }
0x2: {  	[smem:$0x3F8E] =	sst lr;
	_ =	strace $0xD0000000  }
0x3: {  	_ = 	snop  }
0x4: {  	_ = 	snop  }
0x5: {  	_ = 	snop  }
0x6: {  	_ = 	snop  }
0x7: {  	_ = 	snop  }
__scs_overlays_trampoline_lowered:
0x8: {  	[smem:$0x3F9D] =	sst s0  }
0x9: {  	[smem:$0x3F9E] =	sst s1  }
0xa: {  	[smem:$0x3F9F] =	sst s2  }
0xb: {  	[smem:$0x3FA0] =	sst s3  }
0xc: {  	[smem:$0x3FA1] =	sst s4  }
0xd: {  	[smem:$0x3FA2] =	sst s5  }
0xe: {  	[smem:$0x3FA3] =	sst s6  }
0xf: {  	[smem:$0x3FA4] =	sst s7  }
0x10: {  	[smem:$0x3FA5] =	sst s8  }
0x11: {  	[smem:$0x3FA6] =	sst s9;
	s0 =	simm.s32 @!p0 $0x0  }
0x12: {  	s1 =	sld [smem:$0x3F8C];
	s0 =	simm.s32 @p0 $0x1  }
0x13: {  	[smem:$0x3FA7] =	sst s0;
	s0 =	simm.s32 @!p1 $0x0  }
0x14: {  	s2 =	sld [smem:$0x3F8B];
	s0 =	simm.s32 @p1 $0x1  }
0x15: {  	[smem:$0x3FA8] =	sst s0;
	s0 =	simm.s32 @!p2 $0x0  }
0x16: {  	s3 =	sld [smem:$0x3FDB];
	s0 =	simm.s32 @p2 $0x1  }
0x17: {  	s4 =	simm.s32 $0x1BF5;
	[smem:$0x3FAA] =	sst s0  }
0x18: {  	s0 =	sld [smem:$0x3F8D];
	_ =	swait.ge [sflag:s4], $0x0  }
0x19: {  	s7 =	sld [smem:$0x3F8E]  }
0x1a: {  	s8 =	sadd.s32 $0xFFFFE003, lr  }
0x1b: {  	s9 =	sadd.s32 $0xFFFFFEF7, lr;
	s5 =	simm.s32 $0xFFFFFFFF;
	p2 =	slt.u32 s8, $0xFFFFF086  }
0x1c: {  	p1 =	slt.u32 s9, $0xF7A;
	s5 =	simm.s32 @!p2 $0x0  }
0x1d: {  	s5 =	simm.s32 @p1 $0x1;
	p0 =	seq.s32 s7, s2  }
0x1e: {  	s7 =	smul.u32 @!p0 $0xF7A, s2;
	p2 =	seq.s32 @!p0 s5, $0x0  }
0x1f: {  	s9 =	smul.u32 $0xF7A, s1;
	s8 =	simm.s32 @!p0 $0x1BF5;
	p2 =	por !p2, p0  }
0x20: {  	[sflag:s8] =	ssyncset.s32 @!p0 $0xFFFFF086;
	s6 =	sadd.s32 @!p0 s3, s7;
	s7 =	simm.s32 @!p0 $0x108  }
0x21: {  	s3 =	sadd.s32 s3, s9;
	s6 =	sadd.s32 @!p0 $0x88, s6;
	s7 =	simm.s32 @p2 $0x1082  }
0x22: {  	[simem:s7], [sflag:s8] =	dma.local @!p0 [hbm:s6], $0xF7A  }
0x23: {  	s9 =	sor.u32 $0xD0000000, s2;
	s6 =	simm.s32 $0x108;
	_ =	swait.ge @!p0 [sflag:s8], $0x0  }
0x24: {  	s3 =	sadd.s32 $0x88, s3;
	s6 =	simm.s32 @!p1 $0x1082;
	[sflag:s4] =	ssyncset.s32 $0xFFFFF086  }
0x25: {  	[simem:s6], [sflag:s4] =	dma.local [hbm:s3], $0xF7A  }
0x26: {  	[smem:$0x3F8E] =	sst s1;
	(tag) =	ssettag s2;
	_ =	strace s9  }
0x27: {  	s1 =	sld [smem:$0x3F9E]  }
0x28: {  	s2 =	sld [smem:$0x3F9F]  }
0x29: {  	s4 =	sld [smem:$0x3FA1]  }
0x2a: {  	p0 =	seq.s32 s5, $0x0;
	s5 =	sld [smem:$0x3FA2]  }
0x2b: {  	s6 =	sld [smem:$0x3FA3]  }
0x2c: {  	s7 =	sld [smem:$0x3FA4]  }
0x2d: {  	s3 =	simm.s32 $0x108;
	s8 =	sld [smem:$0x3FA5]  }
0x2e: {  	s3 =	simm.s32 @!p0 $0x1082;
	s9 =	sld [smem:$0x3FA6]  }
0x2f: {  	lr =	sadd.s32 s0, s3;
	s0 =	sld [smem:$0x3F9D]  }
0x30: {  	s3 =	sld [smem:$0x3FA0]  }
0x31: {  	[smem:$0x3FA9] =	sst s10  }
0x32: {  	s10 =	sld [smem:$0x3FA7];
	_ =	sdelay $0x3  }
0x33: {  	p0 =	seq.s32 s10, $0x1;
	s10 =	sld [smem:$0x3FA9];
	_ =	sdelay $0x3  }
0x34: {  	[smem:$0x3FA9] =	sst s10  }
0x35: {  	s10 =	sld [smem:$0x3FA8];
	_ =	sdelay $0x3  }
0x36: {  	p1 =	seq.s32 s10, $0x1;
	s10 =	sld [smem:$0x3FA9];
	_ =	sdelay $0x3  }
0x37: {  	[smem:$0x3FA9] =	sst s10  }
0x38: {  	s10 =	sld [smem:$0x3FAA]  }
0x39: {  	_ = 	snop;
	(pc) =	sbr.ind lr, $3  }
0x3a: {  	_ = 	snop  }
0x3b: {  	_ = 	snop  }
0x3c: {  	p2 =	seq.s32 s10, $0x1;
	s10 =	sld [smem:$0x3FA9]  }
0x3d: {  	_ =	shalt  }
0x3e: {  	_ =	shalt  }
0x3f: {  	_ =	shalt  }
0x40: {  	_ =	shalt  }
0x41: {  	_ =	shalt  }
0x42: {  	_ =	shalt  }
0x43: {  	_ =	shalt  }
0x44: {  	_ =	shalt  }
0x45: {  	_ =	shalt  }
0x46: {  	_ =	shalt  }
0x47: {  	_ =	shalt  }
0x48: {  	_ =	shalt  }
0x49: {  	_ =	shalt  }
0x4a: {  	_ =	shalt  }
0x4b: {  	_ =	shalt  }
0x4c: {  	_ =	shalt  }
0x4d: {  	_ =	shalt  }
0x4e: {  	_ =	shalt  }
0x4f: {  	_ =	shalt  }
0x50: {  	_ =	shalt  }
0x51: {  	_ =	shalt  }
0x52: {  	_ =	shalt  }
0x53: {  	_ =	shalt  }
0x54: {  	_ =	shalt  }
0x55: {  	_ =	shalt  }
0x56: {  	_ =	shalt  }
0x57: {  	_ =	shalt  }
0x58: {  	_ =	shalt  }
0x59: {  	_ =	shalt  }
0x5a: {  	_ =	shalt  }
0x5b: {  	_ =	shalt  }
0x5c: {  	_ =	shalt  }
0x5d: {  	_ =	shalt  }
0x5e: {  	_ =	shalt  }
0x5f: {  	_ =	shalt  }
0x60: {  	_ =	shalt  }
0x61: {  	_ =	shalt  }
0x62: {  	_ =	shalt  }
0x63: {  	_ =	shalt  }
0x64: {  	_ =	shalt  }
0x65: {  	_ =	shalt  }
0x66: {  	_ =	shalt  }
0x67: {  	_ =	shalt  }
0x68: {  	_ =	shalt  }
0x69: {  	_ =	shalt  }
0x6a: {  	_ =	shalt  }
0x6b: {  	_ =	shalt  }
0x6c: {  	_ =	shalt  }
0x6d: {  	_ =	shalt  }
0x6e: {  	_ =	shalt  }
0x6f: {  	_ =	shalt  }
0x70: {  	_ =	shalt  }
0x71: {  	_ =	shalt  }
0x72: {  	_ =	shalt  }
0x73: {  	_ =	shalt  }
0x74: {  	_ =	shalt  }
0x75: {  	_ =	shalt  }
0x76: {  	_ =	shalt  }
0x77: {  	_ =	shalt  }
0x78: {  	_ =	shalt  }
0x79: {  	_ =	shalt  }
0x7a: {  	_ =	shalt  }
0x7b: {  	_ =	shalt  }
0x7c: {  	_ =	shalt  }
0x7d: {  	_ =	shalt  }
0x7e: {  	_ =	shalt  }
0x7f: {  	_ =	shalt  }
0x80: {  	_ =	shalt  }
0x81: {  	_ =	shalt  }
0x82: {  	_ =	shalt  }
0x83: {  	_ =	shalt  }
0x84: {  	_ =	shalt  }
0x85: {  	_ =	shalt  }
0x86: {  	_ =	shalt  }
0x87: {  	_ =	shalt  }
.Lfunc_end0:
.L_simem_size_0:
called_computation.1_lowered:
.L_overlay_start_0:
0x88: {  	s2 =	sld [smem:$0x3FD9]  }
0x89: {  	s3 =	sld [smem:$0x3FFE];
	_ =	sdelay $0x1  }
0x8a: {  	s1 =	srdreg.scid  }
0x8b: {  	s0 =	sand.u32 $0x1, s1  }
0x8c: {  	s16 =	sshll.u32 s0, $0xA;
	s2 =	sadd.s32 s3, s2  }
0x8d: {  	s2 =	sadd.s32 s2, s16  }
0x8e: {  	[smem:$0x3FB5] =	sst s2  }
0x8f: {  	_ = 	snop  }
0x90: {  	(tm) =	ssettm $0x1  }
0x91: {  	s17 =	sld [smem:$0x3FFB];
	_ =	sdelay $0x3  }
0x92: {  	_ =	strace s17  }
0x93: {  	s2 =	sld [smem:$0x3FFC];
	_ =	sdelay $0x3  }
0x94: {  	_ =	strace s2  }
0x95: {  	s2 =	sld [smem:$0x3FFD];
	_ =	sdelay $0x3  }
0x96: {  	_ =	strace s2  }
0x97: {  	_ =	strace $0x8FFFFFFF  }
0x98: {  	s18 =	sld [smem:$0x3FDB];
	_ =	sdelay $0x1  }
0x99: {  	s19 =	simm.s32 $_scs_section_size  }
0x9a: {  	s4 =	simm.s32 $_size__tile_overlayer_lowered;
	s5 =	simm.s32 $_tile_overlayer_lowered  }
0x9b: {  	s22 =	simm.s32 $0x1BFF;
	s21 =	sshll.u32 s5, $0x1;
	s2 =	sadd.s32 s19, s18  }
0x9c: {  	s6 =	simm.s32 $0x0;
	s20 =	sshll.u32 s4, $0x1;
	s4 =	sadd.s32 s21, s2  }
0x9d: {  	[timem:s6], [sflag:s22] =	dma.local [hbm:s4], s20  }
0x9e: {  	_ =	swait.ge [sflag:s22], s20  }
0x9f: {  	s3 =	ssub.s32 $0x0, s20;
	[sflag:s22] =	ssyncset.done $0x0  }
0xa0: {  	[sflag:s22] =	ssyncadd.s32 s3;
	_ =	sdelay $0x1  }
0xa1: {  	s23 =	simm.s32 $0x1B8B  }
0xa2: {  	_ =	swait.ge [sflag:s23], $0x1  }
0xa3: {  	[sflag:s23] =	ssyncset.done $0x0  }
0xa4: {  	s25 =	simm.s32 $0x1B8E;
	s24 =	sld [smem:$0x3FFE];
	[sflag:s23] =	ssyncadd.s32 $0xFFFFFFFF  }
0xa5: {  	s26 =	simm.s32 $execute0_lowered;
	[smem:$0x3FD2] =	sst s25  }
0xa6: {  	s4 =	sshll.u32 s26, $0x1;
	_ =	strace $0x80000049;
	[dreg:$0x1] =	wrdreg $0xFFFFFFFF  }
0xa7: {  	s28 =	simm.s32 $_size_execute0_lowered;
	s2 =	sadd.s32 s2, s4;
	[dreg:$0x0] =	wrdreg $0x0  }
0xa8: {  	s4 =	sshll.u32 s28, $0x1;
	[dreg:$0x2] =	wrdreg s2  }
0xa9: {  	[dreg:$0x3] =	wrdreg s4  }
0xaa: {  	[dreg:$0x4] =	wrdreg $0xC0  }
0xab: {  	_ =	task [dreg:s6], $0x5FFFF  }
0xac: {  	[dreg:$0x1] =	wrdreg $0xFFFFFFFF  }
0xad: {  	[dreg:$0x0] =	wrdreg $0x60  }
0xae: {  	[dreg:$0x2] =	wrdreg s24  }
0xaf: {  	[dreg:$0x3] =	wrdreg $0x89000  }
0xb0: {  	[dreg:$0x4] =	wrdreg $0x9  }
0xb1: {  	_ =	task.clear_ibuf [dreg:s6], $0x5FFFF;
	_ =	strace $0x90000049  }
0xb2: {  	s29 =	simm.s32 $0x9;
	_ =	strace $0x8000004B  }
0xb3: {  	_ =	swait.ge [sflag:s29], $0x1  }
0xb4: {  	[sflag:s29] =	ssyncadd.s32 $0xFFFFFFFF  }
0xb5: {  	_ =	strace $0x9000004B  }
0xb6: {  	_ =	sfence  }
0xb7: {  	s30 =	sld [smem:$0x0];
	_ =	sdelay $0x2  }
0xb8: {  	s31 =	sshll.u32 s1, $0xD;
	s1 =	sshrl.u32 s1, $0x2  }
0xb9: {  	s3 =	sand.u32 $0x4000, s31;
	s1 =	sadd.s32 s1, s30  }
0xba: {  	s0 =	sor.u32 s3, s0;
	s1 =	sshll.u32 s1, $0x11  }
0xbb: {  	s0 =	sor.u32 s1, s0  }
0xbc: {  	s0 =	sadd.s32 $0x8F2B, s0  }
0xbd: {  	[sflag:s0] =	ssyncadd.remote.s32 $0x1  }
0xbe: {  	_ =	sfence.sel $0xFFFF  }
0xbf: {  	[dreg:$0x0] =	wrdreg $0xFFFFFFFF;
	(pc) =	sbr.abs _section_cstart, $3  }
0xc0: {  	[dreg:$0x1] =	wrdreg $0xFFFFFFFF  }
0xc1: {  	_ =	task.clear_ibuf [dreg:s6], $0x2FFFF;
	_ =	strace $0x9FFFFFFF  }
0xc2: {  	(tm) =	ssettm $0x7FFFFFFF  }
0xc3: {  	_ =	shalt  }
tec
execute0_lowered:
.L_overlay_start_1:
0x0: {  	(tag) =	ssettag $0x1  }
0x1: {  	s5 =	rddreg [dreg:$0x0]  }
0x2: {  	s2 =	rddreg [dreg:$0x1]  }
0x3: {  	s0 =	rddreg [dreg:$0x2]  }
0x4: {  	s1 =	stileid.u32;
	s4 =	srdreg.scid  }
0x5: {  	s3 =	simm.s32 $0x0;
	s15 =	simm.s32 $0x4900;
	s16 =	simm.s32 $0x1  }
0x6: {  	s17 =	simm.s32 $0x4880;
	s18 =	simm.s32 $0x2;
	s6 =	smul.u32 $0x13C00, s1  }
0x7: {  	s11 =	sand.u32 $0x1, s4;
	[smem:$0x7FF] =	sst s3;
	s25 =	smul.u32 $0x4F000, s1  }
0x8: {  	s4 =	sadd.s32 $0xDE00, s5;
	s8 =	sadd.s32 $0x3E00, s5;
	s14 =	smul.u32 $0x900, s1  }
0x9: {  	s29 =	sshll.u32 s1, $0x8;
	s30 =	sshll.u32 s1, $0x6;
	s7 =	smul.u32 $0x140000, s11  }
0xa: {  	_ =	strace $0x8000004A;
	s10 =	ssub.s32 $0x2, s11;
	s31 =	sadd.s32 s29, s8  }
0xb: {  	p0 =	sne.s32 s11, $0x0;
	s9 =	sshrl.u32 s6, $0x3;
	s26 =	sshrl.u32 s10, $0x1  }
0xc: {  	s28 =	sshrl.u32 s25, $0x2;
	s8 =	sadd.s32 s8, s14;
	s14 =	simm.s32 $0x4800  }
.Ltmp0:
0xd: {  	s6 =	sadd.s32 s6, s7;
	s9 =	sadd.s32 s9, s5;
	(pc) =	sbr.rel .LBB2_1-.Ltmp0, $4  }
0xe: {  	s10 =	ssub.s32 s10, s26;
	s13 =	sadd.s32 s28, s2;
	s7 =	sadd.s32 $0x9000, s31  }
0xf: {  	s6 =	sshrl.u32 s6, $0x3;
	s10 =	smax.u32 s10, $0x1;
	s11 =	sshrl.u32 s13, $0x3  }
0x10: {  	s13 =	simm.s32 $0x80;
	s12 =	sadd.s32 s6, s5;
	s5 =	sadd.s32 $0x35E00, s9  }
0x11: {  	s6 =	sor.u32 $0x1C03, s30;
	s9 =	sadd.s32 $0x5DE00, s12;
	s12 =	simm.s32 $0x3  }
.LBB2_7:
0x12: {  	[tilespmem:$0x48F0] =	vst v0  }
0x13: {  	[tilespmem:s15], [sflag:$0x1] =	stream.indirect.gather [hbm4b:s4+s13], $0x80, s14, s13, $0xb8;
	[tilespmem:$0x1C500] =	vst v63  }
0x14: {  	_ =	swait.ge [sflag:s16], $0x4000  }
0x15: {  	[sflag:s16] =	ssyncset.done $0x0  }
0x16: {  	[sflag:s16] =	ssyncadd.s32 $0xFFFFC000  }
0x17: {  	[spmem:s2] =	stream.indirect.scatter.add.f32 [tilespmem:s15], [sflag:$0x2], $0x80, s17, s13, $0xb8;
	[tilespmem:$0x1C500] =	vst v63  }
0x18: {  	_ =	swait.ge [sflag:s18], $0x4000  }
0x19: {  	[sflag:s18] =	ssyncset.done $0x0  }
0x1a: {  	[sflag:s18] =	ssyncadd.s32 $0xFFFFC000  }
.LBB2_8:
0x1b: {  	s3 =	sadd.s32 $0x1, s3  }
0x1c: {  	p1 =	sne.s32 s3, s10  }
.Ltmp1:
0x1d: {  	[bflag:$0x0] =	sbarrier.arrive $0xFFFF;
	(pc) =	sbr.rel @!p1 .LBB2_9-.Ltmp1, $4  }
0x1e: {  	[hbm:s9], [sflag:s6] =	dma.local [spmem:s11], $0x2780  }
0x1f: {  	_ =	swait.ge [sflag:s12], $0x2780  }
0x20: {  	[sflag:s12] =	ssyncset.done $0x0  }
0x21: {  	[sflag:s12] =	ssyncadd.s32 $0xFFFFD880  }
.LBB2_1:
.Ltmp2:
0x22: {  	(pc) =	sbr.rel @p0 .LBB2_5-.Ltmp2, $4  }
0x23: {  	[spmem:s11], [sflag:s6] =	dma.local [hbm:s5], $0x2780  }
0x24: {  	_ =	swait.ge [sflag:s12], $0x2780  }
0x25: {  	[sflag:s12] =	ssyncset.done $0x0  }
0x26: {  	s19 =	simm.s32 $0x0;
	[sflag:s12] =	ssyncadd.s32 $0xFFFFD880  }
0x27: {  	[tilespmem:s19], [sflag:$0x3] =	stream.linear.gather [hbm4b:s8+s19], $0x4800, $0x38;
	[tilespmem:$0x1C500] =	vst v63  }
0x28: {  	_ =	swait.ge [sflag:s12], $0x4800  }
0x29: {  	[sflag:s12] =	ssyncset.done $0x0  }
0x2a: {  	[sflag:s12] =	ssyncadd.s32 $0xFFFFB800  }
0x2b: {  	s31 =	simm.s32 $0x0;
	[bflag:$0x0] =	sbarrier.arrive $0xFFFF  }
0x2c: {  	v0 =	vld [tilespmem:s31+$0x0];
	_ =	sdelay $0x4  }
0x2d: {  	v1 =	vand.u32 $0xFFFF, v0  }
0x2e: {  	v0 =	vshrl.u32 v0, $0x10;
	[tilespmem:$0x4800] =	vst v1  }
0x2f: {  	[tilespmem:$0x4880] =	vst v0  }
0x30: {  	v0 =	vld [tilespmem:s31+$0x10];
	_ =	sdelay $0x4  }
0x31: {  	v1 =	vand.u32 $0xFFFF, v0  }
0x32: {  	v0 =	vshrl.u32 v0, $0x10;
	[tilespmem:$0x4810] =	vst v1  }
0x33: {  	[tilespmem:$0x4890] =	vst v0  }
0x34: {  	v0 =	vld [tilespmem:s31+$0x20];
	_ =	sdelay $0x4  }
0x35: {  	v1 =	vand.u32 $0xFFFF, v0  }
0x36: {  	v0 =	vshrl.u32 v0, $0x10;
	[tilespmem:$0x4820] =	vst v1  }
0x37: {  	[tilespmem:$0x48A0] =	vst v0  }
0x38: {  	v0 =	vld [tilespmem:s31+$0x30];
	_ =	sdelay $0x4  }
0x39: {  	v1 =	vand.u32 $0xFFFF, v0  }
0x3a: {  	v0 =	vshrl.u32 v0, $0x10;
	[tilespmem:$0x4830] =	vst v1  }
0x3b: {  	[tilespmem:$0x48B0] =	vst v0  }
0x3c: {  	v0 =	vld [tilespmem:s31+$0x40];
	_ =	sdelay $0x4  }
0x3d: {  	v1 =	vand.u32 $0xFFFF, v0  }
0x3e: {  	v0 =	vshrl.u32 v0, $0x10;
	[tilespmem:$0x4840] =	vst v1  }
0x3f: {  	[tilespmem:$0x48C0] =	vst v0  }
0x40: {  	v0 =	vld [tilespmem:s31+$0x50];
	_ =	sdelay $0x4  }
0x41: {  	v1 =	vand.u32 $0xFFFF, v0  }
0x42: {  	v0 =	vshrl.u32 v0, $0x10;
	[tilespmem:$0x4850] =	vst v1  }
0x43: {  	[tilespmem:$0x48D0] =	vst v0  }
0x44: {  	v0 =	vld [tilespmem:s31+$0x60];
	_ =	sdelay $0x4  }
0x45: {  	v1 =	vand.u32 $0xFFFF, v0  }
0x46: {  	v0 =	vshrl.u32 v0, $0x10;
	[tilespmem:$0x4860] =	vst v1  }
0x47: {  	[tilespmem:$0x48E0] =	vst v0  }
0x48: {  	v0 =	vld [tilespmem:s31+$0x70];
	_ =	sdelay $0x4  }
0x49: {  	v1 =	vand.u32 $0xFFFF, v0  }
0x4a: {  	s19 =	simm.s32 $0x200;
	v0 =	vshrl.u32 v0, $0x10;
	[tilespmem:$0x4870] =	vst v1  }
.LBB2_3:
0x4b: {  	p1 =	seq.s32 s19, $0x11E00;
	[tilespmem:$0x48F0] =	vst v0;
	s20 =	smov.u32 s19;
	s19 =	sadd.s32 $0x200, s19  }
0x4c: {  	[tilespmem:s15], [sflag:$0x1] =	stream.indirect.gather [hbm4b:s4+s13], $0x80, s14, s13, $0xb8;
	[tilespmem:$0x1C500] =	vst v63  }
0x4d: {  	_ =	swait.ge [sflag:s16], $0x4000  }
0x4e: {  	[sflag:s16] =	ssyncset.done $0x0  }
0x4f: {  	[sflag:s16] =	ssyncadd.s32 $0xFFFFC000  }
0x50: {  	[spmem:s2] =	stream.indirect.scatter.add.f32 [tilespmem:s15], [sflag:$0x2], $0x80, s17, s13, $0xb8;
	[tilespmem:$0x1C500] =	vst v63  }
0x51: {  	_ =	swait.ge [sflag:s18], $0x4000  }
0x52: {  	[sflag:s18] =	ssyncset.done $0x0  }
0x53: {  	s20 =	sshra.s32 s20, $0x2;
	[sflag:s18] =	ssyncadd.s32 $0xFFFFC000  }
0x54: {  	v0 =	vld [tilespmem:s20+$0x0];
	_ =	sdelay $0x4  }
0x55: {  	v1 =	vand.u32 $0xFFFF, v0;
	v0 =	vshrl.u32 v0, $0x10  }
0x56: {  	[tilespmem:$0x4800] =	vst v1  }
0x57: {  	[tilespmem:$0x4880] =	vst v0  }
0x58: {  	v0 =	vld [tilespmem:s20+$0x10];
	_ =	sdelay $0x4  }
0x59: {  	v1 =	vand.u32 $0xFFFF, v0;
	v0 =	vshrl.u32 v0, $0x10  }
0x5a: {  	[tilespmem:$0x4810] =	vst v1  }
0x5b: {  	[tilespmem:$0x4890] =	vst v0  }
0x5c: {  	v0 =	vld [tilespmem:s20+$0x20];
	_ =	sdelay $0x4  }
0x5d: {  	v1 =	vand.u32 $0xFFFF, v0;
	v0 =	vshrl.u32 v0, $0x10  }
0x5e: {  	[tilespmem:$0x4820] =	vst v1  }
0x5f: {  	[tilespmem:$0x48A0] =	vst v0  }
0x60: {  	v0 =	vld [tilespmem:s20+$0x30];
	_ =	sdelay $0x4  }
0x61: {  	v1 =	vand.u32 $0xFFFF, v0;
	v0 =	vshrl.u32 v0, $0x10  }
0x62: {  	[tilespmem:$0x4830] =	vst v1  }
0x63: {  	[tilespmem:$0x48B0] =	vst v0  }
0x64: {  	v0 =	vld [tilespmem:s20+$0x40];
	_ =	sdelay $0x4  }
0x65: {  	v1 =	vand.u32 $0xFFFF, v0;
	v0 =	vshrl.u32 v0, $0x10  }
0x66: {  	[tilespmem:$0x4840] =	vst v1  }
0x67: {  	[tilespmem:$0x48C0] =	vst v0  }
0x68: {  	v0 =	vld [tilespmem:s20+$0x50];
	_ =	sdelay $0x4  }
0x69: {  	v1 =	vand.u32 $0xFFFF, v0;
	v0 =	vshrl.u32 v0, $0x10  }
0x6a: {  	[tilespmem:$0x4850] =	vst v1  }
0x6b: {  	[tilespmem:$0x48D0] =	vst v0  }
0x6c: {  	v0 =	vld [tilespmem:s20+$0x60];
	_ =	sdelay $0x4  }
0x6d: {  	v1 =	vand.u32 $0xFFFF, v0;
	v0 =	vshrl.u32 v0, $0x10  }
0x6e: {  	[tilespmem:$0x4860] =	vst v1  }
0x6f: {  	[tilespmem:$0x48E0] =	vst v0  }
0x70: {  	v0 =	vld [tilespmem:s20+$0x70];
	_ =	sdelay $0x1  }
.Ltmp3:
0x71: {  	(pc) =	sbr.rel @!p1 .LBB2_3-.Ltmp3, $3  }
0x72: {  	_ =	sdelay $0x1  }
0x73: {  	v1 =	vand.u32 $0xFFFF, v0;
	v0 =	vshrl.u32 v0, $0x10  }
0x74: {  	[tilespmem:$0x4870] =	vst v1  }
0x75: {  	[tilespmem:$0x48F0] =	vst v0  }
0x76: {  	[tilespmem:s15], [sflag:$0x1] =	stream.indirect.gather [hbm4b:s4+s13], $0x80, s14, s13, $0xb8;
	[tilespmem:$0x1C500] =	vst v63  }
0x77: {  	_ =	swait.ge [sflag:s16], $0x4000  }
0x78: {  	[sflag:s16] =	ssyncset.done $0x0  }
.Ltmp4:
0x79: {  	[sflag:s16] =	ssyncadd.s32 $0xFFFFC000;
	(pc) =	sbr.rel .LBB2_8-.Ltmp4, $4  }
0x7a: {  	[spmem:s2] =	stream.indirect.scatter.add.f32 [tilespmem:s15], [sflag:$0x2], $0x80, s17, s13, $0xb8;
	[tilespmem:$0x1C500] =	vst v63  }
0x7b: {  	_ =	swait.ge [sflag:s18], $0x4000  }
0x7c: {  	[sflag:s18] =	ssyncset.done $0x0  }
0x7d: {  	[sflag:s18] =	ssyncadd.s32 $0xFFFFC000  }
.LBB2_5:
0x7e: {  	[tilespmem:s19], [sflag:$0x3] =	stream.linear.gather [hbm4b:s7+s19], $0x800, $0x38;
	[tilespmem:$0x1C500] =	vst v63  }
0x7f: {  	_ =	swait.ge [sflag:s12], $0x800  }
0x80: {  	[sflag:s12] =	ssyncset.done $0x0  }
0x81: {  	[sflag:s12] =	ssyncadd.s32 $0xFFFFF800  }
0x82: {  	s31 =	simm.s32 $0x0;
	[bflag:$0x0] =	sbarrier.arrive $0xFFFF  }
0x83: {  	v0 =	vld [tilespmem:s31+$0x0];
	_ =	sdelay $0x4  }
0x84: {  	v1 =	vand.u32 $0xFFFF, v0  }
0x85: {  	v0 =	vshrl.u32 v0, $0x10;
	[tilespmem:$0x4800] =	vst v1  }
0x86: {  	[tilespmem:$0x4880] =	vst v0  }
0x87: {  	v0 =	vld [tilespmem:s31+$0x10];
	_ =	sdelay $0x4  }
0x88: {  	v1 =	vand.u32 $0xFFFF, v0  }
0x89: {  	v0 =	vshrl.u32 v0, $0x10;
	[tilespmem:$0x4810] =	vst v1  }
0x8a: {  	[tilespmem:$0x4890] =	vst v0  }
0x8b: {  	v0 =	vld [tilespmem:s31+$0x20];
	_ =	sdelay $0x4  }
0x8c: {  	v1 =	vand.u32 $0xFFFF, v0  }
0x8d: {  	v0 =	vshrl.u32 v0, $0x10;
	[tilespmem:$0x4820] =	vst v1  }
0x8e: {  	[tilespmem:$0x48A0] =	vst v0  }
0x8f: {  	v0 =	vld [tilespmem:s31+$0x30];
	_ =	sdelay $0x4  }
0x90: {  	v1 =	vand.u32 $0xFFFF, v0  }
0x91: {  	v0 =	vshrl.u32 v0, $0x10;
	[tilespmem:$0x4830] =	vst v1  }
0x92: {  	[tilespmem:$0x48B0] =	vst v0  }
0x93: {  	v0 =	vld [tilespmem:s31+$0x40];
	_ =	sdelay $0x4  }
0x94: {  	v1 =	vand.u32 $0xFFFF, v0  }
0x95: {  	v0 =	vshrl.u32 v0, $0x10;
	[tilespmem:$0x4840] =	vst v1  }
0x96: {  	[tilespmem:$0x48C0] =	vst v0  }
0x97: {  	v0 =	vld [tilespmem:s31+$0x50];
	_ =	sdelay $0x4  }
0x98: {  	v1 =	vand.u32 $0xFFFF, v0  }
0x99: {  	v0 =	vshrl.u32 v0, $0x10;
	[tilespmem:$0x4850] =	vst v1  }
0x9a: {  	[tilespmem:$0x48D0] =	vst v0  }
0x9b: {  	v0 =	vld [tilespmem:s31+$0x60];
	_ =	sdelay $0x4  }
0x9c: {  	v1 =	vand.u32 $0xFFFF, v0  }
0x9d: {  	v0 =	vshrl.u32 v0, $0x10;
	[tilespmem:$0x4860] =	vst v1  }
0x9e: {  	[tilespmem:$0x48E0] =	vst v0  }
0x9f: {  	v0 =	vld [tilespmem:s31+$0x70];
	_ =	sdelay $0x4  }
0xa0: {  	v1 =	vand.u32 $0xFFFF, v0  }
0xa1: {  	s19 =	simm.s32 $0x200;
	v0 =	vshrl.u32 v0, $0x10;
	[tilespmem:$0x4870] =	vst v1  }
.LBB2_6:
0xa2: {  	p1 =	sne.s32 s19, $0x1E00;
	[tilespmem:$0x48F0] =	vst v0;
	s20 =	smov.u32 s19;
	s19 =	sadd.s32 $0x200, s19  }
0xa3: {  	[tilespmem:s15], [sflag:$0x1] =	stream.indirect.gather [hbm4b:s4+s13], $0x80, s14, s13, $0xb8;
	[tilespmem:$0x1C500] =	vst v63  }
0xa4: {  	_ =	swait.ge [sflag:s16], $0x4000  }
0xa5: {  	[sflag:s16] =	ssyncset.done $0x0  }
0xa6: {  	[sflag:s16] =	ssyncadd.s32 $0xFFFFC000  }
0xa7: {  	[spmem:s2] =	stream.indirect.scatter.add.f32 [tilespmem:s15], [sflag:$0x2], $0x80, s17, s13, $0xb8;
	[tilespmem:$0x1C500] =	vst v63  }
0xa8: {  	_ =	swait.ge [sflag:s18], $0x4000  }
0xa9: {  	[sflag:s18] =	ssyncset.done $0x0  }
0xaa: {  	s20 =	sshra.s32 s20, $0x2;
	[sflag:s18] =	ssyncadd.s32 $0xFFFFC000  }
0xab: {  	v0 =	vld [tilespmem:s20+$0x0];
	_ =	sdelay $0x4  }
0xac: {  	v1 =	vand.u32 $0xFFFF, v0;
	v0 =	vshrl.u32 v0, $0x10  }
0xad: {  	[tilespmem:$0x4800] =	vst v1  }
0xae: {  	[tilespmem:$0x4880] =	vst v0  }
0xaf: {  	v0 =	vld [tilespmem:s20+$0x10];
	_ =	sdelay $0x4  }
0xb0: {  	v1 =	vand.u32 $0xFFFF, v0;
	v0 =	vshrl.u32 v0, $0x10  }
0xb1: {  	[tilespmem:$0x4810] =	vst v1  }
0xb2: {  	[tilespmem:$0x4890] =	vst v0  }
0xb3: {  	v0 =	vld [tilespmem:s20+$0x20];
	_ =	sdelay $0x4  }
0xb4: {  	v1 =	vand.u32 $0xFFFF, v0;
	v0 =	vshrl.u32 v0, $0x10  }
0xb5: {  	[tilespmem:$0x4820] =	vst v1  }
0xb6: {  	[tilespmem:$0x48A0] =	vst v0  }
0xb7: {  	v0 =	vld [tilespmem:s20+$0x30];
	_ =	sdelay $0x4  }
0xb8: {  	v1 =	vand.u32 $0xFFFF, v0;
	v0 =	vshrl.u32 v0, $0x10  }
0xb9: {  	[tilespmem:$0x4830] =	vst v1  }
0xba: {  	[tilespmem:$0x48B0] =	vst v0  }
0xbb: {  	v0 =	vld [tilespmem:s20+$0x40];
	_ =	sdelay $0x4  }
0xbc: {  	v1 =	vand.u32 $0xFFFF, v0;
	v0 =	vshrl.u32 v0, $0x10  }
0xbd: {  	[tilespmem:$0x4840] =	vst v1  }
0xbe: {  	[tilespmem:$0x48C0] =	vst v0  }
0xbf: {  	v0 =	vld [tilespmem:s20+$0x50];
	_ =	sdelay $0x4  }
0xc0: {  	v1 =	vand.u32 $0xFFFF, v0;
	v0 =	vshrl.u32 v0, $0x10  }
0xc1: {  	[tilespmem:$0x4850] =	vst v1  }
0xc2: {  	[tilespmem:$0x48D0] =	vst v0  }
0xc3: {  	v0 =	vld [tilespmem:s20+$0x60];
	_ =	sdelay $0x4  }
0xc4: {  	v1 =	vand.u32 $0xFFFF, v0;
	v0 =	vshrl.u32 v0, $0x10  }
0xc5: {  	[tilespmem:$0x4860] =	vst v1  }
0xc6: {  	[tilespmem:$0x48E0] =	vst v0  }
0xc7: {  	v0 =	vld [tilespmem:s20+$0x70];
	_ =	sdelay $0x1  }
.Ltmp5:
0xc8: {  	(pc) =	sbr.rel @p1 .LBB2_6-.Ltmp5, $3  }
0xc9: {  	_ =	sdelay $0x1  }
0xca: {  	v1 =	vand.u32 $0xFFFF, v0;
	v0 =	vshrl.u32 v0, $0x10  }
0xcb: {  	[tilespmem:$0x4870] =	vst v1  }
.Ltmp6:
0xcc: {  	_ = 	snop;
	(pc) =	sbr.rel .LBB2_7-.Ltmp6, $1  }
0xcd: {  	_ =	sdelay $0x3  }
.LBB2_9:
0xce: {  	_ =	sfence.sel $0x180000  }
0xcf: {  	[bflag:$0x0] =	sbarrier.arrive $0xFFFF  }
0xd0: {  	p0 =	sne.s32 s1, $0x0;
	_ =	strace $0x9000004A  }
0xd1: {  	s0 =	sadd.s32 @!p0 $0x100000, s0;
	[bflag:$0x2] =	sbarrier.arrive $0xFFFF  }
0xd2: {  	[sflag:s0] =	ssyncadd.tile.s32 @!p0 $0x1;
	_ =	shalt  }
.Lfunc_end2:
_tile_overlayer_lowered:
.L_overlay_start_2:
0xd3: {  	(tag) =	ssettag $0x2  }
0xd4: {  	s0 =	rddreg [dreg:$0x0];
	s2 =	stileid.u32  }
0xd5: {  	s1 =	rddreg [dreg:$0x1];
	p0 =	sne.s32 s2, $0x0  }
0xd6: {  	s3 =	rddreg [dreg:$0x2];
	[bflag:$0x3] =	sbarrier.arrive $0xFFFF;
	s2 =	simm.s32 @!p0 $0x1C03  }
0xd7: {  	[timem:s3], [sflag:s2] =	dma.local @!p0 [hbm:s0], s1  }
0xd8: {  	s0 =	simm.s32 @!p0 $0x3  }
0xd9: {  	_ =	swait.ge @!p0 [sflag:s0], s1  }
0xda: {  	s1 =	ssub.s32 @!p0 $0x0, s1;
	[sflag:s0] =	ssyncset.done @!p0 $0x0  }
0xdb: {  	[sflag:s0] =	ssyncadd.s32 @!p0 s1  }
0xdc: {  	[bflag:$0x3] =	sbarrier.arrive $0xFFFF  }
0xdd: {  	_ =	shalt  }

// kernel: kernel.15.cloned.1.call-start
scs
__scs_entry_jumppad:
0x0: {  	(pc) =	sbr.rel $0x88, $3  }
0x1: {  	(tag) =	ssettag $0x0;
	lr =	simm.s32 $0x1  }
0x2: {  	[smem:$0x3F8E] =	sst lr;
	_ =	strace $0xD0000000  }
0x3: {  	_ = 	snop  }
0x4: {  	_ = 	snop  }
0x5: {  	_ = 	snop  }
0x6: {  	_ = 	snop  }
0x7: {  	_ = 	snop  }
__scs_overlays_trampoline_lowered:
0x8: {  	[smem:$0x3F9D] =	sst s0  }
0x9: {  	[smem:$0x3F9E] =	sst s1  }
0xa: {  	[smem:$0x3F9F] =	sst s2  }
0xb: {  	[smem:$0x3FA0] =	sst s3  }
0xc: {  	[smem:$0x3FA1] =	sst s4  }
0xd: {  	[smem:$0x3FA2] =	sst s5  }
0xe: {  	[smem:$0x3FA3] =	sst s6  }
0xf: {  	[smem:$0x3FA4] =	sst s7  }
0x10: {  	[smem:$0x3FA5] =	sst s8  }
0x11: {  	[smem:$0x3FA6] =	sst s9;
	s0 =	simm.s32 @!p0 $0x0  }
0x12: {  	s1 =	sld [smem:$0x3F8C];
	s0 =	simm.s32 @p0 $0x1  }
0x13: {  	[smem:$0x3FA7] =	sst s0;
	s0 =	simm.s32 @!p1 $0x0  }
0x14: {  	s2 =	sld [smem:$0x3F8B];
	s0 =	simm.s32 @p1 $0x1  }
0x15: {  	[smem:$0x3FA8] =	sst s0;
	s0 =	simm.s32 @!p2 $0x0  }
0x16: {  	s3 =	sld [smem:$0x3FDB];
	s0 =	simm.s32 @p2 $0x1  }
0x17: {  	s4 =	simm.s32 $0x1BF5;
	[smem:$0x3FAA] =	sst s0  }
0x18: {  	s0 =	sld [smem:$0x3F8D];
	_ =	swait.ge [sflag:s4], $0x0  }
0x19: {  	s7 =	sld [smem:$0x3F8E]  }
0x1a: {  	s8 =	sadd.s32 $0xFFFFE003, lr  }
0x1b: {  	s9 =	sadd.s32 $0xFFFFFEF7, lr;
	s5 =	simm.s32 $0xFFFFFFFF;
	p2 =	slt.u32 s8, $0xFFFFF086  }
0x1c: {  	p1 =	slt.u32 s9, $0xF7A;
	s5 =	simm.s32 @!p2 $0x0  }
0x1d: {  	s5 =	simm.s32 @p1 $0x1;
	p0 =	seq.s32 s7, s2  }
0x1e: {  	s7 =	smul.u32 @!p0 $0xF7A, s2;
	p2 =	seq.s32 @!p0 s5, $0x0  }
0x1f: {  	s9 =	smul.u32 $0xF7A, s1;
	s8 =	simm.s32 @!p0 $0x1BF5;
	p2 =	por !p2, p0  }
0x20: {  	[sflag:s8] =	ssyncset.s32 @!p0 $0xFFFFF086;
	s6 =	sadd.s32 @!p0 s3, s7;
	s7 =	simm.s32 @!p0 $0x108  }
0x21: {  	s3 =	sadd.s32 s3, s9;
	s6 =	sadd.s32 @!p0 $0x88, s6;
	s7 =	simm.s32 @p2 $0x1082  }
0x22: {  	[simem:s7], [sflag:s8] =	dma.local @!p0 [hbm:s6], $0xF7A  }
0x23: {  	s9 =	sor.u32 $0xD0000000, s2;
	s6 =	simm.s32 $0x108;
	_ =	swait.ge @!p0 [sflag:s8], $0x0  }
0x24: {  	s3 =	sadd.s32 $0x88, s3;
	s6 =	simm.s32 @!p1 $0x1082;
	[sflag:s4] =	ssyncset.s32 $0xFFFFF086  }
0x25: {  	[simem:s6], [sflag:s4] =	dma.local [hbm:s3], $0xF7A  }
0x26: {  	[smem:$0x3F8E] =	sst s1;
	(tag) =	ssettag s2;
	_ =	strace s9  }
0x27: {  	s1 =	sld [smem:$0x3F9E]  }
0x28: {  	s2 =	sld [smem:$0x3F9F]  }
0x29: {  	s4 =	sld [smem:$0x3FA1]  }
0x2a: {  	p0 =	seq.s32 s5, $0x0;
	s5 =	sld [smem:$0x3FA2]  }
0x2b: {  	s6 =	sld [smem:$0x3FA3]  }
0x2c: {  	s7 =	sld [smem:$0x3FA4]  }
0x2d: {  	s3 =	simm.s32 $0x108;
	s8 =	sld [smem:$0x3FA5]  }
0x2e: {  	s3 =	simm.s32 @!p0 $0x1082;
	s9 =	sld [smem:$0x3FA6]  }
0x2f: {  	lr =	sadd.s32 s0, s3;
	s0 =	sld [smem:$0x3F9D]  }
0x30: {  	s3 =	sld [smem:$0x3FA0]  }
0x31: {  	[smem:$0x3FA9] =	sst s10  }
0x32: {  	s10 =	sld [smem:$0x3FA7];
	_ =	sdelay $0x3  }
0x33: {  	p0 =	seq.s32 s10, $0x1;
	s10 =	sld [smem:$0x3FA9];
	_ =	sdelay $0x3  }
0x34: {  	[smem:$0x3FA9] =	sst s10  }
0x35: {  	s10 =	sld [smem:$0x3FA8];
	_ =	sdelay $0x3  }
0x36: {  	p1 =	seq.s32 s10, $0x1;
	s10 =	sld [smem:$0x3FA9];
	_ =	sdelay $0x3  }
0x37: {  	[smem:$0x3FA9] =	sst s10  }
0x38: {  	s10 =	sld [smem:$0x3FAA]  }
0x39: {  	_ = 	snop;
	(pc) =	sbr.ind lr, $3  }
0x3a: {  	_ = 	snop  }
0x3b: {  	_ = 	snop  }
0x3c: {  	p2 =	seq.s32 s10, $0x1;
	s10 =	sld [smem:$0x3FA9]  }
0x3d: {  	_ =	shalt  }
0x3e: {  	_ =	shalt  }
0x3f: {  	_ =	shalt  }
0x40: {  	_ =	shalt  }
0x41: {  	_ =	shalt  }
0x42: {  	_ =	shalt  }
0x43: {  	_ =	shalt  }
0x44: {  	_ =	shalt  }
0x45: {  	_ =	shalt  }
0x46: {  	_ =	shalt  }
0x47: {  	_ =	shalt  }
0x48: {  	_ =	shalt  }
0x49: {  	_ =	shalt  }
0x4a: {  	_ =	shalt  }
0x4b: {  	_ =	shalt  }
0x4c: {  	_ =	shalt  }
0x4d: {  	_ =	shalt  }
0x4e: {  	_ =	shalt  }
0x4f: {  	_ =	shalt  }
0x50: {  	_ =	shalt  }
0x51: {  	_ =	shalt  }
0x52: {  	_ =	shalt  }
0x53: {  	_ =	shalt  }
0x54: {  	_ =	shalt  }
0x55: {  	_ =	shalt  }
0x56: {  	_ =	shalt  }
0x57: {  	_ =	shalt  }
0x58: {  	_ =	shalt  }
0x59: {  	_ =	shalt  }
0x5a: {  	_ =	shalt  }
0x5b: {  	_ =	shalt  }
0x5c: {  	_ =	shalt  }
0x5d: {  	_ =	shalt  }
0x5e: {  	_ =	shalt  }
0x5f: {  	_ =	shalt  }
0x60: {  	_ =	shalt  }
0x61: {  	_ =	shalt  }
0x62: {  	_ =	shalt  }
0x63: {  	_ =	shalt  }
0x64: {  	_ =	shalt  }
0x65: {  	_ =	shalt  }
0x66: {  	_ =	shalt  }
0x67: {  	_ =	shalt  }
0x68: {  	_ =	shalt  }
0x69: {  	_ =	shalt  }
0x6a: {  	_ =	shalt  }
0x6b: {  	_ =	shalt  }
0x6c: {  	_ =	shalt  }
0x6d: {  	_ =	shalt  }
0x6e: {  	_ =	shalt  }
0x6f: {  	_ =	shalt  }
0x70: {  	_ =	shalt  }
0x71: {  	_ =	shalt  }
0x72: {  	_ =	shalt  }
0x73: {  	_ =	shalt  }
0x74: {  	_ =	shalt  }
0x75: {  	_ =	shalt  }
0x76: {  	_ =	shalt  }
0x77: {  	_ =	shalt  }
0x78: {  	_ =	shalt  }
0x79: {  	_ =	shalt  }
0x7a: {  	_ =	shalt  }
0x7b: {  	_ =	shalt  }
0x7c: {  	_ =	shalt  }
0x7d: {  	_ =	shalt  }
0x7e: {  	_ =	shalt  }
0x7f: {  	_ =	shalt  }
0x80: {  	_ =	shalt  }
0x81: {  	_ =	shalt  }
0x82: {  	_ =	shalt  }
0x83: {  	_ =	shalt  }
0x84: {  	_ =	shalt  }
0x85: {  	_ =	shalt  }
0x86: {  	_ =	shalt  }
0x87: {  	_ =	shalt  }
.Lfunc_end0:
.L_simem_size_0:
called_computation.2_lowered:
.L_overlay_start_0:
0x88: {  	s2 =	sld [smem:$0x3FD9]  }
0x89: {  	s3 =	sld [smem:$0x3FFE];
	_ =	sdelay $0x1  }
0x8a: {  	s1 =	srdreg.scid  }
0x8b: {  	s0 =	sand.u32 $0x1, s1  }
0x8c: {  	s16 =	sshll.u32 s0, $0xA;
	s2 =	sadd.s32 s3, s2  }
0x8d: {  	s2 =	sadd.s32 s2, s16  }
0x8e: {  	[smem:$0x3FB5] =	sst s2  }
0x8f: {  	_ = 	snop  }
0x90: {  	(tm) =	ssettm $0x1  }
0x91: {  	s17 =	sld [smem:$0x3FFB];
	_ =	sdelay $0x3  }
0x92: {  	_ =	strace s17  }
0x93: {  	s2 =	sld [smem:$0x3FFC];
	_ =	sdelay $0x3  }
0x94: {  	_ =	strace s2  }
0x95: {  	s2 =	sld [smem:$0x3FFD];
	_ =	sdelay $0x3  }
0x96: {  	_ =	strace s2  }
0x97: {  	_ =	strace $0x8FFFFFFF  }
0x98: {  	s18 =	sld [smem:$0x3FDB];
	_ =	sdelay $0x1  }
0x99: {  	s19 =	simm.s32 $_scs_section_size  }
0x9a: {  	s4 =	simm.s32 $_size__tile_overlayer_lowered;
	s5 =	simm.s32 $_tile_overlayer_lowered  }
0x9b: {  	s22 =	simm.s32 $0x1BFF;
	s21 =	sshll.u32 s5, $0x1;
	s2 =	sadd.s32 s19, s18  }
0x9c: {  	s6 =	simm.s32 $0x0;
	s20 =	sshll.u32 s4, $0x1;
	s4 =	sadd.s32 s21, s2  }
0x9d: {  	[timem:s6], [sflag:s22] =	dma.local [hbm:s4], s20  }
0x9e: {  	_ =	swait.ge [sflag:s22], s20  }
0x9f: {  	s3 =	ssub.s32 $0x0, s20;
	[sflag:s22] =	ssyncset.done $0x0  }
0xa0: {  	[sflag:s22] =	ssyncadd.s32 s3;
	_ =	sdelay $0x1  }
0xa1: {  	s23 =	simm.s32 $0x1B8B  }
0xa2: {  	_ =	swait.ge [sflag:s23], $0x1  }
0xa3: {  	[sflag:s23] =	ssyncset.done $0x0  }
0xa4: {  	s25 =	simm.s32 $0x1B8E;
	s24 =	sld [smem:$0x3FFE];
	[sflag:s23] =	ssyncadd.s32 $0xFFFFFFFF  }
0xa5: {  	s26 =	simm.s32 $execute0_lowered;
	[smem:$0x3FD2] =	sst s25  }
0xa6: {  	s4 =	sshll.u32 s26, $0x1;
	_ =	strace $0x8000004C;
	[dreg:$0x1] =	wrdreg $0xFFFFFFFF  }
0xa7: {  	s28 =	simm.s32 $_size_execute0_lowered;
	s2 =	sadd.s32 s2, s4;
	[dreg:$0x0] =	wrdreg $0x0  }
0xa8: {  	s4 =	sshll.u32 s28, $0x1;
	[dreg:$0x2] =	wrdreg s2  }
0xa9: {  	[dreg:$0x3] =	wrdreg s4  }
0xaa: {  	[dreg:$0x4] =	wrdreg $0xC0  }
0xab: {  	_ =	task [dreg:s6], $0x5FFFF  }
0xac: {  	[dreg:$0x1] =	wrdreg $0xFFFFFFFF  }
0xad: {  	[dreg:$0x0] =	wrdreg $0x60  }
0xae: {  	[dreg:$0x2] =	wrdreg s24  }
0xaf: {  	[dreg:$0x3] =	wrdreg $0x89000  }
0xb0: {  	[dreg:$0x4] =	wrdreg $0x9  }
0xb1: {  	_ =	task.clear_ibuf [dreg:s6], $0x5FFFF;
	_ =	strace $0x9000004C  }
0xb2: {  	s29 =	simm.s32 $0x9;
	_ =	strace $0x8000004E  }
0xb3: {  	_ =	swait.ge [sflag:s29], $0x1  }
0xb4: {  	[sflag:s29] =	ssyncadd.s32 $0xFFFFFFFF  }
0xb5: {  	_ =	strace $0x9000004E  }
0xb6: {  	_ =	sfence  }
0xb7: {  	s30 =	sld [smem:$0x0];
	_ =	sdelay $0x2  }
0xb8: {  	s31 =	sshll.u32 s1, $0xD;
	s1 =	sshrl.u32 s1, $0x2  }
0xb9: {  	s3 =	sand.u32 $0x4000, s31;
	s1 =	sadd.s32 s1, s30  }
0xba: {  	s0 =	sor.u32 s3, s0;
	s1 =	sshll.u32 s1, $0x11  }
0xbb: {  	s0 =	sor.u32 s1, s0  }
0xbc: {  	s0 =	sadd.s32 $0x8F2B, s0  }
0xbd: {  	[sflag:s0] =	ssyncadd.remote.s32 $0x1  }
0xbe: {  	_ =	sfence.sel $0xFFFF  }
0xbf: {  	[dreg:$0x0] =	wrdreg $0xFFFFFFFF;
	(pc) =	sbr.abs _section_cstart, $3  }
0xc0: {  	[dreg:$0x1] =	wrdreg $0xFFFFFFFF  }
0xc1: {  	_ =	task.clear_ibuf [dreg:s6], $0x2FFFF;
	_ =	strace $0x9FFFFFFF  }
0xc2: {  	(tm) =	ssettm $0x7FFFFFFF  }
0xc3: {  	_ =	shalt  }
tec
execute0_lowered:
.L_overlay_start_1:
0x0: {  	(tag) =	ssettag $0x1  }
0x1: {  	s5 =	rddreg [dreg:$0x0]  }
0x2: {  	s2 =	rddreg [dreg:$0x1]  }
0x3: {  	s0 =	rddreg [dreg:$0x2]  }
0x4: {  	s1 =	stileid.u32;
	s4 =	srdreg.scid  }
0x5: {  	s3 =	simm.s32 $0x0;
	s15 =	simm.s32 $0x4900;
	s16 =	simm.s32 $0x1  }
0x6: {  	s17 =	simm.s32 $0x4880;
	s18 =	simm.s32 $0x2;
	s6 =	smul.u32 $0x13C00, s1  }
0x7: {  	s11 =	sand.u32 $0x1, s4;
	[smem:$0x7FF] =	sst s3;
	s25 =	smul.u32 $0x4F000, s1  }
0x8: {  	s4 =	sadd.s32 $0xDE00, s5;
	s8 =	sadd.s32 $0x3E00, s5;
	s14 =	smul.u32 $0x900, s1  }
0x9: {  	s29 =	sshll.u32 s1, $0x8;
	s30 =	sshll.u32 s1, $0x6;
	s7 =	smul.u32 $0x140000, s11  }
0xa: {  	_ =	strace $0x8000004D;
	s10 =	ssub.s32 $0x2, s11;
	s31 =	sadd.s32 s29, s8  }
0xb: {  	p0 =	sne.s32 s11, $0x0;
	s9 =	sshrl.u32 s6, $0x3;
	s26 =	sshrl.u32 s10, $0x1  }
0xc: {  	s28 =	sshrl.u32 s25, $0x2;
	s8 =	sadd.s32 s8, s14;
	s14 =	simm.s32 $0x4800  }
.Ltmp0:
0xd: {  	s6 =	sadd.s32 s6, s7;
	s9 =	sadd.s32 s9, s5;
	(pc) =	sbr.rel .LBB2_1-.Ltmp0, $4  }
0xe: {  	s10 =	ssub.s32 s10, s26;
	s13 =	sadd.s32 s28, s2;
	s7 =	sadd.s32 $0x9000, s31  }
0xf: {  	s6 =	sshrl.u32 s6, $0x3;
	s10 =	smax.u32 s10, $0x1;
	s11 =	sshrl.u32 s13, $0x3  }
0x10: {  	s13 =	simm.s32 $0x80;
	s12 =	sadd.s32 s6, s5;
	s5 =	sadd.s32 $0x35E00, s9  }
0x11: {  	s6 =	sor.u32 $0x1C03, s30;
	s9 =	sadd.s32 $0x5DE00, s12;
	s12 =	simm.s32 $0x3  }
.LBB2_7:
0x12: {  	[tilespmem:$0x48F0] =	vst v0  }
0x13: {  	[tilespmem:s15], [sflag:$0x1] =	stream.indirect.gather [hbm4b:s4+s13], $0x80, s14, s13, $0xb8;
	[tilespmem:$0x1C500] =	vst v63  }
0x14: {  	_ =	swait.ge [sflag:s16], $0x4000  }
0x15: {  	[sflag:s16] =	ssyncset.done $0x0  }
0x16: {  	[sflag:s16] =	ssyncadd.s32 $0xFFFFC000  }
0x17: {  	[spmem:s2] =	stream.indirect.scatter.add.f32 [tilespmem:s15], [sflag:$0x2], $0x80, s17, s13, $0xb8;
	[tilespmem:$0x1C500] =	vst v63  }
0x18: {  	_ =	swait.ge [sflag:s18], $0x4000  }
0x19: {  	[sflag:s18] =	ssyncset.done $0x0  }
0x1a: {  	[sflag:s18] =	ssyncadd.s32 $0xFFFFC000  }
.LBB2_8:
0x1b: {  	s3 =	sadd.s32 $0x1, s3  }
0x1c: {  	p1 =	sne.s32 s3, s10  }
.Ltmp1:
0x1d: {  	[bflag:$0x0] =	sbarrier.arrive $0xFFFF;
	(pc) =	sbr.rel @!p1 .LBB2_9-.Ltmp1, $4  }
0x1e: {  	[hbm:s9], [sflag:s6] =	dma.local [spmem:s11], $0x2780  }
0x1f: {  	_ =	swait.ge [sflag:s12], $0x2780  }
0x20: {  	[sflag:s12] =	ssyncset.done $0x0  }
0x21: {  	[sflag:s12] =	ssyncadd.s32 $0xFFFFD880  }
.LBB2_1:
.Ltmp2:
0x22: {  	(pc) =	sbr.rel @p0 .LBB2_5-.Ltmp2, $4  }
0x23: {  	[spmem:s11], [sflag:s6] =	dma.local [hbm:s5], $0x2780  }
0x24: {  	_ =	swait.ge [sflag:s12], $0x2780  }
0x25: {  	[sflag:s12] =	ssyncset.done $0x0  }
0x26: {  	s19 =	simm.s32 $0x0;
	[sflag:s12] =	ssyncadd.s32 $0xFFFFD880  }
0x27: {  	[tilespmem:s19], [sflag:$0x3] =	stream.linear.gather [hbm4b:s8+s19], $0x4800, $0x38;
	[tilespmem:$0x1C500] =	vst v63  }
0x28: {  	_ =	swait.ge [sflag:s12], $0x4800  }
0x29: {  	[sflag:s12] =	ssyncset.done $0x0  }
0x2a: {  	[sflag:s12] =	ssyncadd.s32 $0xFFFFB800  }
0x2b: {  	s31 =	simm.s32 $0x0;
	[bflag:$0x0] =	sbarrier.arrive $0xFFFF  }
0x2c: {  	v0 =	vld [tilespmem:s31+$0x0];
	_ =	sdelay $0x4  }
0x2d: {  	v1 =	vand.u32 $0xFFFF, v0  }
0x2e: {  	v0 =	vshrl.u32 v0, $0x10;
	[tilespmem:$0x4800] =	vst v1  }
0x2f: {  	[tilespmem:$0x4880] =	vst v0  }
0x30: {  	v0 =	vld [tilespmem:s31+$0x10];
	_ =	sdelay $0x4  }
0x31: {  	v1 =	vand.u32 $0xFFFF, v0  }
0x32: {  	v0 =	vshrl.u32 v0, $0x10;
	[tilespmem:$0x4810] =	vst v1  }
0x33: {  	[tilespmem:$0x4890] =	vst v0  }
0x34: {  	v0 =	vld [tilespmem:s31+$0x20];
	_ =	sdelay $0x4  }
0x35: {  	v1 =	vand.u32 $0xFFFF, v0  }
0x36: {  	v0 =	vshrl.u32 v0, $0x10;
	[tilespmem:$0x4820] =	vst v1  }
0x37: {  	[tilespmem:$0x48A0] =	vst v0  }
0x38: {  	v0 =	vld [tilespmem:s31+$0x30];
	_ =	sdelay $0x4  }
0x39: {  	v1 =	vand.u32 $0xFFFF, v0  }
0x3a: {  	v0 =	vshrl.u32 v0, $0x10;
	[tilespmem:$0x4830] =	vst v1  }
0x3b: {  	[tilespmem:$0x48B0] =	vst v0  }
0x3c: {  	v0 =	vld [tilespmem:s31+$0x40];
	_ =	sdelay $0x4  }
0x3d: {  	v1 =	vand.u32 $0xFFFF, v0  }
0x3e: {  	v0 =	vshrl.u32 v0, $0x10;
	[tilespmem:$0x4840] =	vst v1  }
0x3f: {  	[tilespmem:$0x48C0] =	vst v0  }
0x40: {  	v0 =	vld [tilespmem:s31+$0x50];
	_ =	sdelay $0x4  }
0x41: {  	v1 =	vand.u32 $0xFFFF, v0  }
0x42: {  	v0 =	vshrl.u32 v0, $0x10;
	[tilespmem:$0x4850] =	vst v1  }
0x43: {  	[tilespmem:$0x48D0] =	vst v0  }
0x44: {  	v0 =	vld [tilespmem:s31+$0x60];
	_ =	sdelay $0x4  }
0x45: {  	v1 =	vand.u32 $0xFFFF, v0  }
0x46: {  	v0 =	vshrl.u32 v0, $0x10;
	[tilespmem:$0x4860] =	vst v1  }
0x47: {  	[tilespmem:$0x48E0] =	vst v0  }
0x48: {  	v0 =	vld [tilespmem:s31+$0x70];
	_ =	sdelay $0x4  }
0x49: {  	v1 =	vand.u32 $0xFFFF, v0  }
0x4a: {  	s19 =	simm.s32 $0x200;
	v0 =	vshrl.u32 v0, $0x10;
	[tilespmem:$0x4870] =	vst v1  }
.LBB2_3:
0x4b: {  	p1 =	seq.s32 s19, $0x11E00;
	[tilespmem:$0x48F0] =	vst v0;
	s20 =	smov.u32 s19;
	s19 =	sadd.s32 $0x200, s19  }
0x4c: {  	[tilespmem:s15], [sflag:$0x1] =	stream.indirect.gather [hbm4b:s4+s13], $0x80, s14, s13, $0xb8;
	[tilespmem:$0x1C500] =	vst v63  }
0x4d: {  	_ =	swait.ge [sflag:s16], $0x4000  }
0x4e: {  	[sflag:s16] =	ssyncset.done $0x0  }
0x4f: {  	[sflag:s16] =	ssyncadd.s32 $0xFFFFC000  }
0x50: {  	[spmem:s2] =	stream.indirect.scatter.add.f32 [tilespmem:s15], [sflag:$0x2], $0x80, s17, s13, $0xb8;
	[tilespmem:$0x1C500] =	vst v63  }
0x51: {  	_ =	swait.ge [sflag:s18], $0x4000  }
0x52: {  	[sflag:s18] =	ssyncset.done $0x0  }
0x53: {  	s20 =	sshra.s32 s20, $0x2;
	[sflag:s18] =	ssyncadd.s32 $0xFFFFC000  }
0x54: {  	v0 =	vld [tilespmem:s20+$0x0];
	_ =	sdelay $0x4  }
0x55: {  	v1 =	vand.u32 $0xFFFF, v0;
	v0 =	vshrl.u32 v0, $0x10  }
0x56: {  	[tilespmem:$0x4800] =	vst v1  }
0x57: {  	[tilespmem:$0x4880] =	vst v0  }
0x58: {  	v0 =	vld [tilespmem:s20+$0x10];
	_ =	sdelay $0x4  }
0x59: {  	v1 =	vand.u32 $0xFFFF, v0;
	v0 =	vshrl.u32 v0, $0x10  }
0x5a: {  	[tilespmem:$0x4810] =	vst v1  }
0x5b: {  	[tilespmem:$0x4890] =	vst v0  }
0x5c: {  	v0 =	vld [tilespmem:s20+$0x20];
	_ =	sdelay $0x4  }
0x5d: {  	v1 =	vand.u32 $0xFFFF, v0;
	v0 =	vshrl.u32 v0, $0x10  }
0x5e: {  	[tilespmem:$0x4820] =	vst v1  }
0x5f: {  	[tilespmem:$0x48A0] =	vst v0  }
0x60: {  	v0 =	vld [tilespmem:s20+$0x30];
	_ =	sdelay $0x4  }
0x61: {  	v1 =	vand.u32 $0xFFFF, v0;
	v0 =	vshrl.u32 v0, $0x10  }
0x62: {  	[tilespmem:$0x4830] =	vst v1  }
0x63: {  	[tilespmem:$0x48B0] =	vst v0  }
0x64: {  	v0 =	vld [tilespmem:s20+$0x40];
	_ =	sdelay $0x4  }
0x65: {  	v1 =	vand.u32 $0xFFFF, v0;
	v0 =	vshrl.u32 v0, $0x10  }
0x66: {  	[tilespmem:$0x4840] =	vst v1  }
0x67: {  	[tilespmem:$0x48C0] =	vst v0  }
0x68: {  	v0 =	vld [tilespmem:s20+$0x50];
	_ =	sdelay $0x4  }
0x69: {  	v1 =	vand.u32 $0xFFFF, v0;
	v0 =	vshrl.u32 v0, $0x10  }
0x6a: {  	[tilespmem:$0x4850] =	vst v1  }
0x6b: {  	[tilespmem:$0x48D0] =	vst v0  }
0x6c: {  	v0 =	vld [tilespmem:s20+$0x60];
	_ =	sdelay $0x4  }
0x6d: {  	v1 =	vand.u32 $0xFFFF, v0;
	v0 =	vshrl.u32 v0, $0x10  }
0x6e: {  	[tilespmem:$0x4860] =	vst v1  }
0x6f: {  	[tilespmem:$0x48E0] =	vst v0  }
0x70: {  	v0 =	vld [tilespmem:s20+$0x70];
	_ =	sdelay $0x1  }
.Ltmp3:
0x71: {  	(pc) =	sbr.rel @!p1 .LBB2_3-.Ltmp3, $3  }
0x72: {  	_ =	sdelay $0x1  }
0x73: {  	v1 =	vand.u32 $0xFFFF, v0;
	v0 =	vshrl.u32 v0, $0x10  }
0x74: {  	[tilespmem:$0x4870] =	vst v1  }
0x75: {  	[tilespmem:$0x48F0] =	vst v0  }
0x76: {  	[tilespmem:s15], [sflag:$0x1] =	stream.indirect.gather [hbm4b:s4+s13], $0x80, s14, s13, $0xb8;
	[tilespmem:$0x1C500] =	vst v63  }
0x77: {  	_ =	swait.ge [sflag:s16], $0x4000  }
0x78: {  	[sflag:s16] =	ssyncset.done $0x0  }
.Ltmp4:
0x79: {  	[sflag:s16] =	ssyncadd.s32 $0xFFFFC000;
	(pc) =	sbr.rel .LBB2_8-.Ltmp4, $4  }
0x7a: {  	[spmem:s2] =	stream.indirect.scatter.add.f32 [tilespmem:s15], [sflag:$0x2], $0x80, s17, s13, $0xb8;
	[tilespmem:$0x1C500] =	vst v63  }
0x7b: {  	_ =	swait.ge [sflag:s18], $0x4000  }
0x7c: {  	[sflag:s18] =	ssyncset.done $0x0  }
0x7d: {  	[sflag:s18] =	ssyncadd.s32 $0xFFFFC000  }
.LBB2_5:
0x7e: {  	[tilespmem:s19], [sflag:$0x3] =	stream.linear.gather [hbm4b:s7+s19], $0x800, $0x38;
	[tilespmem:$0x1C500] =	vst v63  }
0x7f: {  	_ =	swait.ge [sflag:s12], $0x800  }
0x80: {  	[sflag:s12] =	ssyncset.done $0x0  }
0x81: {  	[sflag:s12] =	ssyncadd.s32 $0xFFFFF800  }
0x82: {  	s31 =	simm.s32 $0x0;
	[bflag:$0x0] =	sbarrier.arrive $0xFFFF  }
0x83: {  	v0 =	vld [tilespmem:s31+$0x0];
	_ =	sdelay $0x4  }
0x84: {  	v1 =	vand.u32 $0xFFFF, v0  }
0x85: {  	v0 =	vshrl.u32 v0, $0x10;
	[tilespmem:$0x4800] =	vst v1  }
0x86: {  	[tilespmem:$0x4880] =	vst v0  }
0x87: {  	v0 =	vld [tilespmem:s31+$0x10];
	_ =	sdelay $0x4  }
0x88: {  	v1 =	vand.u32 $0xFFFF, v0  }
0x89: {  	v0 =	vshrl.u32 v0, $0x10;
	[tilespmem:$0x4810] =	vst v1  }
0x8a: {  	[tilespmem:$0x4890] =	vst v0  }
0x8b: {  	v0 =	vld [tilespmem:s31+$0x20];
	_ =	sdelay $0x4  }
0x8c: {  	v1 =	vand.u32 $0xFFFF, v0  }
0x8d: {  	v0 =	vshrl.u32 v0, $0x10;
	[tilespmem:$0x4820] =	vst v1  }
0x8e: {  	[tilespmem:$0x48A0] =	vst v0  }
0x8f: {  	v0 =	vld [tilespmem:s31+$0x30];
	_ =	sdelay $0x4  }
0x90: {  	v1 =	vand.u32 $0xFFFF, v0  }
0x91: {  	v0 =	vshrl.u32 v0, $0x10;
	[tilespmem:$0x4830] =	vst v1  }
0x92: {  	[tilespmem:$0x48B0] =	vst v0  }
0x93: {  	v0 =	vld [tilespmem:s31+$0x40];
	_ =	sdelay $0x4  }
0x94: {  	v1 =	vand.u32 $0xFFFF, v0  }
0x95: {  	v0 =	vshrl.u32 v0, $0x10;
	[tilespmem:$0x4840] =	vst v1  }
0x96: {  	[tilespmem:$0x48C0] =	vst v0  }
0x97: {  	v0 =	vld [tilespmem:s31+$0x50];
	_ =	sdelay $0x4  }
0x98: {  	v1 =	vand.u32 $0xFFFF, v0  }
0x99: {  	v0 =	vshrl.u32 v0, $0x10;
	[tilespmem:$0x4850] =	vst v1  }
0x9a: {  	[tilespmem:$0x48D0] =	vst v0  }
0x9b: {  	v0 =	vld [tilespmem:s31+$0x60];
	_ =	sdelay $0x4  }
0x9c: {  	v1 =	vand.u32 $0xFFFF, v0  }
0x9d: {  	v0 =	vshrl.u32 v0, $0x10;
	[tilespmem:$0x4860] =	vst v1  }
0x9e: {  	[tilespmem:$0x48E0] =	vst v0  }
0x9f: {  	v0 =	vld [tilespmem:s31+$0x70];
	_ =	sdelay $0x4  }
0xa0: {  	v1 =	vand.u32 $0xFFFF, v0  }
0xa1: {  	s19 =	simm.s32 $0x200;
	v0 =	vshrl.u32 v0, $0x10;
	[tilespmem:$0x4870] =	vst v1  }
.LBB2_6:
0xa2: {  	p1 =	sne.s32 s19, $0x1E00;
	[tilespmem:$0x48F0] =	vst v0;
	s20 =	smov.u32 s19;
	s19 =	sadd.s32 $0x200, s19  }
0xa3: {  	[tilespmem:s15], [sflag:$0x1] =	stream.indirect.gather [hbm4b:s4+s13], $0x80, s14, s13, $0xb8;
	[tilespmem:$0x1C500] =	vst v63  }
0xa4: {  	_ =	swait.ge [sflag:s16], $0x4000  }
0xa5: {  	[sflag:s16] =	ssyncset.done $0x0  }
0xa6: {  	[sflag:s16] =	ssyncadd.s32 $0xFFFFC000  }
0xa7: {  	[spmem:s2] =	stream.indirect.scatter.add.f32 [tilespmem:s15], [sflag:$0x2], $0x80, s17, s13, $0xb8;
	[tilespmem:$0x1C500] =	vst v63  }
0xa8: {  	_ =	swait.ge [sflag:s18], $0x4000  }
0xa9: {  	[sflag:s18] =	ssyncset.done $0x0  }
0xaa: {  	s20 =	sshra.s32 s20, $0x2;
	[sflag:s18] =	ssyncadd.s32 $0xFFFFC000  }
0xab: {  	v0 =	vld [tilespmem:s20+$0x0];
	_ =	sdelay $0x4  }
0xac: {  	v1 =	vand.u32 $0xFFFF, v0;
	v0 =	vshrl.u32 v0, $0x10  }
0xad: {  	[tilespmem:$0x4800] =	vst v1  }
0xae: {  	[tilespmem:$0x4880] =	vst v0  }
0xaf: {  	v0 =	vld [tilespmem:s20+$0x10];
	_ =	sdelay $0x4  }
0xb0: {  	v1 =	vand.u32 $0xFFFF, v0;
	v0 =	vshrl.u32 v0, $0x10  }
0xb1: {  	[tilespmem:$0x4810] =	vst v1  }
0xb2: {  	[tilespmem:$0x4890] =	vst v0  }
0xb3: {  	v0 =	vld [tilespmem:s20+$0x20];
	_ =	sdelay $0x4  }
0xb4: {  	v1 =	vand.u32 $0xFFFF, v0;
	v0 =	vshrl.u32 v0, $0x10  }
0xb5: {  	[tilespmem:$0x4820] =	vst v1  }
0xb6: {  	[tilespmem:$0x48A0] =	vst v0  }
0xb7: {  	v0 =	vld [tilespmem:s20+$0x30];
	_ =	sdelay $0x4  }
0xb8: {  	v1 =	vand.u32 $0xFFFF, v0;
	v0 =	vshrl.u32 v0, $0x10  }
0xb9: {  	[tilespmem:$0x4830] =	vst v1  }
0xba: {  	[tilespmem:$0x48B0] =	vst v0  }
0xbb: {  	v0 =	vld [tilespmem:s20+$0x40];
	_ =	sdelay $0x4  }
0xbc: {  	v1 =	vand.u32 $0xFFFF, v0;
	v0 =	vshrl.u32 v0, $0x10  }
0xbd: {  	[tilespmem:$0x4840] =	vst v1  }
0xbe: {  	[tilespmem:$0x48C0] =	vst v0  }
0xbf: {  	v0 =	vld [tilespmem:s20+$0x50];
	_ =	sdelay $0x4  }
0xc0: {  	v1 =	vand.u32 $0xFFFF, v0;
	v0 =	vshrl.u32 v0, $0x10  }
0xc1: {  	[tilespmem:$0x4850] =	vst v1  }
0xc2: {  	[tilespmem:$0x48D0] =	vst v0  }
0xc3: {  	v0 =	vld [tilespmem:s20+$0x60];
	_ =	sdelay $0x4  }
0xc4: {  	v1 =	vand.u32 $0xFFFF, v0;
	v0 =	vshrl.u32 v0, $0x10  }
0xc5: {  	[tilespmem:$0x4860] =	vst v1  }
0xc6: {  	[tilespmem:$0x48E0] =	vst v0  }
0xc7: {  	v0 =	vld [tilespmem:s20+$0x70];
	_ =	sdelay $0x1  }
.Ltmp5:
0xc8: {  	(pc) =	sbr.rel @p1 .LBB2_6-.Ltmp5, $3  }
0xc9: {  	_ =	sdelay $0x1  }
0xca: {  	v1 =	vand.u32 $0xFFFF, v0;
	v0 =	vshrl.u32 v0, $0x10  }
0xcb: {  	[tilespmem:$0x4870] =	vst v1  }
.Ltmp6:
0xcc: {  	_ = 	snop;
	(pc) =	sbr.rel .LBB2_7-.Ltmp6, $1  }
0xcd: {  	_ =	sdelay $0x3  }
.LBB2_9:
0xce: {  	_ =	sfence.sel $0x180000  }
0xcf: {  	[bflag:$0x0] =	sbarrier.arrive $0xFFFF  }
0xd0: {  	p0 =	sne.s32 s1, $0x0;
	_ =	strace $0x9000004D  }
0xd1: {  	s0 =	sadd.s32 @!p0 $0x100000, s0;
	[bflag:$0x2] =	sbarrier.arrive $0xFFFF  }
0xd2: {  	[sflag:s0] =	ssyncadd.tile.s32 @!p0 $0x1;
	_ =	shalt  }
.Lfunc_end2:
_tile_overlayer_lowered:
.L_overlay_start_2:
0xd3: {  	(tag) =	ssettag $0x2  }
0xd4: {  	s0 =	rddreg [dreg:$0x0];
	s2 =	stileid.u32  }
0xd5: {  	s1 =	rddreg [dreg:$0x1];
	p0 =	sne.s32 s2, $0x0  }
0xd6: {  	s3 =	rddreg [dreg:$0x2];
	[bflag:$0x3] =	sbarrier.arrive $0xFFFF;
	s2 =	simm.s32 @!p0 $0x1C03  }
0xd7: {  	[timem:s3], [sflag:s2] =	dma.local @!p0 [hbm:s0], s1  }
0xd8: {  	s0 =	simm.s32 @!p0 $0x3  }
0xd9: {  	_ =	swait.ge @!p0 [sflag:s0], s1  }
0xda: {  	s1 =	ssub.s32 @!p0 $0x0, s1;
	[sflag:s0] =	ssyncset.done @!p0 $0x0  }
0xdb: {  	[sflag:s0] =	ssyncadd.s32 @!p0 s1  }
0xdc: {  	[bflag:$0x3] =	sbarrier.arrive $0xFFFF  }
0xdd: {  	_ =	shalt  }

// kernel: kernel.9.cloned.1.call-start
scs
__scs_entry_jumppad:
0x0: {  	(pc) =	sbr.rel $0x88, $3  }
0x1: {  	(tag) =	ssettag $0x0;
	lr =	simm.s32 $0x1  }
0x2: {  	[smem:$0x3F8E] =	sst lr;
	_ =	strace $0xD0000000  }
0x3: {  	_ = 	snop  }
0x4: {  	_ = 	snop  }
0x5: {  	_ = 	snop  }
0x6: {  	_ = 	snop  }
0x7: {  	_ = 	snop  }
__scs_overlays_trampoline_lowered:
0x8: {  	[smem:$0x3F9D] =	sst s0  }
0x9: {  	[smem:$0x3F9E] =	sst s1  }
0xa: {  	[smem:$0x3F9F] =	sst s2  }
0xb: {  	[smem:$0x3FA0] =	sst s3  }
0xc: {  	[smem:$0x3FA1] =	sst s4  }
0xd: {  	[smem:$0x3FA2] =	sst s5  }
0xe: {  	[smem:$0x3FA3] =	sst s6  }
0xf: {  	[smem:$0x3FA4] =	sst s7  }
0x10: {  	[smem:$0x3FA5] =	sst s8  }
0x11: {  	[smem:$0x3FA6] =	sst s9;
	s0 =	simm.s32 @!p0 $0x0  }
0x12: {  	s1 =	sld [smem:$0x3F8C];
	s0 =	simm.s32 @p0 $0x1  }
0x13: {  	[smem:$0x3FA7] =	sst s0;
	s0 =	simm.s32 @!p1 $0x0  }
0x14: {  	s2 =	sld [smem:$0x3F8B];
	s0 =	simm.s32 @p1 $0x1  }
0x15: {  	[smem:$0x3FA8] =	sst s0;
	s0 =	simm.s32 @!p2 $0x0  }
0x16: {  	s3 =	sld [smem:$0x3FDB];
	s0 =	simm.s32 @p2 $0x1  }
0x17: {  	s4 =	simm.s32 $0x1BF5;
	[smem:$0x3FAA] =	sst s0  }
0x18: {  	s0 =	sld [smem:$0x3F8D];
	_ =	swait.ge [sflag:s4], $0x0  }
0x19: {  	s7 =	sld [smem:$0x3F8E]  }
0x1a: {  	s8 =	sadd.s32 $0xFFFFE003, lr  }
0x1b: {  	s9 =	sadd.s32 $0xFFFFFEF7, lr;
	s5 =	simm.s32 $0xFFFFFFFF;
	p2 =	slt.u32 s8, $0xFFFFF086  }
0x1c: {  	p1 =	slt.u32 s9, $0xF7A;
	s5 =	simm.s32 @!p2 $0x0  }
0x1d: {  	s5 =	simm.s32 @p1 $0x1;
	p0 =	seq.s32 s7, s2  }
0x1e: {  	s7 =	smul.u32 @!p0 $0xF7A, s2;
	p2 =	seq.s32 @!p0 s5, $0x0  }
0x1f: {  	s9 =	smul.u32 $0xF7A, s1;
	s8 =	simm.s32 @!p0 $0x1BF5;
	p2 =	por !p2, p0  }
0x20: {  	[sflag:s8] =	ssyncset.s32 @!p0 $0xFFFFF086;
	s6 =	sadd.s32 @!p0 s3, s7;
	s7 =	simm.s32 @!p0 $0x108  }
0x21: {  	s3 =	sadd.s32 s3, s9;
	s6 =	sadd.s32 @!p0 $0x88, s6;
	s7 =	simm.s32 @p2 $0x1082  }
0x22: {  	[simem:s7], [sflag:s8] =	dma.local @!p0 [hbm:s6], $0xF7A  }
0x23: {  	s9 =	sor.u32 $0xD0000000, s2;
	s6 =	simm.s32 $0x108;
	_ =	swait.ge @!p0 [sflag:s8], $0x0  }
0x24: {  	s3 =	sadd.s32 $0x88, s3;
	s6 =	simm.s32 @!p1 $0x1082;
	[sflag:s4] =	ssyncset.s32 $0xFFFFF086  }
0x25: {  	[simem:s6], [sflag:s4] =	dma.local [hbm:s3], $0xF7A  }
0x26: {  	[smem:$0x3F8E] =	sst s1;
	(tag) =	ssettag s2;
	_ =	strace s9  }
0x27: {  	s1 =	sld [smem:$0x3F9E]  }
0x28: {  	s2 =	sld [smem:$0x3F9F]  }
0x29: {  	s4 =	sld [smem:$0x3FA1]  }
0x2a: {  	p0 =	seq.s32 s5, $0x0;
	s5 =	sld [smem:$0x3FA2]  }
0x2b: {  	s6 =	sld [smem:$0x3FA3]  }
0x2c: {  	s7 =	sld [smem:$0x3FA4]  }
0x2d: {  	s3 =	simm.s32 $0x108;
	s8 =	sld [smem:$0x3FA5]  }
0x2e: {  	s3 =	simm.s32 @!p0 $0x1082;
	s9 =	sld [smem:$0x3FA6]  }
0x2f: {  	lr =	sadd.s32 s0, s3;
	s0 =	sld [smem:$0x3F9D]  }
0x30: {  	s3 =	sld [smem:$0x3FA0]  }
0x31: {  	[smem:$0x3FA9] =	sst s10  }
0x32: {  	s10 =	sld [smem:$0x3FA7];
	_ =	sdelay $0x3  }
0x33: {  	p0 =	seq.s32 s10, $0x1;
	s10 =	sld [smem:$0x3FA9];
	_ =	sdelay $0x3  }
0x34: {  	[smem:$0x3FA9] =	sst s10  }
0x35: {  	s10 =	sld [smem:$0x3FA8];
	_ =	sdelay $0x3  }
0x36: {  	p1 =	seq.s32 s10, $0x1;
	s10 =	sld [smem:$0x3FA9];
	_ =	sdelay $0x3  }
0x37: {  	[smem:$0x3FA9] =	sst s10  }
0x38: {  	s10 =	sld [smem:$0x3FAA]  }
0x39: {  	_ = 	snop;
	(pc) =	sbr.ind lr, $3  }
0x3a: {  	_ = 	snop  }
0x3b: {  	_ = 	snop  }
0x3c: {  	p2 =	seq.s32 s10, $0x1;
	s10 =	sld [smem:$0x3FA9]  }
0x3d: {  	_ =	shalt  }
0x3e: {  	_ =	shalt  }
0x3f: {  	_ =	shalt  }
0x40: {  	_ =	shalt  }
0x41: {  	_ =	shalt  }
0x42: {  	_ =	shalt  }
0x43: {  	_ =	shalt  }
0x44: {  	_ =	shalt  }
0x45: {  	_ =	shalt  }
0x46: {  	_ =	shalt  }
0x47: {  	_ =	shalt  }
0x48: {  	_ =	shalt  }
0x49: {  	_ =	shalt  }
0x4a: {  	_ =	shalt  }
0x4b: {  	_ =	shalt  }
0x4c: {  	_ =	shalt  }
0x4d: {  	_ =	shalt  }
0x4e: {  	_ =	shalt  }
0x4f: {  	_ =	shalt  }
0x50: {  	_ =	shalt  }
0x51: {  	_ =	shalt  }
0x52: {  	_ =	shalt  }
0x53: {  	_ =	shalt  }
0x54: {  	_ =	shalt  }
0x55: {  	_ =	shalt  }
0x56: {  	_ =	shalt  }
0x57: {  	_ =	shalt  }
0x58: {  	_ =	shalt  }
0x59: {  	_ =	shalt  }
0x5a: {  	_ =	shalt  }
0x5b: {  	_ =	shalt  }
0x5c: {  	_ =	shalt  }
0x5d: {  	_ =	shalt  }
0x5e: {  	_ =	shalt  }
0x5f: {  	_ =	shalt  }
0x60: {  	_ =	shalt  }
0x61: {  	_ =	shalt  }
0x62: {  	_ =	shalt  }
0x63: {  	_ =	shalt  }
0x64: {  	_ =	shalt  }
0x65: {  	_ =	shalt  }
0x66: {  	_ =	shalt  }
0x67: {  	_ =	shalt  }
0x68: {  	_ =	shalt  }
0x69: {  	_ =	shalt  }
0x6a: {  	_ =	shalt  }
0x6b: {  	_ =	shalt  }
0x6c: {  	_ =	shalt  }
0x6d: {  	_ =	shalt  }
0x6e: {  	_ =	shalt  }
0x6f: {  	_ =	shalt  }
0x70: {  	_ =	shalt  }
0x71: {  	_ =	shalt  }
0x72: {  	_ =	shalt  }
0x73: {  	_ =	shalt  }
0x74: {  	_ =	shalt  }
0x75: {  	_ =	shalt  }
0x76: {  	_ =	shalt  }
0x77: {  	_ =	shalt  }
0x78: {  	_ =	shalt  }
0x79: {  	_ =	shalt  }
0x7a: {  	_ =	shalt  }
0x7b: {  	_ =	shalt  }
0x7c: {  	_ =	shalt  }
0x7d: {  	_ =	shalt  }
0x7e: {  	_ =	shalt  }
0x7f: {  	_ =	shalt  }
0x80: {  	_ =	shalt  }
0x81: {  	_ =	shalt  }
0x82: {  	_ =	shalt  }
0x83: {  	_ =	shalt  }
0x84: {  	_ =	shalt  }
0x85: {  	_ =	shalt  }
0x86: {  	_ =	shalt  }
0x87: {  	_ =	shalt  }
.Lfunc_end0:
.L_simem_size_0:
called_computation_lowered:
.L_overlay_start_0:
0x88: {  	s2 =	sld [smem:$0x3FD9]  }
0x89: {  	s3 =	sld [smem:$0x3FFE];
	_ =	sdelay $0x1  }
0x8a: {  	s1 =	srdreg.scid  }
0x8b: {  	s0 =	sand.u32 $0x1, s1  }
0x8c: {  	s16 =	sshll.u32 s0, $0xA;
	s2 =	sadd.s32 s3, s2  }
0x8d: {  	s2 =	sadd.s32 s2, s16  }
0x8e: {  	[smem:$0x3FB5] =	sst s2  }
0x8f: {  	_ = 	snop  }
0x90: {  	(tm) =	ssettm $0x1  }
0x91: {  	s17 =	sld [smem:$0x3FFB];
	_ =	sdelay $0x3  }
0x92: {  	_ =	strace s17  }
0x93: {  	s2 =	sld [smem:$0x3FFC];
	_ =	sdelay $0x3  }
0x94: {  	_ =	strace s2  }
0x95: {  	s2 =	sld [smem:$0x3FFD];
	_ =	sdelay $0x3  }
0x96: {  	_ =	strace s2  }
0x97: {  	_ =	strace $0x8FFFFFFF  }
0x98: {  	s18 =	sld [smem:$0x3FDB];
	_ =	sdelay $0x1  }
0x99: {  	s19 =	simm.s32 $_scs_section_size  }
0x9a: {  	s4 =	simm.s32 $_size__tile_overlayer_lowered;
	s5 =	simm.s32 $_tile_overlayer_lowered  }
0x9b: {  	s22 =	simm.s32 $0x1BFF;
	s21 =	sshll.u32 s5, $0x1;
	s2 =	sadd.s32 s19, s18  }
0x9c: {  	s6 =	simm.s32 $0x0;
	s20 =	sshll.u32 s4, $0x1;
	s4 =	sadd.s32 s21, s2  }
0x9d: {  	[timem:s6], [sflag:s22] =	dma.local [hbm:s4], s20  }
0x9e: {  	_ =	swait.ge [sflag:s22], s20  }
0x9f: {  	s3 =	ssub.s32 $0x0, s20;
	[sflag:s22] =	ssyncset.done $0x0  }
0xa0: {  	[sflag:s22] =	ssyncadd.s32 s3;
	_ =	sdelay $0x1  }
0xa1: {  	s23 =	simm.s32 $0x1B8B  }
0xa2: {  	_ =	swait.ge [sflag:s23], $0x1  }
0xa3: {  	[sflag:s23] =	ssyncset.done $0x0  }
0xa4: {  	s25 =	simm.s32 $0x1B8E;
	s24 =	sld [smem:$0x3FFE];
	[sflag:s23] =	ssyncadd.s32 $0xFFFFFFFF  }
0xa5: {  	s26 =	simm.s32 $execute0_lowered;
	[smem:$0x3FD2] =	sst s25  }
0xa6: {  	s4 =	sshll.u32 s26, $0x1;
	_ =	strace $0x80000046;
	[dreg:$0x1] =	wrdreg $0xFFFFFFFF  }
0xa7: {  	s28 =	simm.s32 $_size_execute0_lowered;
	s2 =	sadd.s32 s2, s4;
	[dreg:$0x0] =	wrdreg $0x0  }
0xa8: {  	s4 =	sshll.u32 s28, $0x1;
	[dreg:$0x2] =	wrdreg s2  }
0xa9: {  	[dreg:$0x3] =	wrdreg s4  }
0xaa: {  	[dreg:$0x4] =	wrdreg $0xC0  }
0xab: {  	_ =	task [dreg:s6], $0x5FFFF  }
0xac: {  	[dreg:$0x1] =	wrdreg $0xFFFFFFFF  }
0xad: {  	[dreg:$0x0] =	wrdreg $0x60  }
0xae: {  	[dreg:$0x2] =	wrdreg s24  }
0xaf: {  	[dreg:$0x3] =	wrdreg $0x89000  }
0xb0: {  	[dreg:$0x4] =	wrdreg $0x9  }
0xb1: {  	_ =	task.clear_ibuf [dreg:s6], $0x5FFFF;
	_ =	strace $0x90000046  }
0xb2: {  	s29 =	simm.s32 $0x9;
	_ =	strace $0x80000048  }
0xb3: {  	_ =	swait.ge [sflag:s29], $0x1  }
0xb4: {  	[sflag:s29] =	ssyncadd.s32 $0xFFFFFFFF  }
0xb5: {  	_ =	strace $0x90000048  }
0xb6: {  	_ =	sfence  }
0xb7: {  	s30 =	sld [smem:$0x0];
	_ =	sdelay $0x2  }
0xb8: {  	s31 =	sshll.u32 s1, $0xD;
	s1 =	sshrl.u32 s1, $0x2  }
0xb9: {  	s3 =	sand.u32 $0x4000, s31;
	s1 =	sadd.s32 s1, s30  }
0xba: {  	s0 =	sor.u32 s3, s0;
	s1 =	sshll.u32 s1, $0x11  }
0xbb: {  	s0 =	sor.u32 s1, s0  }
0xbc: {  	s0 =	sadd.s32 $0x8F2B, s0  }
0xbd: {  	[sflag:s0] =	ssyncadd.remote.s32 $0x1  }
0xbe: {  	_ =	sfence.sel $0xFFFF  }
0xbf: {  	[dreg:$0x0] =	wrdreg $0xFFFFFFFF;
	(pc) =	sbr.abs _section_cstart, $3  }
0xc0: {  	[dreg:$0x1] =	wrdreg $0xFFFFFFFF  }
0xc1: {  	_ =	task.clear_ibuf [dreg:s6], $0x2FFFF;
	_ =	strace $0x9FFFFFFF  }
0xc2: {  	(tm) =	ssettm $0x7FFFFFFF  }
0xc3: {  	_ =	shalt  }
tec
execute0_lowered:
.L_overlay_start_1:
0x0: {  	(tag) =	ssettag $0x1  }
0x1: {  	s5 =	rddreg [dreg:$0x0]  }
0x2: {  	s2 =	rddreg [dreg:$0x1]  }
0x3: {  	s0 =	rddreg [dreg:$0x2]  }
0x4: {  	s1 =	stileid.u32;
	s4 =	srdreg.scid  }
0x5: {  	s3 =	simm.s32 $0x0;
	s15 =	simm.s32 $0x4900;
	s16 =	simm.s32 $0x1  }
0x6: {  	s17 =	simm.s32 $0x4880;
	s18 =	simm.s32 $0x2;
	s6 =	smul.u32 $0x13C00, s1  }
0x7: {  	s11 =	sand.u32 $0x1, s4;
	[smem:$0x7FF] =	sst s3;
	s25 =	smul.u32 $0x4F000, s1  }
0x8: {  	s4 =	sadd.s32 $0xDE00, s5;
	s8 =	sadd.s32 $0x3E00, s5;
	s14 =	smul.u32 $0x900, s1  }
0x9: {  	s29 =	sshll.u32 s1, $0x8;
	s30 =	sshll.u32 s1, $0x6;
	s7 =	smul.u32 $0x140000, s11  }
0xa: {  	_ =	strace $0x80000047;
	s10 =	ssub.s32 $0x2, s11;
	s31 =	sadd.s32 s29, s8  }
0xb: {  	p0 =	sne.s32 s11, $0x0;
	s9 =	sshrl.u32 s6, $0x3;
	s26 =	sshrl.u32 s10, $0x1  }
0xc: {  	s28 =	sshrl.u32 s25, $0x2;
	s8 =	sadd.s32 s8, s14;
	s14 =	simm.s32 $0x4800  }
.Ltmp0:
0xd: {  	s6 =	sadd.s32 s6, s7;
	s9 =	sadd.s32 s9, s5;
	(pc) =	sbr.rel .LBB2_1-.Ltmp0, $4  }
0xe: {  	s10 =	ssub.s32 s10, s26;
	s13 =	sadd.s32 s28, s2;
	s7 =	sadd.s32 $0x9000, s31  }
0xf: {  	s6 =	sshrl.u32 s6, $0x3;
	s10 =	smax.u32 s10, $0x1;
	s11 =	sshrl.u32 s13, $0x3  }
0x10: {  	s13 =	simm.s32 $0x80;
	s12 =	sadd.s32 s6, s5;
	s5 =	sadd.s32 $0x35E00, s9  }
0x11: {  	s6 =	sor.u32 $0x1C03, s30;
	s9 =	sadd.s32 $0x5DE00, s12;
	s12 =	simm.s32 $0x3  }
.LBB2_7:
0x12: {  	[tilespmem:$0x48F0] =	vst v0  }
0x13: {  	[tilespmem:s15], [sflag:$0x1] =	stream.indirect.gather [hbm4b:s4+s13], $0x80, s14, s13, $0xb8;
	[tilespmem:$0x1C500] =	vst v63  }
0x14: {  	_ =	swait.ge [sflag:s16], $0x4000  }
0x15: {  	[sflag:s16] =	ssyncset.done $0x0  }
0x16: {  	[sflag:s16] =	ssyncadd.s32 $0xFFFFC000  }
0x17: {  	[spmem:s2] =	stream.indirect.scatter.add.f32 [tilespmem:s15], [sflag:$0x2], $0x80, s17, s13, $0xb8;
	[tilespmem:$0x1C500] =	vst v63  }
0x18: {  	_ =	swait.ge [sflag:s18], $0x4000  }
0x19: {  	[sflag:s18] =	ssyncset.done $0x0  }
0x1a: {  	[sflag:s18] =	ssyncadd.s32 $0xFFFFC000  }
.LBB2_8:
0x1b: {  	s3 =	sadd.s32 $0x1, s3  }
0x1c: {  	p1 =	sne.s32 s3, s10  }
.Ltmp1:
0x1d: {  	[bflag:$0x0] =	sbarrier.arrive $0xFFFF;
	(pc) =	sbr.rel @!p1 .LBB2_9-.Ltmp1, $4  }
0x1e: {  	[hbm:s9], [sflag:s6] =	dma.local [spmem:s11], $0x2780  }
0x1f: {  	_ =	swait.ge [sflag:s12], $0x2780  }
0x20: {  	[sflag:s12] =	ssyncset.done $0x0  }
0x21: {  	[sflag:s12] =	ssyncadd.s32 $0xFFFFD880  }
.LBB2_1:
.Ltmp2:
0x22: {  	(pc) =	sbr.rel @p0 .LBB2_5-.Ltmp2, $4  }
0x23: {  	[spmem:s11], [sflag:s6] =	dma.local [hbm:s5], $0x2780  }
0x24: {  	_ =	swait.ge [sflag:s12], $0x2780  }
0x25: {  	[sflag:s12] =	ssyncset.done $0x0  }
0x26: {  	s19 =	simm.s32 $0x0;
	[sflag:s12] =	ssyncadd.s32 $0xFFFFD880  }
0x27: {  	[tilespmem:s19], [sflag:$0x3] =	stream.linear.gather [hbm4b:s8+s19], $0x4800, $0x38;
	[tilespmem:$0x1C500] =	vst v63  }
0x28: {  	_ =	swait.ge [sflag:s12], $0x4800  }
0x29: {  	[sflag:s12] =	ssyncset.done $0x0  }
0x2a: {  	[sflag:s12] =	ssyncadd.s32 $0xFFFFB800  }
0x2b: {  	s31 =	simm.s32 $0x0;
	[bflag:$0x0] =	sbarrier.arrive $0xFFFF  }
0x2c: {  	v0 =	vld [tilespmem:s31+$0x0];
	_ =	sdelay $0x4  }
0x2d: {  	v1 =	vand.u32 $0xFFFF, v0  }
0x2e: {  	v0 =	vshrl.u32 v0, $0x10;
	[tilespmem:$0x4800] =	vst v1  }
0x2f: {  	[tilespmem:$0x4880] =	vst v0  }
0x30: {  	v0 =	vld [tilespmem:s31+$0x10];
	_ =	sdelay $0x4  }
0x31: {  	v1 =	vand.u32 $0xFFFF, v0  }
0x32: {  	v0 =	vshrl.u32 v0, $0x10;
	[tilespmem:$0x4810] =	vst v1  }
0x33: {  	[tilespmem:$0x4890] =	vst v0  }
0x34: {  	v0 =	vld [tilespmem:s31+$0x20];
	_ =	sdelay $0x4  }
0x35: {  	v1 =	vand.u32 $0xFFFF, v0  }
0x36: {  	v0 =	vshrl.u32 v0, $0x10;
	[tilespmem:$0x4820] =	vst v1  }
0x37: {  	[tilespmem:$0x48A0] =	vst v0  }
0x38: {  	v0 =	vld [tilespmem:s31+$0x30];
	_ =	sdelay $0x4  }
0x39: {  	v1 =	vand.u32 $0xFFFF, v0  }
0x3a: {  	v0 =	vshrl.u32 v0, $0x10;
	[tilespmem:$0x4830] =	vst v1  }
0x3b: {  	[tilespmem:$0x48B0] =	vst v0  }
0x3c: {  	v0 =	vld [tilespmem:s31+$0x40];
	_ =	sdelay $0x4  }
0x3d: {  	v1 =	vand.u32 $0xFFFF, v0  }
0x3e: {  	v0 =	vshrl.u32 v0, $0x10;
	[tilespmem:$0x4840] =	vst v1  }
0x3f: {  	[tilespmem:$0x48C0] =	vst v0  }
0x40: {  	v0 =	vld [tilespmem:s31+$0x50];
	_ =	sdelay $0x4  }
0x41: {  	v1 =	vand.u32 $0xFFFF, v0  }
0x42: {  	v0 =	vshrl.u32 v0, $0x10;
	[tilespmem:$0x4850] =	vst v1  }
0x43: {  	[tilespmem:$0x48D0] =	vst v0  }
0x44: {  	v0 =	vld [tilespmem:s31+$0x60];
	_ =	sdelay $0x4  }
0x45: {  	v1 =	vand.u32 $0xFFFF, v0  }
0x46: {  	v0 =	vshrl.u32 v0, $0x10;
	[tilespmem:$0x4860] =	vst v1  }
0x47: {  	[tilespmem:$0x48E0] =	vst v0  }
0x48: {  	v0 =	vld [tilespmem:s31+$0x70];
	_ =	sdelay $0x4  }
0x49: {  	v1 =	vand.u32 $0xFFFF, v0  }
0x4a: {  	s19 =	simm.s32 $0x200;
	v0 =	vshrl.u32 v0, $0x10;
	[tilespmem:$0x4870] =	vst v1  }
.LBB2_3:
0x4b: {  	p1 =	seq.s32 s19, $0x11E00;
	[tilespmem:$0x48F0] =	vst v0;
	s20 =	smov.u32 s19;
	s19 =	sadd.s32 $0x200, s19  }
0x4c: {  	[tilespmem:s15], [sflag:$0x1] =	stream.indirect.gather [hbm4b:s4+s13], $0x80, s14, s13, $0xb8;
	[tilespmem:$0x1C500] =	vst v63  }
0x4d: {  	_ =	swait.ge [sflag:s16], $0x4000  }
0x4e: {  	[sflag:s16] =	ssyncset.done $0x0  }
0x4f: {  	[sflag:s16] =	ssyncadd.s32 $0xFFFFC000  }
0x50: {  	[spmem:s2] =	stream.indirect.scatter.add.f32 [tilespmem:s15], [sflag:$0x2], $0x80, s17, s13, $0xb8;
	[tilespmem:$0x1C500] =	vst v63  }
0x51: {  	_ =	swait.ge [sflag:s18], $0x4000  }
0x52: {  	[sflag:s18] =	ssyncset.done $0x0  }
0x53: {  	s20 =	sshra.s32 s20, $0x2;
	[sflag:s18] =	ssyncadd.s32 $0xFFFFC000  }
0x54: {  	v0 =	vld [tilespmem:s20+$0x0];
	_ =	sdelay $0x4  }
0x55: {  	v1 =	vand.u32 $0xFFFF, v0;
	v0 =	vshrl.u32 v0, $0x10  }
0x56: {  	[tilespmem:$0x4800] =	vst v1  }
0x57: {  	[tilespmem:$0x4880] =	vst v0  }
0x58: {  	v0 =	vld [tilespmem:s20+$0x10];
	_ =	sdelay $0x4  }
0x59: {  	v1 =	vand.u32 $0xFFFF, v0;
	v0 =	vshrl.u32 v0, $0x10  }
0x5a: {  	[tilespmem:$0x4810] =	vst v1  }
0x5b: {  	[tilespmem:$0x4890] =	vst v0  }
0x5c: {  	v0 =	vld [tilespmem:s20+$0x20];
	_ =	sdelay $0x4  }
0x5d: {  	v1 =	vand.u32 $0xFFFF, v0;
	v0 =	vshrl.u32 v0, $0x10  }
0x5e: {  	[tilespmem:$0x4820] =	vst v1  }
0x5f: {  	[tilespmem:$0x48A0] =	vst v0  }
0x60: {  	v0 =	vld [tilespmem:s20+$0x30];
	_ =	sdelay $0x4  }
0x61: {  	v1 =	vand.u32 $0xFFFF, v0;
	v0 =	vshrl.u32 v0, $0x10  }
0x62: {  	[tilespmem:$0x4830] =	vst v1  }
0x63: {  	[tilespmem:$0x48B0] =	vst v0  }
0x64: {  	v0 =	vld [tilespmem:s20+$0x40];
	_ =	sdelay $0x4  }
0x65: {  	v1 =	vand.u32 $0xFFFF, v0;
	v0 =	vshrl.u32 v0, $0x10  }
0x66: {  	[tilespmem:$0x4840] =	vst v1  }
0x67: {  	[tilespmem:$0x48C0] =	vst v0  }
0x68: {  	v0 =	vld [tilespmem:s20+$0x50];
	_ =	sdelay $0x4  }
0x69: {  	v1 =	vand.u32 $0xFFFF, v0;
	v0 =	vshrl.u32 v0, $0x10  }
0x6a: {  	[tilespmem:$0x4850] =	vst v1  }
0x6b: {  	[tilespmem:$0x48D0] =	vst v0  }
0x6c: {  	v0 =	vld [tilespmem:s20+$0x60];
	_ =	sdelay $0x4  }
0x6d: {  	v1 =	vand.u32 $0xFFFF, v0;
	v0 =	vshrl.u32 v0, $0x10  }
0x6e: {  	[tilespmem:$0x4860] =	vst v1  }
0x6f: {  	[tilespmem:$0x48E0] =	vst v0  }
0x70: {  	v0 =	vld [tilespmem:s20+$0x70];
	_ =	sdelay $0x1  }
.Ltmp3:
0x71: {  	(pc) =	sbr.rel @!p1 .LBB2_3-.Ltmp3, $3  }
0x72: {  	_ =	sdelay $0x1  }
0x73: {  	v1 =	vand.u32 $0xFFFF, v0;
	v0 =	vshrl.u32 v0, $0x10  }
0x74: {  	[tilespmem:$0x4870] =	vst v1  }
0x75: {  	[tilespmem:$0x48F0] =	vst v0  }
0x76: {  	[tilespmem:s15], [sflag:$0x1] =	stream.indirect.gather [hbm4b:s4+s13], $0x80, s14, s13, $0xb8;
	[tilespmem:$0x1C500] =	vst v63  }
0x77: {  	_ =	swait.ge [sflag:s16], $0x4000  }
0x78: {  	[sflag:s16] =	ssyncset.done $0x0  }
.Ltmp4:
0x79: {  	[sflag:s16] =	ssyncadd.s32 $0xFFFFC000;
	(pc) =	sbr.rel .LBB2_8-.Ltmp4, $4  }
0x7a: {  	[spmem:s2] =	stream.indirect.scatter.add.f32 [tilespmem:s15], [sflag:$0x2], $0x80, s17, s13, $0xb8;
	[tilespmem:$0x1C500] =	vst v63  }
0x7b: {  	_ =	swait.ge [sflag:s18], $0x4000  }
0x7c: {  	[sflag:s18] =	ssyncset.done $0x0  }
0x7d: {  	[sflag:s18] =	ssyncadd.s32 $0xFFFFC000  }
.LBB2_5:
0x7e: {  	[tilespmem:s19], [sflag:$0x3] =	stream.linear.gather [hbm4b:s7+s19], $0x800, $0x38;
	[tilespmem:$0x1C500] =	vst v63  }
0x7f: {  	_ =	swait.ge [sflag:s12], $0x800  }
0x80: {  	[sflag:s12] =	ssyncset.done $0x0  }
0x81: {  	[sflag:s12] =	ssyncadd.s32 $0xFFFFF800  }
0x82: {  	s31 =	simm.s32 $0x0;
	[bflag:$0x0] =	sbarrier.arrive $0xFFFF  }
0x83: {  	v0 =	vld [tilespmem:s31+$0x0];
	_ =	sdelay $0x4  }
0x84: {  	v1 =	vand.u32 $0xFFFF, v0  }
0x85: {  	v0 =	vshrl.u32 v0, $0x10;
	[tilespmem:$0x4800] =	vst v1  }
0x86: {  	[tilespmem:$0x4880] =	vst v0  }
0x87: {  	v0 =	vld [tilespmem:s31+$0x10];
	_ =	sdelay $0x4  }
0x88: {  	v1 =	vand.u32 $0xFFFF, v0  }
0x89: {  	v0 =	vshrl.u32 v0, $0x10;
	[tilespmem:$0x4810] =	vst v1  }
0x8a: {  	[tilespmem:$0x4890] =	vst v0  }
0x8b: {  	v0 =	vld [tilespmem:s31+$0x20];
	_ =	sdelay $0x4  }
0x8c: {  	v1 =	vand.u32 $0xFFFF, v0  }
0x8d: {  	v0 =	vshrl.u32 v0, $0x10;
	[tilespmem:$0x4820] =	vst v1  }
0x8e: {  	[tilespmem:$0x48A0] =	vst v0  }
0x8f: {  	v0 =	vld [tilespmem:s31+$0x30];
	_ =	sdelay $0x4  }
0x90: {  	v1 =	vand.u32 $0xFFFF, v0  }
0x91: {  	v0 =	vshrl.u32 v0, $0x10;
	[tilespmem:$0x4830] =	vst v1  }
0x92: {  	[tilespmem:$0x48B0] =	vst v0  }
0x93: {  	v0 =	vld [tilespmem:s31+$0x40];
	_ =	sdelay $0x4  }
0x94: {  	v1 =	vand.u32 $0xFFFF, v0  }
0x95: {  	v0 =	vshrl.u32 v0, $0x10;
	[tilespmem:$0x4840] =	vst v1  }
0x96: {  	[tilespmem:$0x48C0] =	vst v0  }
0x97: {  	v0 =	vld [tilespmem:s31+$0x50];
	_ =	sdelay $0x4  }
0x98: {  	v1 =	vand.u32 $0xFFFF, v0  }
0x99: {  	v0 =	vshrl.u32 v0, $0x10;
	[tilespmem:$0x4850] =	vst v1  }
0x9a: {  	[tilespmem:$0x48D0] =	vst v0  }
0x9b: {  	v0 =	vld [tilespmem:s31+$0x60];
	_ =	sdelay $0x4  }
0x9c: {  	v1 =	vand.u32 $0xFFFF, v0  }
0x9d: {  	v0 =	vshrl.u32 v0, $0x10;
	[tilespmem:$0x4860] =	vst v1  }
0x9e: {  	[tilespmem:$0x48E0] =	vst v0  }
0x9f: {  	v0 =	vld [tilespmem:s31+$0x70];
	_ =	sdelay $0x4  }
0xa0: {  	v1 =	vand.u32 $0xFFFF, v0  }
0xa1: {  	s19 =	simm.s32 $0x200;
	v0 =	vshrl.u32 v0, $0x10;
	[tilespmem:$0x4870] =	vst v1  }
.LBB2_6:
0xa2: {  	p1 =	sne.s32 s19, $0x1E00;
	[tilespmem:$0x48F0] =	vst v0;
	s20 =	smov.u32 s19;
	s19 =	sadd.s32 $0x200, s19  }
0xa3: {  	[tilespmem:s15], [sflag:$0x1] =	stream.indirect.gather [hbm4b:s4+s13], $0x80, s14, s13, $0xb8;
	[tilespmem:$0x1C500] =	vst v63  }
0xa4: {  	_ =	swait.ge [sflag:s16], $0x4000  }
0xa5: {  	[sflag:s16] =	ssyncset.done $0x0  }
0xa6: {  	[sflag:s16] =	ssyncadd.s32 $0xFFFFC000  }
0xa7: {  	[spmem:s2] =	stream.indirect.scatter.add.f32 [tilespmem:s15], [sflag:$0x2], $0x80, s17, s13, $0xb8;
	[tilespmem:$0x1C500] =	vst v63  }
0xa8: {  	_ =	swait.ge [sflag:s18], $0x4000  }
0xa9: {  	[sflag:s18] =	ssyncset.done $0x0  }
0xaa: {  	s20 =	sshra.s32 s20, $0x2;
	[sflag:s18] =	ssyncadd.s32 $0xFFFFC000  }
0xab: {  	v0 =	vld [tilespmem:s20+$0x0];
	_ =	sdelay $0x4  }
0xac: {  	v1 =	vand.u32 $0xFFFF, v0;
	v0 =	vshrl.u32 v0, $0x10  }
0xad: {  	[tilespmem:$0x4800] =	vst v1  }
0xae: {  	[tilespmem:$0x4880] =	vst v0  }
0xaf: {  	v0 =	vld [tilespmem:s20+$0x10];
	_ =	sdelay $0x4  }
0xb0: {  	v1 =	vand.u32 $0xFFFF, v0;
	v0 =	vshrl.u32 v0, $0x10  }
0xb1: {  	[tilespmem:$0x4810] =	vst v1  }
0xb2: {  	[tilespmem:$0x4890] =	vst v0  }
0xb3: {  	v0 =	vld [tilespmem:s20+$0x20];
	_ =	sdelay $0x4  }
0xb4: {  	v1 =	vand.u32 $0xFFFF, v0;
	v0 =	vshrl.u32 v0, $0x10  }
0xb5: {  	[tilespmem:$0x4820] =	vst v1  }
0xb6: {  	[tilespmem:$0x48A0] =	vst v0  }
0xb7: {  	v0 =	vld [tilespmem:s20+$0x30];
	_ =	sdelay $0x4  }
0xb8: {  	v1 =	vand.u32 $0xFFFF, v0;
	v0 =	vshrl.u32 v0, $0x10  }
0xb9: {  	[tilespmem:$0x4830] =	vst v1  }
0xba: {  	[tilespmem:$0x48B0] =	vst v0  }
0xbb: {  	v0 =	vld [tilespmem:s20+$0x40];
	_ =	sdelay $0x4  }
0xbc: {  	v1 =	vand.u32 $0xFFFF, v0;
	v0 =	vshrl.u32 v0, $0x10  }
0xbd: {  	[tilespmem:$0x4840] =	vst v1  }
0xbe: {  	[tilespmem:$0x48C0] =	vst v0  }
0xbf: {  	v0 =	vld [tilespmem:s20+$0x50];
	_ =	sdelay $0x4  }
0xc0: {  	v1 =	vand.u32 $0xFFFF, v0;
	v0 =	vshrl.u32 v0, $0x10  }
0xc1: {  	[tilespmem:$0x4850] =	vst v1  }
0xc2: {  	[tilespmem:$0x48D0] =	vst v0  }
0xc3: {  	v0 =	vld [tilespmem:s20+$0x60];
	_ =	sdelay $0x4  }
0xc4: {  	v1 =	vand.u32 $0xFFFF, v0;
	v0 =	vshrl.u32 v0, $0x10  }
0xc5: {  	[tilespmem:$0x4860] =	vst v1  }
0xc6: {  	[tilespmem:$0x48E0] =	vst v0  }
0xc7: {  	v0 =	vld [tilespmem:s20+$0x70];
	_ =	sdelay $0x1  }
.Ltmp5:
0xc8: {  	(pc) =	sbr.rel @p1 .LBB2_6-.Ltmp5, $3  }
0xc9: {  	_ =	sdelay $0x1  }
0xca: {  	v1 =	vand.u32 $0xFFFF, v0;
	v0 =	vshrl.u32 v0, $0x10  }
0xcb: {  	[tilespmem:$0x4870] =	vst v1  }
.Ltmp6:
0xcc: {  	_ = 	snop;
	(pc) =	sbr.rel .LBB2_7-.Ltmp6, $1  }
0xcd: {  	_ =	sdelay $0x3  }
.LBB2_9:
0xce: {  	_ =	sfence.sel $0x180000  }
0xcf: {  	[bflag:$0x0] =	sbarrier.arrive $0xFFFF  }
0xd0: {  	p0 =	sne.s32 s1, $0x0;
	_ =	strace $0x90000047  }
0xd1: {  	s0 =	sadd.s32 @!p0 $0x100000, s0;
	[bflag:$0x2] =	sbarrier.arrive $0xFFFF  }
0xd2: {  	[sflag:s0] =	ssyncadd.tile.s32 @!p0 $0x1;
	_ =	shalt  }
.Lfunc_end2:
_tile_overlayer_lowered:
.L_overlay_start_2:
0xd3: {  	(tag) =	ssettag $0x2  }
0xd4: {  	s0 =	rddreg [dreg:$0x0];
	s2 =	stileid.u32  }
0xd5: {  	s1 =	rddreg [dreg:$0x1];
	p0 =	sne.s32 s2, $0x0  }
0xd6: {  	s3 =	rddreg [dreg:$0x2];
	[bflag:$0x3] =	sbarrier.arrive $0xFFFF;
	s2 =	simm.s32 @!p0 $0x1C03  }
0xd7: {  	[timem:s3], [sflag:s2] =	dma.local @!p0 [hbm:s0], s1  }
0xd8: {  	s0 =	simm.s32 @!p0 $0x3  }
0xd9: {  	_ =	swait.ge @!p0 [sflag:s0], s1  }
0xda: {  	s1 =	ssub.s32 @!p0 $0x0, s1;
	[sflag:s0] =	ssyncset.done @!p0 $0x0  }
0xdb: {  	[sflag:s0] =	ssyncadd.s32 @!p0 s1  }
0xdc: {  	[bflag:$0x3] =	sbarrier.arrive $0xFFFF  }
0xdd: {  	_ =	shalt  }

</sc_bundles>
